<compile_context>
chip_gen: v7x
topology: tpu7x:2x2x1
jax: 0.10.2.dev20260603
libtpu: 0.0.44.dev20260713+nightly
codegen_flags: <defaults>
</compile_context>

<pallas_src>
import functools

import numpy as np
import jax
import jax.numpy as jnp
from jax import lax
from jax.experimental import pallas as pl
from jax.experimental.pallas import tpu as pltpu
from jax.experimental.pallas import tpu_sc as plsc

KH = KW = 3
H = Wd = 224
C = 96
NF = 96
NPTS = KH * KW
P = H * Wd
KC = NPTS * C

_NC, _NS = 2, 16
_NWORK = _NC * _NS
_BLK = 32
_NBLK = P // (_NWORK * _BLK)
_LG = C // 16

_INITIAL = np.stack(np.meshgrid(np.arange(KH), np.arange(KW),
                                indexing="ij")).reshape(-1, 2)


def _prep_body(off_ref, idx_ref, wts_ref):
    ri = lax.broadcasted_iota(jnp.int32, (H, Wd), 0).astype(jnp.float32)
    ci = lax.broadcasted_iota(jnp.int32, (H, Wd), 1).astype(jnp.float32)
    for k in range(NPTS):
        ky, kx = int(_INITIAL[k, 0]), int(_INITIAL[k, 1])
        y = jnp.clip(ri + float(ky - 1) + off_ref[2 * k], 0.0, float(H - 1))
        x = jnp.clip(ci + float(kx - 1) + off_ref[2 * k + 1], 0.0, float(Wd - 1))
        y0f = jnp.floor(y)
        x0f = jnp.floor(x)
        fy = y - y0f
        fx = x - x0f
        y0 = y0f.astype(jnp.int32)
        x0 = x0f.astype(jnp.int32)
        y1 = y0 + (fy > 0.0).astype(jnp.int32)
        x1 = x0 + (fx > 0.0).astype(jnp.int32)
        b0 = y0 * Wd
        b1 = y1 * Wd
        idx_ref[k, 0] = b0 + x0
        idx_ref[k, 1] = b1 + x0
        idx_ref[k, 2] = b0 + x1
        idx_ref[k, 3] = b1 + x1
        gy = 1.0 - fy
        gx = 1.0 - fx
        wts_ref[k, 0] = gy * gx
        wts_ref[k, 1] = fy * gx
        wts_ref[k, 2] = gy * fx
        wts_ref[k, 3] = fy * fx


def _prep(off_t):
    return pl.pallas_call(
        _prep_body,
        out_shape=(
            jax.ShapeDtypeStruct((NPTS, 4, H, Wd), jnp.int32),
            jax.ShapeDtypeStruct((NPTS, 4, H, Wd), jnp.float32),
        ),
    )(off_t)


def _splat16(vec, ids):
    return lax.gather(
        vec, ids[:, None],
        dimension_numbers=lax.GatherDimensionNumbers(
            offset_dims=(), collapsed_slice_dims=(0,), start_index_map=(0,)),
        slice_sizes=(1,),
        mode=lax.GatherScatterMode.PROMISE_IN_BOUNDS)


def _sc_body(x_hbm, idx_hbm, wts_hbm, map_hbm, idxv, wtsv, rows, mapv, sems):
    cid = lax.axis_index("c")
    sid = lax.axis_index("s")
    wid = sid * _NC + cid

    def fire(k, par):
        pltpu.async_copy(x_hbm.at[idxv.at[k]], rows.at[par], sems[par])

    def drain(par):
        pltpu.make_async_copy(x_hbm.at[idxv.at[0]],
                              rows.at[par], sems[par]).wait()

    def combine(k, par):
        col0 = k * C

        @plsc.parallel_loop(0, _BLK, 1, unroll=4)
        def _item(i):
            g16 = (i // 16) * 16
            lane = jnp.full((16,), i - g16, jnp.int32)
            ws = [_splat16(wtsv[k, pl.ds(cc * _BLK + g16, 16)], lane)
                  for cc in range(4)]
            for h in range(_LG):
                acc0 = ws[0] * rows[par, 0 * _BLK + i, pl.ds(h * 16, 16)]
                acc0 += ws[1] * rows[par, 1 * _BLK + i, pl.ds(h * 16, 16)]
                acc1 = ws[2] * rows[par, 2 * _BLK + i, pl.ds(h * 16, 16)]
                acc1 += ws[3] * rows[par, 3 * _BLK + i, pl.ds(h * 16, 16)]
                mapv[i, pl.ds(col0 + h * 16, 16)] = acc0 + acc1

    def block_body(j, carry):
        blk = wid * _NBLK + j
        base = blk * _BLK
        pltpu.sync_copy(idx_hbm.at[blk], idxv)
        pltpu.sync_copy(wts_hbm.at[blk], wtsv)
        fire(0, 0)

        def kk_body(kk, carry2):
            k0 = 2 * kk
            fire(k0 + 1, 1)
            drain(0)
            combine(k0, 0)
            fire(k0 + 2, 0)
            drain(1)
            combine(k0 + 1, 1)
            return carry2

        lax.fori_loop(0, (NPTS - 1) // 2, kk_body, 0)
        drain(0)
        combine(NPTS - 1, 0)
        pltpu.sync_copy(mapv, map_hbm.at[pl.ds(base, _BLK)])
        return carry

    lax.fori_loop(0, _NBLK, block_body, 0)


def _sc_gather(x2, idx, wts):
    mesh = plsc.VectorSubcoreMesh(core_axis_name="c", subcore_axis_name="s")
    fn = pl.kernel(
        _sc_body,
        out_type=jax.ShapeDtypeStruct((P, KC), jnp.float32),
        mesh=mesh,
        scratch_types=[
            pltpu.VMEM((NPTS, 4 * _BLK), jnp.int32),
            pltpu.VMEM((NPTS, 4 * _BLK), jnp.float32),
            pltpu.VMEM((2, 4 * _BLK, C), jnp.float32),
            pltpu.VMEM((_BLK, KC), jnp.float32),
            [pltpu.SemaphoreType.DMA, pltpu.SemaphoreType.DMA],
        ],
        compiler_params=pltpu.CompilerParams(use_tc_tiling_on_sc=False),
    )
    return fn(x2, idx, wts)


_BM = 512


def _mm_body(a_ref, w_ref, b_ref, o_ref):
    o_ref[...] = jnp.dot(a_ref[...], w_ref[...],
                         preferred_element_type=jnp.float32,
                         precision=lax.Precision.HIGHEST) + b_ref[...]


def _matmul(mapped, w2, b2):
    return pl.pallas_call(
        _mm_body,
        grid=(P // _BM,),
        in_specs=[
            pl.BlockSpec((_BM, KC), lambda i: (i, 0)),
            pl.BlockSpec((KC, NF), lambda i: (0, 0)),
            pl.BlockSpec((1, NF), lambda i: (0, 0)),
        ],
        out_specs=pl.BlockSpec((_BM, NF), lambda i: (i, 0)),
        out_shape=jax.ShapeDtypeStruct((P, NF), jnp.float32),
    )(mapped, w2, b2)


def _blockify(a):
    return (a.reshape(NPTS, 4, P // _BLK, _BLK)
             .transpose(2, 0, 1, 3)
             .reshape(P // _BLK, NPTS, 4 * _BLK))


def kernel(x, offset, W, b):
    off_t = offset.reshape(H, Wd, 2 * NPTS).transpose(2, 0, 1)
    idx4, wts4 = _prep(off_t)
    mapped = _sc_gather(x.reshape(P, C), _blockify(idx4), _blockify(wts4))
    out2 = _matmul(mapped, W.reshape(KC, NF), b.reshape(1, NF))
    return out2.reshape(1, H, Wd, NF)

# --- scband reference (transcript-rebuilt; emitter-appended) ---
"""Pipeline reference for scband-deformable-conv2d-30219389894746 (READ-ONLY COPY).

The authoritative reference and input builder live on the scoring server;
editing this copy changes nothing except your own understanding.
"""

import jax, jax.numpy as jnp
import numpy as np

KH, KW = 3, 3
B, H, Wd, C = 1, 224, 224, 96
NF = 96

def setup_inputs(seed: int = 0):
    key = jax.random.key(seed)
    k1, k2, k3 = jax.random.split(key, 3)
    x = jax.random.normal(k1, (B, H, Wd, C), dtype=jnp.float32)
    offset = jax.random.normal(k2, (B, H, Wd, 2 * KH * KW), dtype=jnp.float32)
    W = jax.random.normal(k3, (KH * KW, C, NF), dtype=jnp.float32) * 0.02
    b = jnp.zeros((NF,), dtype=jnp.float32)
    return {"x": x, "offset": offset, "W": W, "b": b}

def _batch_map_coordinates(inputs_bc, coords):
    # inputs_bc: (b*c, h, w); coords: (b*c, h, w, n, 2) float32
    bc, h, w = inputs_bc.shape
    n = coords.shape[3]
    coords_lt = jnp.floor(coords).astype(jnp.int32)
    coords_rb = jnp.ceil(coords).astype(jnp.int32)
    coords_lb = jnp.stack([coords_lt[..., 0], coords_rb[..., 1]], axis=-1)
    coords_rt = jnp.stack([coords_rb[..., 0], coords_lt[..., 1]], axis=-1)
    idx = jnp.repeat(jnp.arange(bc), h * w * n)
    def get_vals(c):
        y = c[..., 0].reshape(-1)
        xx = c[..., 1].reshape(-1)
        vals = inputs_bc[idx, y, xx]
        return vals.reshape(bc, h, w, n)
    vals_lt = get_vals(coords_lt)
    vals_rb = get_vals(coords_rb)
    vals_lb = get_vals(coords_lb)
    vals_rt = get_vals(coords_rt)
    off = coords - coords_lt.astype(jnp.float32)
    vals_t = vals_lt + (vals_rt - vals_lt) * off[..., 0]
    vals_b = vals_lb + (vals_rb - vals_lb) * off[..., 0]
    return vals_t + (vals_b - vals_t) * off[..., 1]

def reference(x, offset, W, b):
    n = KH * KW
    # initial kernel offsets, replicating tf.stack(tf.meshgrid(...)).reshape(-1, 2)
    initial = jnp.stack(jnp.meshgrid(jnp.arange(KH), jnp.arange(KW), indexing='ij'))
    initial = initial.reshape(-1, 2).astype(jnp.float32)  # (n, 2)
    gy = jnp.arange(-((KH - 1) // 2), H - ((KH - 1) // 2))
    gx = jnp.arange(-((KW - 1) // 2), Wd - ((KW - 1) // 2))
    grid = jnp.stack(jnp.meshgrid(gy, gx, indexing='ij'), axis=-1).astype(jnp.float32)  # (h, w, 2)
    grid_offset = grid[:, :, None, :] + initial[None, None, :, :]  # (h, w, n, 2)
    inputs_bc = jnp.transpose(x, (0, 3, 1, 2)).reshape(-1, H, Wd)  # (b*c, h, w)
    offs = offset.reshape(B, H, Wd, n, 2)
    coords = grid_offset[None] + offs  # (b, h, w, n, 2)
    coords = jnp.stack([
        jnp.clip(coords[..., 0], 0.0, float(H - 1)),
        jnp.clip(coords[..., 1], 0.0, float(Wd - 1))], axis=-1)
    coords = jnp.tile(coords, (C, 1, 1, 1, 1))  # (b*c, h, w, n, 2)
    mapped = _batch_map_coordinates(inputs_bc, coords)  # (b*c, h, w, n)
    mapped = mapped.reshape(B, C, H, Wd, n).transpose(0, 2, 3, 4, 1)  # (b, h, w, n, c)
    # equivalent of tf.nn.conv3d with 1x1xn filter (VALID) + bias, act = identity
    out = jnp.einsum('bhwnc,ncf->bhwf', mapped, W) + b
    return out

if __name__ == "__main__":
    import jax
    _d = setup_inputs()
    print(jax.jit(kernel)(*tuple(_d.values())))

</pallas_src>

<mosaic_0001>
#map = affine_map<(d0, d1) -> (0, 0)>
#map1 = affine_map<(d0, d1) -> (0, 0, 0)>
module attributes {stable_mosaic.version = 14 : i64} {
  func.func @_sc_body(%arg0: i32, %arg1: i32, %arg2: memref<50176x96xf32, #tpu.memory_space<hbm>>, %arg3: memref<1568x9x128xi32, #tpu.memory_space<hbm>>, %arg4: memref<1568x9x128xf32, #tpu.memory_space<hbm>>, %arg5: memref<50176x864xf32, #tpu.memory_space<hbm>>, %arg6: memref<9x128xi32, #tpu.memory_space<vmem>>, %arg7: memref<9x128xf32, #tpu.memory_space<vmem>>, %arg8: memref<2x128x96xf32, #tpu.memory_space<vmem>>, %arg9: memref<32x864xf32, #tpu.memory_space<vmem>>, %arg10: memref<!tpu.dma_semaphore, #tpu.memory_space<semaphore_mem>>, %arg11: memref<!tpu.dma_semaphore, #tpu.memory_space<semaphore_mem>>) attributes {dimension_semantics = [#tpu.dimension_semantics<core_parallel>, #tpu.dimension_semantics<subcore_parallel>], iteration_bounds = array<i64: 2, 16>, scalar_prefetch = 0 : i64, scratch_operands = 6 : i64, tpu.core_type = #tpu.core_type<sc_vector_subcore>, window_params = [{transform_indices = #map}, {transform_indices = #map1}, {transform_indices = #map1}, {transform_indices = #map}]} {
    %mul3A = arith.constant 2 : i32
    %mul3A_0 = arith.muli %arg1, %mul3A : i32
    %add3A = arith.addi %mul3A_0, %arg0 : i32
    %scan3A = arith.constant 0 : i32
    %scan3A_1 = arith.constant 0 : i32
    %scan3A_2 = arith.constant 49 : i32
    %scan3A_3 = arith.addi %scan3A_1, %scan3A_2 : i32
    %scan3A_4 = arith.constant 1 : i32
    scf.for %scan3A_6 = %scan3A_1 to %scan3A_3 step %scan3A_4  : i32 {
      %mul3A_7 = arith.constant 49 : i32
      %mul3A_8 = arith.muli %add3A, %mul3A_7 : i32
      %add3A_9 = arith.addi %mul3A_8, %scan3A_6 : i32
      %mul3A_10 = arith.constant 32 : i32
      %mul3A_11 = arith.muli %add3A_9, %mul3A_10 : i32
      "tpu.region"() ({
        %run_scoped3A = tpu.sem_alloc : memref<!tpu.dma_semaphore, #tpu.memory_space<semaphore_mem>>
        %dma_start3A_42 = arith.constant 0 : i32
        %dma_start3A_43 = arith.constant 0 : i32
        %dma_start3A_44 = tpu.memref_slice %arg3[%add3A_9, %dma_start3A_42, %dma_start3A_43] : memref<1568x9x128xi32, #tpu.memory_space<hbm>> -> memref<1x9x128xi32, #tpu.memory_space<hbm>>
        %dma_start3A_45 = tpu.memref_squeeze %dma_start3A_44 : memref<1x9x128xi32, #tpu.memory_space<hbm>> -> memref<9x128xi32, #tpu.memory_space<hbm>>
        %dma_start3A_46 = arith.constant 0 : i32
        %dma_start3A_47 = arith.constant 0 : i32
        %dma_start3A_48 = tpu.memref_slice %arg3[%add3A_9, %dma_start3A_46, %dma_start3A_47] : memref<1568x9x128xi32, #tpu.memory_space<hbm>> -> memref<1x9x128xi32, #tpu.memory_space<hbm>>
        %dma_start3A_49 = tpu.memref_squeeze %dma_start3A_48 : memref<1x9x128xi32, #tpu.memory_space<hbm>> -> memref<9x128xi32, #tpu.memory_space<hbm>>
        tpu.enqueue_dma source(%dma_start3A_49 : memref<9x128xi32, #tpu.memory_space<hbm>>) target(%arg6 : memref<9x128xi32, #tpu.memory_space<vmem>>) target_semaphore(%run_scoped3A : memref<!tpu.dma_semaphore, #tpu.memory_space<semaphore_mem>>)
        %dma_wait3A_50 = arith.constant 0 : i32
        %dma_wait3A_51 = arith.constant 0 : i32
        %dma_wait3A_52 = tpu.memref_slice %arg3[%add3A_9, %dma_wait3A_50, %dma_wait3A_51] : memref<1568x9x128xi32, #tpu.memory_space<hbm>> -> memref<1x9x128xi32, #tpu.memory_space<hbm>>
        %dma_wait3A_53 = tpu.memref_squeeze %dma_wait3A_52 : memref<1x9x128xi32, #tpu.memory_space<hbm>> -> memref<9x128xi32, #tpu.memory_space<hbm>>
        %dma_wait3A_54 = arith.constant 0 : i32
        %dma_wait3A_55 = arith.constant 0 : i32
        %dma_wait3A_56 = tpu.memref_slice %arg3[%add3A_9, %dma_wait3A_54, %dma_wait3A_55] : memref<1568x9x128xi32, #tpu.memory_space<hbm>> -> memref<1x9x128xi32, #tpu.memory_space<hbm>>
        %dma_wait3A_57 = tpu.memref_squeeze %dma_wait3A_56 : memref<1x9x128xi32, #tpu.memory_space<hbm>> -> memref<9x128xi32, #tpu.memory_space<hbm>>
        tpu.wait_dma2 semaphore(%run_scoped3A : memref<!tpu.dma_semaphore, #tpu.memory_space<semaphore_mem>>) src(%dma_wait3A_57 : memref<9x128xi32, #tpu.memory_space<hbm>>) dst(%arg6 : memref<9x128xi32, #tpu.memory_space<vmem>>)
        tpu.yield
      }) : () -> ()
      "tpu.region"() ({
        %run_scoped3A = tpu.sem_alloc : memref<!tpu.dma_semaphore, #tpu.memory_space<semaphore_mem>>
        %dma_start3A_42 = arith.constant 0 : i32
        %dma_start3A_43 = arith.constant 0 : i32
        %dma_start3A_44 = tpu.memref_slice %arg4[%add3A_9, %dma_start3A_42, %dma_start3A_43] : memref<1568x9x128xf32, #tpu.memory_space<hbm>> -> memref<1x9x128xf32, #tpu.memory_space<hbm>>
        %dma_start3A_45 = tpu.memref_squeeze %dma_start3A_44 : memref<1x9x128xf32, #tpu.memory_space<hbm>> -> memref<9x128xf32, #tpu.memory_space<hbm>>
        %dma_start3A_46 = arith.constant 0 : i32
        %dma_start3A_47 = arith.constant 0 : i32
        %dma_start3A_48 = tpu.memref_slice %arg4[%add3A_9, %dma_start3A_46, %dma_start3A_47] : memref<1568x9x128xf32, #tpu.memory_space<hbm>> -> memref<1x9x128xf32, #tpu.memory_space<hbm>>
        %dma_start3A_49 = tpu.memref_squeeze %dma_start3A_48 : memref<1x9x128xf32, #tpu.memory_space<hbm>> -> memref<9x128xf32, #tpu.memory_space<hbm>>
        tpu.enqueue_dma source(%dma_start3A_49 : memref<9x128xf32, #tpu.memory_space<hbm>>) target(%arg7 : memref<9x128xf32, #tpu.memory_space<vmem>>) target_semaphore(%run_scoped3A : memref<!tpu.dma_semaphore, #tpu.memory_space<semaphore_mem>>)
        %dma_wait3A_50 = arith.constant 0 : i32
        %dma_wait3A_51 = arith.constant 0 : i32
        %dma_wait3A_52 = tpu.memref_slice %arg4[%add3A_9, %dma_wait3A_50, %dma_wait3A_51] : memref<1568x9x128xf32, #tpu.memory_space<hbm>> -> memref<1x9x128xf32, #tpu.memory_space<hbm>>
        %dma_wait3A_53 = tpu.memref_squeeze %dma_wait3A_52 : memref<1x9x128xf32, #tpu.memory_space<hbm>> -> memref<9x128xf32, #tpu.memory_space<hbm>>
        %dma_wait3A_54 = arith.constant 0 : i32
        %dma_wait3A_55 = arith.constant 0 : i32
        %dma_wait3A_56 = tpu.memref_slice %arg4[%add3A_9, %dma_wait3A_54, %dma_wait3A_55] : memref<1568x9x128xf32, #tpu.memory_space<hbm>> -> memref<1x9x128xf32, #tpu.memory_space<hbm>>
        %dma_wait3A_57 = tpu.memref_squeeze %dma_wait3A_56 : memref<1x9x128xf32, #tpu.memory_space<hbm>> -> memref<9x128xf32, #tpu.memory_space<hbm>>
        tpu.wait_dma2 semaphore(%run_scoped3A : memref<!tpu.dma_semaphore, #tpu.memory_space<semaphore_mem>>) src(%dma_wait3A_57 : memref<9x128xf32, #tpu.memory_space<hbm>>) dst(%arg7 : memref<9x128xf32, #tpu.memory_space<vmem>>)
        tpu.yield
      }) : () -> ()
      %dma_start3A = arith.constant 0 : i32
      %dma_start3A_12 = arith.constant 0 : i32
      %dma_start3A_13 = arith.constant 0 : i32
      %dma_start3A_14 = arith.constant 0 : i32
      %dma_start3A_15 = tpu.memref_slice %arg8[%dma_start3A_12, %dma_start3A_13, %dma_start3A_14] : memref<2x128x96xf32, #tpu.memory_space<vmem>> -> memref<1x128x96xf32, #tpu.memory_space<vmem>>
      %dma_start3A_16 = tpu.memref_squeeze %dma_start3A_15 : memref<1x128x96xf32, #tpu.memory_space<vmem>> -> memref<128x96xf32, #tpu.memory_space<vmem>>
      %dma_start3A_17 = arith.constant 0 : i32
      %dma_start3A_18 = tpu.memref_slice %arg6[%dma_start3A, %dma_start3A_17] : memref<9x128xi32, #tpu.memory_space<vmem>> -> memref<1x128xi32, #tpu.memory_space<vmem>>
      %dma_start3A_19 = tpu.memref_squeeze %dma_start3A_18 : memref<1x128xi32, #tpu.memory_space<vmem>> -> memref<128xi32, #tpu.memory_space<vmem>>
      %dma_start3A_20 = arith.constant 0 : i32
      %dma_start3A_21 = arith.constant 0 : i32
      %dma_start3A_22 = tpu.memref_slice %arg2[%dma_start3A_20, %dma_start3A_21] : memref<50176x96xf32, #tpu.memory_space<hbm>> -> memref<50176x96xf32, #tpu.memory_space<hbm>>
      tpu.enqueue_indirect_dma source(%dma_start3A_22 : memref<50176x96xf32, #tpu.memory_space<hbm>>) target(%dma_start3A_16 : memref<128x96xf32, #tpu.memory_space<vmem>>) offsets(%dma_start3A_19 : memref<128xi32, #tpu.memory_space<vmem>>) semaphore(%arg10 : memref<!tpu.dma_semaphore, #tpu.memory_space<semaphore_mem>>)
      %scan3A_23 = arith.constant 0 : i32
      %scan3A_24 = arith.constant 0 : i32
      %scan3A_25 = arith.constant 4 : i32
      %scan3A_26 = arith.addi %scan3A_24, %scan3A_25 : i32
      %scan3A_27 = arith.constant 1 : i32
      scf.for %scan3A_42 = %scan3A_24 to %scan3A_26 step %scan3A_27  : i32 {
        %mul3A_43 = arith.constant 2 : i32
        %mul3A_44 = arith.muli %mul3A_43, %scan3A_42 : i32
        %add3A_45 = arith.constant 1 : i32
        %add3A_46 = arith.addi %mul3A_44, %add3A_45 : i32
        %dma_start3A_47 = arith.constant 1 : i32
        %dma_start3A_48 = arith.constant 0 : i32
        %dma_start3A_49 = arith.constant 0 : i32
        %dma_start3A_50 = tpu.memref_slice %arg8[%dma_start3A_47, %dma_start3A_48, %dma_start3A_49] : memref<2x128x96xf32, #tpu.memory_space<vmem>> -> memref<1x128x96xf32, #tpu.memory_space<vmem>>
        %dma_start3A_51 = tpu.memref_squeeze %dma_start3A_50 : memref<1x128x96xf32, #tpu.memory_space<vmem>> -> memref<128x96xf32, #tpu.memory_space<vmem>>
        %dma_start3A_52 = arith.constant 0 : i32
        %dma_start3A_53 = tpu.memref_slice %arg6[%add3A_46, %dma_start3A_52] : memref<9x128xi32, #tpu.memory_space<vmem>> -> memref<1x128xi32, #tpu.memory_space<vmem>>
        %dma_start3A_54 = tpu.memref_squeeze %dma_start3A_53 : memref<1x128xi32, #tpu.memory_space<vmem>> -> memref<128xi32, #tpu.memory_space<vmem>>
        %dma_start3A_55 = arith.constant 0 : i32
        %dma_start3A_56 = arith.constant 0 : i32
        %dma_start3A_57 = tpu.memref_slice %arg2[%dma_start3A_55, %dma_start3A_56] : memref<50176x96xf32, #tpu.memory_space<hbm>> -> memref<50176x96xf32, #tpu.memory_space<hbm>>
        tpu.enqueue_indirect_dma source(%dma_start3A_57 : memref<50176x96xf32, #tpu.memory_space<hbm>>) target(%dma_start3A_51 : memref<128x96xf32, #tpu.memory_space<vmem>>) offsets(%dma_start3A_54 : memref<128xi32, #tpu.memory_space<vmem>>) semaphore(%arg11 : memref<!tpu.dma_semaphore, #tpu.memory_space<semaphore_mem>>)
        %dma_wait3A_58 = arith.constant 0 : i32
        %dma_wait3A_59 = arith.constant 0 : i32
        %dma_wait3A_60 = arith.constant 0 : i32
        %dma_wait3A_61 = arith.constant 0 : i32
        %dma_wait3A_62 = tpu.memref_slice %arg8[%dma_wait3A_59, %dma_wait3A_60, %dma_wait3A_61] : memref<2x128x96xf32, #tpu.memory_space<vmem>> -> memref<1x128x96xf32, #tpu.memory_space<vmem>>
        %dma_wait3A_63 = tpu.memref_squeeze %dma_wait3A_62 : memref<1x128x96xf32, #tpu.memory_space<vmem>> -> memref<128x96xf32, #tpu.memory_space<vmem>>
        %dma_wait3A_64 = arith.constant 0 : i32
        %dma_wait3A_65 = tpu.memref_slice %arg6[%dma_wait3A_58, %dma_wait3A_64] : memref<9x128xi32, #tpu.memory_space<vmem>> -> memref<1x128xi32, #tpu.memory_space<vmem>>
        %dma_wait3A_66 = tpu.memref_squeeze %dma_wait3A_65 : memref<1x128xi32, #tpu.memory_space<vmem>> -> memref<128xi32, #tpu.memory_space<vmem>>
        %dma_wait3A_67 = arith.constant 0 : i32
        %dma_wait3A_68 = arith.constant 0 : i32
        %dma_wait3A_69 = tpu.memref_slice %arg2[%dma_wait3A_67, %dma_wait3A_68] : memref<50176x96xf32, #tpu.memory_space<hbm>> -> memref<50176x96xf32, #tpu.memory_space<hbm>>
        tpu.wait_indirect_dma semaphore(%arg10 : memref<!tpu.dma_semaphore, #tpu.memory_space<semaphore_mem>>) src(%dma_wait3A_69 : memref<50176x96xf32, #tpu.memory_space<hbm>>) dst(%dma_wait3A_63 : memref<128x96xf32, #tpu.memory_space<vmem>>)
        %mul3A_70 = arith.constant 96 : i32
        %mul3A_71 = arith.muli %mul3A_44, %mul3A_70 : i32
        %parallel_loop3A_72 = arith.constant 0 : i32
        %parallel_loop3A_73 = arith.constant 32 : i32
        %parallel_loop3A_74 = arith.constant 1 : i32
        scf.for %parallel_loop3A_107 = %parallel_loop3A_72 to %parallel_loop3A_73 step %parallel_loop3A_74  : i32 {
          %parallel_loop3A_108 = arith.constant 16 : i32
          %parallel_loop3A_109 = arith.divsi %parallel_loop3A_107, %parallel_loop3A_108 : i32
          %parallel_loop3A_110 = arith.constant 0 : i32
          %parallel_loop3A_111 = arith.cmpi sgt, %parallel_loop3A_107, %parallel_loop3A_110 : i32
          %parallel_loop3A_112 = arith.extui %parallel_loop3A_111 : i1 to i32
          %parallel_loop3A_113 = arith.constant 0 : i32
          %parallel_loop3A_114 = arith.cmpi slt, %parallel_loop3A_107, %parallel_loop3A_113 : i32
          %parallel_loop3A_115 = arith.extui %parallel_loop3A_114 : i1 to i32
          %parallel_loop3A_116 = arith.subi %parallel_loop3A_112, %parallel_loop3A_115 : i32
          %parallel_loop3A_117 = arith.constant 0 : i32
          %parallel_loop3A_118 = arith.cmpi sgt, %parallel_loop3A_108, %parallel_loop3A_117 : i32
          %parallel_loop3A_119 = arith.extui %parallel_loop3A_118 : i1 to i32
          %parallel_loop3A_120 = arith.constant 0 : i32
          %parallel_loop3A_121 = arith.cmpi slt, %parallel_loop3A_108, %parallel_loop3A_120 : i32
          %parallel_loop3A_122 = arith.extui %parallel_loop3A_121 : i1 to i32
          %parallel_loop3A_123 = arith.subi %parallel_loop3A_119, %parallel_loop3A_122 : i32
          %parallel_loop3A_124 = arith.cmpi ne, %parallel_loop3A_116, %parallel_loop3A_123 : i32
          %parallel_loop3A_125 = arith.remsi %parallel_loop3A_107, %parallel_loop3A_108 : i32
          %parallel_loop3A_126 = arith.constant 0 : i32
          %parallel_loop3A_127 = arith.cmpi ne, %parallel_loop3A_125, %parallel_loop3A_126 : i32
          %parallel_loop3A_128 = arith.andi %parallel_loop3A_124, %parallel_loop3A_127 : i1
          %parallel_loop3A_129 = arith.constant 1 : i32
          %parallel_loop3A_130 = arith.subi %parallel_loop3A_109, %parallel_loop3A_129 : i32
          %parallel_loop3A_131 = arith.select %parallel_loop3A_128, %parallel_loop3A_130, %parallel_loop3A_109 : i32
          %parallel_loop3A_132 = arith.constant 16 : i32
          %parallel_loop3A_133 = arith.muli %parallel_loop3A_131, %parallel_loop3A_132 : i32
          %parallel_loop3A_134 = arith.subi %parallel_loop3A_107, %parallel_loop3A_133 : i32
          %parallel_loop3A_135 = vector.broadcast %parallel_loop3A_134 : i32 to vector<16xi32>
          %parallel_loop3A_136 = arith.constant 0 : i32
          %parallel_loop3A_137 = arith.addi %parallel_loop3A_136, %parallel_loop3A_133 : i32
          %parallel_loop3A_138 = arith.index_cast %mul3A_44 : i32 to index
          %parallel_loop3A_139 = arith.index_cast %parallel_loop3A_137 : i32 to index
          %parallel_loop3A_140 = tpu.vector_load %arg7[%parallel_loop3A_138, %parallel_loop3A_139] {strides = array<i32>} : memref<9x128xf32, #tpu.memory_space<vmem>>, vector<1x16xf32>,
          %parallel_loop3A_141 = vector.shape_cast %parallel_loop3A_140 : vector<1x16xf32> to vector<16xf32>
          %parallel_loop3A_142 = vector.shape_cast %parallel_loop3A_135 : vector<16xi32> to vector<16x1xi32>
          %parallel_loop3A_143 = vector.shape_cast %parallel_loop3A_142 : vector<16x1xi32> to vector<16xi32>
          %parallel_loop3A_144 = tpu.dynamic_gather %parallel_loop3A_141[%parallel_loop3A_143] in [0] : vector<16xf32>, vector<16xi32> -> vector<16xf32>
          %parallel_loop3A_145 = arith.constant 32 : i32
          %parallel_loop3A_146 = arith.addi %parallel_loop3A_145, %parallel_loop3A_133 : i32
          %parallel_loop3A_147 = arith.index_cast %mul3A_44 : i32 to index
          %parallel_loop3A_148 = arith.index_cast %parallel_loop3A_146 : i32 to index
          %parallel_loop3A_149 = tpu.vector_load %arg7[%parallel_loop3A_147, %parallel_loop3A_148] {strides = array<i32>} : memref<9x128xf32, #tpu.memory_space<vmem>>, vector<1x16xf32>,
          %parallel_loop3A_150 = vector.shape_cast %parallel_loop3A_149 : vector<1x16xf32> to vector<16xf32>
          %parallel_loop3A_151 = vector.shape_cast %parallel_loop3A_135 : vector<16xi32> to vector<16x1xi32>
          %parallel_loop3A_152 = vector.shape_cast %parallel_loop3A_151 : vector<16x1xi32> to vector<16xi32>
          %parallel_loop3A_153 = tpu.dynamic_gather %parallel_loop3A_150[%parallel_loop3A_152] in [0] : vector<16xf32>, vector<16xi32> -> vector<16xf32>
          %parallel_loop3A_154 = arith.constant 64 : i32
          %parallel_loop3A_155 = arith.addi %parallel_loop3A_154, %parallel_loop3A_133 : i32
          %parallel_loop3A_156 = arith.index_cast %mul3A_44 : i32 to index
          %parallel_loop3A_157 = arith.index_cast %parallel_loop3A_155 : i32 to index
          %parallel_loop3A_158 = tpu.vector_load %arg7[%parallel_loop3A_156, %parallel_loop3A_157] {strides = array<i32>} : memref<9x128xf32, #tpu.memory_space<vmem>>, vector<1x16xf32>,
          %parallel_loop3A_159 = vector.shape_cast %parallel_loop3A_158 : vector<1x16xf32> to vector<16xf32>
          %parallel_loop3A_160 = vector.shape_cast %parallel_loop3A_135 : vector<16xi32> to vector<16x1xi32>
          %parallel_loop3A_161 = vector.shape_cast %parallel_loop3A_160 : vector<16x1xi32> to vector<16xi32>
          %parallel_loop3A_162 = tpu.dynamic_gather %parallel_loop3A_159[%parallel_loop3A_161] in [0] : vector<16xf32>, vector<16xi32> -> vector<16xf32>
          %parallel_loop3A_163 = arith.constant 96 : i32
          %parallel_loop3A_164 = arith.addi %parallel_loop3A_163, %parallel_loop3A_133 : i32
          %parallel_loop3A_165 = arith.index_cast %mul3A_44 : i32 to index
          %parallel_loop3A_166 = arith.index_cast %parallel_loop3A_164 : i32 to index
          %parallel_loop3A_167 = tpu.vector_load %arg7[%parallel_loop3A_165, %parallel_loop3A_166] {strides = array<i32>} : memref<9x128xf32, #tpu.memory_space<vmem>>, vector<1x16xf32>,
          %parallel_loop3A_168 = vector.shape_cast %parallel_loop3A_167 : vector<1x16xf32> to vector<16xf32>
          %parallel_loop3A_169 = vector.shape_cast %parallel_loop3A_135 : vector<16xi32> to vector<16x1xi32>
          %parallel_loop3A_170 = vector.shape_cast %parallel_loop3A_169 : vector<16x1xi32> to vector<16xi32>
          %parallel_loop3A_171 = tpu.dynamic_gather %parallel_loop3A_168[%parallel_loop3A_170] in [0] : vector<16xf32>, vector<16xi32> -> vector<16xf32>
          %parallel_loop3A_172 = arith.constant 0 : i32
          %parallel_loop3A_173 = arith.addi %parallel_loop3A_172, %parallel_loop3A_107 : i32
          %parallel_loop3A_174 = arith.constant 0 : i32
          %parallel_loop3A_175 = arith.index_cast %parallel_loop3A_174 : i32 to index
          %parallel_loop3A_176 = arith.index_cast %parallel_loop3A_173 : i32 to index
          %parallel_loop3A_177 = arith.constant 0 : index
          %parallel_loop3A_178 = tpu.vector_load %arg8[%parallel_loop3A_175, %parallel_loop3A_176, %parallel_loop3A_177] {strides = array<i32>} : memref<2x128x96xf32, #tpu.memory_space<vmem>>, vector<1x1x16xf32>,
          %parallel_loop3A_179 = vector.shape_cast %parallel_loop3A_178 : vector<1x1x16xf32> to vector<16xf32>
          %parallel_loop3A_180 = arith.mulf %parallel_loop3A_144, %parallel_loop3A_179 : vector<16xf32>
          %parallel_loop3A_181 = arith.constant 32 : i32
          %parallel_loop3A_182 = arith.addi %parallel_loop3A_181, %parallel_loop3A_107 : i32
          %parallel_loop3A_183 = arith.constant 0 : i32
          %parallel_loop3A_184 = arith.index_cast %parallel_loop3A_183 : i32 to index
          %parallel_loop3A_185 = arith.index_cast %parallel_loop3A_182 : i32 to index
          %parallel_loop3A_186 = arith.constant 0 : index
          %parallel_loop3A_187 = tpu.vector_load %arg8[%parallel_loop3A_184, %parallel_loop3A_185, %parallel_loop3A_186] {strides = array<i32>} : memref<2x128x96xf32, #tpu.memory_space<vmem>>, vector<1x1x16xf32>,
          %parallel_loop3A_188 = vector.shape_cast %parallel_loop3A_187 : vector<1x1x16xf32> to vector<16xf32>
          %parallel_loop3A_189 = arith.mulf %parallel_loop3A_153, %parallel_loop3A_188 : vector<16xf32>
          %parallel_loop3A_190 = arith.addf %parallel_loop3A_180, %parallel_loop3A_189 : vector<16xf32>
          %parallel_loop3A_191 = arith.constant 64 : i32
          %parallel_loop3A_192 = arith.addi %parallel_loop3A_191, %parallel_loop3A_107 : i32
          %parallel_loop3A_193 = arith.constant 0 : i32
          %parallel_loop3A_194 = arith.index_cast %parallel_loop3A_193 : i32 to index
          %parallel_loop3A_195 = arith.index_cast %parallel_loop3A_192 : i32 to index
          %parallel_loop3A_196 = arith.constant 0 : index
          %parallel_loop3A_197 = tpu.vector_load %arg8[%parallel_loop3A_194, %parallel_loop3A_195, %parallel_loop3A_196] {strides = array<i32>} : memref<2x128x96xf32, #tpu.memory_space<vmem>>, vector<1x1x16xf32>,
          %parallel_loop3A_198 = vector.shape_cast %parallel_loop3A_197 : vector<1x1x16xf32> to vector<16xf32>
          %parallel_loop3A_199 = arith.mulf %parallel_loop3A_162, %parallel_loop3A_198 : vector<16xf32>
          %parallel_loop3A_200 = arith.constant 96 : i32
          %parallel_loop3A_201 = arith.addi %parallel_loop3A_200, %parallel_loop3A_107 : i32
          %parallel_loop3A_202 = arith.constant 0 : i32
          %parallel_loop3A_203 = arith.index_cast %parallel_loop3A_202 : i32 to index
          %parallel_loop3A_204 = arith.index_cast %parallel_loop3A_201 : i32 to index
          %parallel_loop3A_205 = arith.constant 0 : index
          %parallel_loop3A_206 = tpu.vector_load %arg8[%parallel_loop3A_203, %parallel_loop3A_204, %parallel_loop3A_205] {strides = array<i32>} : memref<2x128x96xf32, #tpu.memory_space<vmem>>, vector<1x1x16xf32>,
          %parallel_loop3A_207 = vector.shape_cast %parallel_loop3A_206 : vector<1x1x16xf32> to vector<16xf32>
          %parallel_loop3A_208 = arith.mulf %parallel_loop3A_171, %parallel_loop3A_207 : vector<16xf32>
          %parallel_loop3A_209 = arith.addf %parallel_loop3A_199, %parallel_loop3A_208 : vector<16xf32>
          %parallel_loop3A_210 = arith.addf %parallel_loop3A_190, %parallel_loop3A_209 : vector<16xf32>
          %parallel_loop3A_211 = arith.constant 0 : i32
          %parallel_loop3A_212 = arith.addi %mul3A_71, %parallel_loop3A_211 : i32
          %parallel_loop3A_213 = arith.index_cast %parallel_loop3A_107 : i32 to index
          %parallel_loop3A_214 = arith.index_cast %parallel_loop3A_212 : i32 to index
          %parallel_loop3A_215 = tpu.vector_load %arg9[%parallel_loop3A_213, %parallel_loop3A_214] {strides = array<i32>} : memref<32x864xf32, #tpu.memory_space<vmem>>, vector<1x16xf32>,
          %parallel_loop3A_216 = vector.shape_cast %parallel_loop3A_215 : vector<1x16xf32> to vector<16xf32>
          %parallel_loop3A_217 = vector.shape_cast %parallel_loop3A_210 : vector<16xf32> to vector<1x16xf32>
          tpu.vector_store %arg9[%parallel_loop3A_213, %parallel_loop3A_214], %parallel_loop3A_217 {strides = array<i32>} : memref<32x864xf32, #tpu.memory_space<vmem>>, vector<1x16xf32>,
          %parallel_loop3A_218 = arith.constant 0 : i32
          %parallel_loop3A_219 = arith.addi %parallel_loop3A_218, %parallel_loop3A_107 : i32
          %parallel_loop3A_220 = arith.constant 0 : i32
          %parallel_loop3A_221 = arith.index_cast %parallel_loop3A_220 : i32 to index
          %parallel_loop3A_222 = arith.index_cast %parallel_loop3A_219 : i32 to index
          %parallel_loop3A_223 = arith.constant 16 : index
          %parallel_loop3A_224 = tpu.vector_load %arg8[%parallel_loop3A_221, %parallel_loop3A_222, %parallel_loop3A_223] {strides = array<i32>} : memref<2x128x96xf32, #tpu.memory_space<vmem>>, vector<1x1x16xf32>,
          %parallel_loop3A_225 = vector.shape_cast %parallel_loop3A_224 : vector<1x1x16xf32> to vector<16xf32>
          %parallel_loop3A_226 = arith.mulf %parallel_loop3A_144, %parallel_loop3A_225 : vector<16xf32>
          %parallel_loop3A_227 = arith.constant 32 : i32
          %parallel_loop3A_228 = arith.addi %parallel_loop3A_227, %parallel_loop3A_107 : i32
          %parallel_loop3A_229 = arith.constant 0 : i32
          %parallel_loop3A_230 = arith.index_cast %parallel_loop3A_229 : i32 to index
          %parallel_loop3A_231 = arith.index_cast %parallel_loop3A_228 : i32 to index
          %parallel_loop3A_232 = arith.constant 16 : index
          %parallel_loop3A_233 = tpu.vector_load %arg8[%parallel_loop3A_230, %parallel_loop3A_231, %parallel_loop3A_232] {strides = array<i32>} : memref<2x128x96xf32, #tpu.memory_space<vmem>>, vector<1x1x16xf32>,
          %parallel_loop3A_234 = vector.shape_cast %parallel_loop3A_233 : vector<1x1x16xf32> to vector<16xf32>
          %parallel_loop3A_235 = arith.mulf %parallel_loop3A_153, %parallel_loop3A_234 : vector<16xf32>
          %parallel_loop3A_236 = arith.addf %parallel_loop3A_226, %parallel_loop3A_235 : vector<16xf32>
          %parallel_loop3A_237 = arith.constant 64 : i32
          %parallel_loop3A_238 = arith.addi %parallel_loop3A_237, %parallel_loop3A_107 : i32
          %parallel_loop3A_239 = arith.constant 0 : i32
          %parallel_loop3A_240 = arith.index_cast %parallel_loop3A_239 : i32 to index
          %parallel_loop3A_241 = arith.index_cast %parallel_loop3A_238 : i32 to index
          %parallel_loop3A_242 = arith.constant 16 : index
          %parallel_loop3A_243 = tpu.vector_load %arg8[%parallel_loop3A_240, %parallel_loop3A_241, %parallel_loop3A_242] {strides = array<i32>} : memref<2x128x96xf32, #tpu.memory_space<vmem>>, vector<1x1x16xf32>,
          %parallel_loop3A_244 = vector.shape_cast %parallel_loop3A_243 : vector<1x1x16xf32> to vector<16xf32>
          %parallel_loop3A_245 = arith.mulf %parallel_loop3A_162, %parallel_loop3A_244 : vector<16xf32>
          %parallel_loop3A_246 = arith.constant 96 : i32
          %parallel_loop3A_247 = arith.addi %parallel_loop3A_246, %parallel_loop3A_107 : i32
          %parallel_loop3A_248 = arith.constant 0 : i32
          %parallel_loop3A_249 = arith.index_cast %parallel_loop3A_248 : i32 to index
          %parallel_loop3A_250 = arith.index_cast %parallel_loop3A_247 : i32 to index
          %parallel_loop3A_251 = arith.constant 16 : index
          %parallel_loop3A_252 = tpu.vector_load %arg8[%parallel_loop3A_249, %parallel_loop3A_250, %parallel_loop3A_251] {strides = array<i32>} : memref<2x128x96xf32, #tpu.memory_space<vmem>>, vector<1x1x16xf32>,
          %parallel_loop3A_253 = vector.shape_cast %parallel_loop3A_252 : vector<1x1x16xf32> to vector<16xf32>
          %parallel_loop3A_254 = arith.mulf %parallel_loop3A_171, %parallel_loop3A_253 : vector<16xf32>
          %parallel_loop3A_255 = arith.addf %parallel_loop3A_245, %parallel_loop3A_254 : vector<16xf32>
          %parallel_loop3A_256 = arith.addf %parallel_loop3A_236, %parallel_loop3A_255 : vector<16xf32>
          %parallel_loop3A_257 = arith.constant 16 : i32
          %parallel_loop3A_258 = arith.addi %mul3A_71, %parallel_loop3A_257 : i32
          %parallel_loop3A_259 = arith.index_cast %parallel_loop3A_107 : i32 to index
          %parallel_loop3A_260 = arith.index_cast %parallel_loop3A_258 : i32 to index
          %parallel_loop3A_261 = tpu.vector_load %arg9[%parallel_loop3A_259, %parallel_loop3A_260] {strides = array<i32>} : memref<32x864xf32, #tpu.memory_space<vmem>>, vector<1x16xf32>,
          %parallel_loop3A_262 = vector.shape_cast %parallel_loop3A_261 : vector<1x16xf32> to vector<16xf32>
          %parallel_loop3A_263 = vector.shape_cast %parallel_loop3A_256 : vector<16xf32> to vector<1x16xf32>
          tpu.vector_store %arg9[%parallel_loop3A_259, %parallel_loop3A_260], %parallel_loop3A_263 {strides = array<i32>} : memref<32x864xf32, #tpu.memory_space<vmem>>, vector<1x16xf32>,
          %parallel_loop3A_264 = arith.constant 0 : i32
          %parallel_loop3A_265 = arith.addi %parallel_loop3A_264, %parallel_loop3A_107 : i32
          %parallel_loop3A_266 = arith.constant 0 : i32
          %parallel_loop3A_267 = arith.index_cast %parallel_loop3A_266 : i32 to index
          %parallel_loop3A_268 = arith.index_cast %parallel_loop3A_265 : i32 to index
          %parallel_loop3A_269 = arith.constant 32 : index
          %parallel_loop3A_270 = tpu.vector_load %arg8[%parallel_loop3A_267, %parallel_loop3A_268, %parallel_loop3A_269] {strides = array<i32>} : memref<2x128x96xf32, #tpu.memory_space<vmem>>, vector<1x1x16xf32>,
          %parallel_loop3A_271 = vector.shape_cast %parallel_loop3A_270 : vector<1x1x16xf32> to vector<16xf32>
          %parallel_loop3A_272 = arith.mulf %parallel_loop3A_144, %parallel_loop3A_271 : vector<16xf32>
          %parallel_loop3A_273 = arith.constant 32 : i32
          %parallel_loop3A_274 = arith.addi %parallel_loop3A_273, %parallel_loop3A_107 : i32
          %parallel_loop3A_275 = arith.constant 0 : i32
          %parallel_loop3A_276 = arith.index_cast %parallel_loop3A_275 : i32 to index
          %parallel_loop3A_277 = arith.index_cast %parallel_loop3A_274 : i32 to index
          %parallel_loop3A_278 = arith.constant 32 : index
          %parallel_loop3A_279 = tpu.vector_load %arg8[%parallel_loop3A_276, %parallel_loop3A_277, %parallel_loop3A_278] {strides = array<i32>} : memref<2x128x96xf32, #tpu.memory_space<vmem>>, vector<1x1x16xf32>,
          %parallel_loop3A_280 = vector.shape_cast %parallel_loop3A_279 : vector<1x1x16xf32> to vector<16xf32>
          %parallel_loop3A_281 = arith.mulf %parallel_loop3A_153, %parallel_loop3A_280 : vector<16xf32>
          %parallel_loop3A_282 = arith.addf %parallel_loop3A_272, %parallel_loop3A_281 : vector<16xf32>
          %parallel_loop3A_283 = arith.constant 64 : i32
          %parallel_loop3A_284 = arith.addi %parallel_loop3A_283, %parallel_loop3A_107 : i32
          %parallel_loop3A_285 = arith.constant 0 : i32
          %parallel_loop3A_286 = arith.index_cast %parallel_loop3A_285 : i32 to index
          %parallel_loop3A_287 = arith.index_cast %parallel_loop3A_284 : i32 to index
          %parallel_loop3A_288 = arith.constant 32 : index
          %parallel_loop3A_289 = tpu.vector_load %arg8[%parallel_loop3A_286, %parallel_loop3A_287, %parallel_loop3A_288] {strides = array<i32>} : memref<2x128x96xf32, #tpu.memory_space<vmem>>, vector<1x1x16xf32>,
          %parallel_loop3A_290 = vector.shape_cast %parallel_loop3A_289 : vector<1x1x16xf32> to vector<16xf32>
          %parallel_loop3A_291 = arith.mulf %parallel_loop3A_162, %parallel_loop3A_290 : vector<16xf32>
          %parallel_loop3A_292 = arith.constant 96 : i32
          %parallel_loop3A_293 = arith.addi %parallel_loop3A_292, %parallel_loop3A_107 : i32
          %parallel_loop3A_294 = arith.constant 0 : i32
          %parallel_loop3A_295 = arith.index_cast %parallel_loop3A_294 : i32 to index
          %parallel_loop3A_296 = arith.index_cast %parallel_loop3A_293 : i32 to index
          %parallel_loop3A_297 = arith.constant 32 : index
          %parallel_loop3A_298 = tpu.vector_load %arg8[%parallel_loop3A_295, %parallel_loop3A_296, %parallel_loop3A_297] {strides = array<i32>} : memref<2x128x96xf32, #tpu.memory_space<vmem>>, vector<1x1x16xf32>,
          %parallel_loop3A_299 = vector.shape_cast %parallel_loop3A_298 : vector<1x1x16xf32> to vector<16xf32>
          %parallel_loop3A_300 = arith.mulf %parallel_loop3A_171, %parallel_loop3A_299 : vector<16xf32>
          %parallel_loop3A_301 = arith.addf %parallel_loop3A_291, %parallel_loop3A_300 : vector<16xf32>
          %parallel_loop3A_302 = arith.addf %parallel_loop3A_282, %parallel_loop3A_301 : vector<16xf32>
          %parallel_loop3A_303 = arith.constant 32 : i32
          %parallel_loop3A_304 = arith.addi %mul3A_71, %parallel_loop3A_303 : i32
          %parallel_loop3A_305 = arith.index_cast %parallel_loop3A_107 : i32 to index
          %parallel_loop3A_306 = arith.index_cast %parallel_loop3A_304 : i32 to index
          %parallel_loop3A_307 = tpu.vector_load %arg9[%parallel_loop3A_305, %parallel_loop3A_306] {strides = array<i32>} : memref<32x864xf32, #tpu.memory_space<vmem>>, vector<1x16xf32>,
          %parallel_loop3A_308 = vector.shape_cast %parallel_loop3A_307 : vector<1x16xf32> to vector<16xf32>
          %parallel_loop3A_309 = vector.shape_cast %parallel_loop3A_302 : vector<16xf32> to vector<1x16xf32>
          tpu.vector_store %arg9[%parallel_loop3A_305, %parallel_loop3A_306], %parallel_loop3A_309 {strides = array<i32>} : memref<32x864xf32, #tpu.memory_space<vmem>>, vector<1x16xf32>,
          %parallel_loop3A_310 = arith.constant 0 : i32
          %parallel_loop3A_311 = arith.addi %parallel_loop3A_310, %parallel_loop3A_107 : i32
          %parallel_loop3A_312 = arith.constant 0 : i32
          %parallel_loop3A_313 = arith.index_cast %parallel_loop3A_312 : i32 to index
          %parallel_loop3A_314 = arith.index_cast %parallel_loop3A_311 : i32 to index
          %parallel_loop3A_315 = arith.constant 48 : index
          %parallel_loop3A_316 = tpu.vector_load %arg8[%parallel_loop3A_313, %parallel_loop3A_314, %parallel_loop3A_315] {strides = array<i32>} : memref<2x128x96xf32, #tpu.memory_space<vmem>>, vector<1x1x16xf32>,
          %parallel_loop3A_317 = vector.shape_cast %parallel_loop3A_316 : vector<1x1x16xf32> to vector<16xf32>
          %parallel_loop3A_318 = arith.mulf %parallel_loop3A_144, %parallel_loop3A_317 : vector<16xf32>
          %parallel_loop3A_319 = arith.constant 32 : i32
          %parallel_loop3A_320 = arith.addi %parallel_loop3A_319, %parallel_loop3A_107 : i32
          %parallel_loop3A_321 = arith.constant 0 : i32
          %parallel_loop3A_322 = arith.index_cast %parallel_loop3A_321 : i32 to index
          %parallel_loop3A_323 = arith.index_cast %parallel_loop3A_320 : i32 to index
          %parallel_loop3A_324 = arith.constant 48 : index
          %parallel_loop3A_325 = tpu.vector_load %arg8[%parallel_loop3A_322, %parallel_loop3A_323, %parallel_loop3A_324] {strides = array<i32>} : memref<2x128x96xf32, #tpu.memory_space<vmem>>, vector<1x1x16xf32>,
          %parallel_loop3A_326 = vector.shape_cast %parallel_loop3A_325 : vector<1x1x16xf32> to vector<16xf32>
          %parallel_loop3A_327 = arith.mulf %parallel_loop3A_153, %parallel_loop3A_326 : vector<16xf32>
          %parallel_loop3A_328 = arith.addf %parallel_loop3A_318, %parallel_loop3A_327 : vector<16xf32>
          %parallel_loop3A_329 = arith.constant 64 : i32
          %parallel_loop3A_330 = arith.addi %parallel_loop3A_329, %parallel_loop3A_107 : i32
          %parallel_loop3A_331 = arith.constant 0 : i32
          %parallel_loop3A_332 = arith.index_cast %parallel_loop3A_331 : i32 to index
          %parallel_loop3A_333 = arith.index_cast %parallel_loop3A_330 : i32 to index
          %parallel_loop3A_334 = arith.constant 48 : index
          %parallel_loop3A_335 = tpu.vector_load %arg8[%parallel_loop3A_332, %parallel_loop3A_333, %parallel_loop3A_334] {strides = array<i32>} : memref<2x128x96xf32, #tpu.memory_space<vmem>>, vector<1x1x16xf32>,
          %parallel_loop3A_336 = vector.shape_cast %parallel_loop3A_335 : vector<1x1x16xf32> to vector<16xf32>
          %parallel_loop3A_337 = arith.mulf %parallel_loop3A_162, %parallel_loop3A_336 : vector<16xf32>
          %parallel_loop3A_338 = arith.constant 96 : i32
          %parallel_loop3A_339 = arith.addi %parallel_loop3A_338, %parallel_loop3A_107 : i32
          %parallel_loop3A_340 = arith.constant 0 : i32
          %parallel_loop3A_341 = arith.index_cast %parallel_loop3A_340 : i32 to index
          %parallel_loop3A_342 = arith.index_cast %parallel_loop3A_339 : i32 to index
          %parallel_loop3A_343 = arith.constant 48 : index
          %parallel_loop3A_344 = tpu.vector_load %arg8[%parallel_loop3A_341, %parallel_loop3A_342, %parallel_loop3A_343] {strides = array<i32>} : memref<2x128x96xf32, #tpu.memory_space<vmem>>, vector<1x1x16xf32>,
          %parallel_loop3A_345 = vector.shape_cast %parallel_loop3A_344 : vector<1x1x16xf32> to vector<16xf32>
          %parallel_loop3A_346 = arith.mulf %parallel_loop3A_171, %parallel_loop3A_345 : vector<16xf32>
          %parallel_loop3A_347 = arith.addf %parallel_loop3A_337, %parallel_loop3A_346 : vector<16xf32>
          %parallel_loop3A_348 = arith.addf %parallel_loop3A_328, %parallel_loop3A_347 : vector<16xf32>
          %parallel_loop3A_349 = arith.constant 48 : i32
          %parallel_loop3A_350 = arith.addi %mul3A_71, %parallel_loop3A_349 : i32
          %parallel_loop3A_351 = arith.index_cast %parallel_loop3A_107 : i32 to index
          %parallel_loop3A_352 = arith.index_cast %parallel_loop3A_350 : i32 to index
          %parallel_loop3A_353 = tpu.vector_load %arg9[%parallel_loop3A_351, %parallel_loop3A_352] {strides = array<i32>} : memref<32x864xf32, #tpu.memory_space<vmem>>, vector<1x16xf32>,
          %parallel_loop3A_354 = vector.shape_cast %parallel_loop3A_353 : vector<1x16xf32> to vector<16xf32>
          %parallel_loop3A_355 = vector.shape_cast %parallel_loop3A_348 : vector<16xf32> to vector<1x16xf32>
          tpu.vector_store %arg9[%parallel_loop3A_351, %parallel_loop3A_352], %parallel_loop3A_355 {strides = array<i32>} : memref<32x864xf32, #tpu.memory_space<vmem>>, vector<1x16xf32>,
          %parallel_loop3A_356 = arith.constant 0 : i32
          %parallel_loop3A_357 = arith.addi %parallel_loop3A_356, %parallel_loop3A_107 : i32
          %parallel_loop3A_358 = arith.constant 0 : i32
          %parallel_loop3A_359 = arith.index_cast %parallel_loop3A_358 : i32 to index
          %parallel_loop3A_360 = arith.index_cast %parallel_loop3A_357 : i32 to index
          %parallel_loop3A_361 = arith.constant 64 : index
          %parallel_loop3A_362 = tpu.vector_load %arg8[%parallel_loop3A_359, %parallel_loop3A_360, %parallel_loop3A_361] {strides = array<i32>} : memref<2x128x96xf32, #tpu.memory_space<vmem>>, vector<1x1x16xf32>,
          %parallel_loop3A_363 = vector.shape_cast %parallel_loop3A_362 : vector<1x1x16xf32> to vector<16xf32>
          %parallel_loop3A_364 = arith.mulf %parallel_loop3A_144, %parallel_loop3A_363 : vector<16xf32>
          %parallel_loop3A_365 = arith.constant 32 : i32
          %parallel_loop3A_366 = arith.addi %parallel_loop3A_365, %parallel_loop3A_107 : i32
          %parallel_loop3A_367 = arith.constant 0 : i32
          %parallel_loop3A_368 = arith.index_cast %parallel_loop3A_367 : i32 to index
          %parallel_loop3A_369 = arith.index_cast %parallel_loop3A_366 : i32 to index
          %parallel_loop3A_370 = arith.constant 64 : index
          %parallel_loop3A_371 = tpu.vector_load %arg8[%parallel_loop3A_368, %parallel_loop3A_369, %parallel_loop3A_370] {strides = array<i32>} : memref<2x128x96xf32, #tpu.memory_space<vmem>>, vector<1x1x16xf32>,
          %parallel_loop3A_372 = vector.shape_cast %parallel_loop3A_371 : vector<1x1x16xf32> to vector<16xf32>
          %parallel_loop3A_373 = arith.mulf %parallel_loop3A_153, %parallel_loop3A_372 : vector<16xf32>
          %parallel_loop3A_374 = arith.addf %parallel_loop3A_364, %parallel_loop3A_373 : vector<16xf32>
          %parallel_loop3A_375 = arith.constant 64 : i32
          %parallel_loop3A_376 = arith.addi %parallel_loop3A_375, %parallel_loop3A_107 : i32
          %parallel_loop3A_377 = arith.constant 0 : i32
          %parallel_loop3A_378 = arith.index_cast %parallel_loop3A_377 : i32 to index
          %parallel_loop3A_379 = arith.index_cast %parallel_loop3A_376 : i32 to index
          %parallel_loop3A_380 = arith.constant 64 : index
          %parallel_loop3A_381 = tpu.vector_load %arg8[%parallel_loop3A_378, %parallel_loop3A_379, %parallel_loop3A_380] {strides = array<i32>} : memref<2x128x96xf32, #tpu.memory_space<vmem>>, vector<1x1x16xf32>,
          %parallel_loop3A_382 = vector.shape_cast %parallel_loop3A_381 : vector<1x1x16xf32> to vector<16xf32>
          %parallel_loop3A_383 = arith.mulf %parallel_loop3A_162, %parallel_loop3A_382 : vector<16xf32>
          %parallel_loop3A_384 = arith.constant 96 : i32
          %parallel_loop3A_385 = arith.addi %parallel_loop3A_384, %parallel_loop3A_107 : i32
          %parallel_loop3A_386 = arith.constant 0 : i32
          %parallel_loop3A_387 = arith.index_cast %parallel_loop3A_386 : i32 to index
          %parallel_loop3A_388 = arith.index_cast %parallel_loop3A_385 : i32 to index
          %parallel_loop3A_389 = arith.constant 64 : index
          %parallel_loop3A_390 = tpu.vector_load %arg8[%parallel_loop3A_387, %parallel_loop3A_388, %parallel_loop3A_389] {strides = array<i32>} : memref<2x128x96xf32, #tpu.memory_space<vmem>>, vector<1x1x16xf32>,
          %parallel_loop3A_391 = vector.shape_cast %parallel_loop3A_390 : vector<1x1x16xf32> to vector<16xf32>
          %parallel_loop3A_392 = arith.mulf %parallel_loop3A_171, %parallel_loop3A_391 : vector<16xf32>
          %parallel_loop3A_393 = arith.addf %parallel_loop3A_383, %parallel_loop3A_392 : vector<16xf32>
          %parallel_loop3A_394 = arith.addf %parallel_loop3A_374, %parallel_loop3A_393 : vector<16xf32>
          %parallel_loop3A_395 = arith.constant 64 : i32
          %parallel_loop3A_396 = arith.addi %mul3A_71, %parallel_loop3A_395 : i32
          %parallel_loop3A_397 = arith.index_cast %parallel_loop3A_107 : i32 to index
          %parallel_loop3A_398 = arith.index_cast %parallel_loop3A_396 : i32 to index
          %parallel_loop3A_399 = tpu.vector_load %arg9[%parallel_loop3A_397, %parallel_loop3A_398] {strides = array<i32>} : memref<32x864xf32, #tpu.memory_space<vmem>>, vector<1x16xf32>,
          %parallel_loop3A_400 = vector.shape_cast %parallel_loop3A_399 : vector<1x16xf32> to vector<16xf32>
          %parallel_loop3A_401 = vector.shape_cast %parallel_loop3A_394 : vector<16xf32> to vector<1x16xf32>
          tpu.vector_store %arg9[%parallel_loop3A_397, %parallel_loop3A_398], %parallel_loop3A_401 {strides = array<i32>} : memref<32x864xf32, #tpu.memory_space<vmem>>, vector<1x16xf32>,
          %parallel_loop3A_402 = arith.constant 0 : i32
          %parallel_loop3A_403 = arith.addi %parallel_loop3A_402, %parallel_loop3A_107 : i32
          %parallel_loop3A_404 = arith.constant 0 : i32
          %parallel_loop3A_405 = arith.index_cast %parallel_loop3A_404 : i32 to index
          %parallel_loop3A_406 = arith.index_cast %parallel_loop3A_403 : i32 to index
          %parallel_loop3A_407 = arith.constant 80 : index
          %parallel_loop3A_408 = tpu.vector_load %arg8[%parallel_loop3A_405, %parallel_loop3A_406, %parallel_loop3A_407] {strides = array<i32>} : memref<2x128x96xf32, #tpu.memory_space<vmem>>, vector<1x1x16xf32>,
          %parallel_loop3A_409 = vector.shape_cast %parallel_loop3A_408 : vector<1x1x16xf32> to vector<16xf32>
          %parallel_loop3A_410 = arith.mulf %parallel_loop3A_144, %parallel_loop3A_409 : vector<16xf32>
          %parallel_loop3A_411 = arith.constant 32 : i32
          %parallel_loop3A_412 = arith.addi %parallel_loop3A_411, %parallel_loop3A_107 : i32
          %parallel_loop3A_413 = arith.constant 0 : i32
          %parallel_loop3A_414 = arith.index_cast %parallel_loop3A_413 : i32 to index
          %parallel_loop3A_415 = arith.index_cast %parallel_loop3A_412 : i32 to index
          %parallel_loop3A_416 = arith.constant 80 : index
          %parallel_loop3A_417 = tpu.vector_load %arg8[%parallel_loop3A_414, %parallel_loop3A_415, %parallel_loop3A_416] {strides = array<i32>} : memref<2x128x96xf32, #tpu.memory_space<vmem>>, vector<1x1x16xf32>,
          %parallel_loop3A_418 = vector.shape_cast %parallel_loop3A_417 : vector<1x1x16xf32> to vector<16xf32>
          %parallel_loop3A_419 = arith.mulf %parallel_loop3A_153, %parallel_loop3A_418 : vector<16xf32>
          %parallel_loop3A_420 = arith.addf %parallel_loop3A_410, %parallel_loop3A_419 : vector<16xf32>
          %parallel_loop3A_421 = arith.constant 64 : i32
          %parallel_loop3A_422 = arith.addi %parallel_loop3A_421, %parallel_loop3A_107 : i32
          %parallel_loop3A_423 = arith.constant 0 : i32
          %parallel_loop3A_424 = arith.index_cast %parallel_loop3A_423 : i32 to index
          %parallel_loop3A_425 = arith.index_cast %parallel_loop3A_422 : i32 to index
          %parallel_loop3A_426 = arith.constant 80 : index
          %parallel_loop3A_427 = tpu.vector_load %arg8[%parallel_loop3A_424, %parallel_loop3A_425, %parallel_loop3A_426] {strides = array<i32>} : memref<2x128x96xf32, #tpu.memory_space<vmem>>, vector<1x1x16xf32>,
          %parallel_loop3A_428 = vector.shape_cast %parallel_loop3A_427 : vector<1x1x16xf32> to vector<16xf32>
          %parallel_loop3A_429 = arith.mulf %parallel_loop3A_162, %parallel_loop3A_428 : vector<16xf32>
          %parallel_loop3A_430 = arith.constant 96 : i32
          %parallel_loop3A_431 = arith.addi %parallel_loop3A_430, %parallel_loop3A_107 : i32
          %parallel_loop3A_432 = arith.constant 0 : i32
          %parallel_loop3A_433 = arith.index_cast %parallel_loop3A_432 : i32 to index
          %parallel_loop3A_434 = arith.index_cast %parallel_loop3A_431 : i32 to index
          %parallel_loop3A_435 = arith.constant 80 : index
          %parallel_loop3A_436 = tpu.vector_load %arg8[%parallel_loop3A_433, %parallel_loop3A_434, %parallel_loop3A_435] {strides = array<i32>} : memref<2x128x96xf32, #tpu.memory_space<vmem>>, vector<1x1x16xf32>,
          %parallel_loop3A_437 = vector.shape_cast %parallel_loop3A_436 : vector<1x1x16xf32> to vector<16xf32>
          %parallel_loop3A_438 = arith.mulf %parallel_loop3A_171, %parallel_loop3A_437 : vector<16xf32>
          %parallel_loop3A_439 = arith.addf %parallel_loop3A_429, %parallel_loop3A_438 : vector<16xf32>
          %parallel_loop3A_440 = arith.addf %parallel_loop3A_420, %parallel_loop3A_439 : vector<16xf32>
          %parallel_loop3A_441 = arith.constant 80 : i32
          %parallel_loop3A_442 = arith.addi %mul3A_71, %parallel_loop3A_441 : i32
          %parallel_loop3A_443 = arith.index_cast %parallel_loop3A_107 : i32 to index
          %parallel_loop3A_444 = arith.index_cast %parallel_loop3A_442 : i32 to index
          %parallel_loop3A_445 = tpu.vector_load %arg9[%parallel_loop3A_443, %parallel_loop3A_444] {strides = array<i32>} : memref<32x864xf32, #tpu.memory_space<vmem>>, vector<1x16xf32>,
          %parallel_loop3A_446 = vector.shape_cast %parallel_loop3A_445 : vector<1x16xf32> to vector<16xf32>
          %parallel_loop3A_447 = vector.shape_cast %parallel_loop3A_440 : vector<16xf32> to vector<1x16xf32>
          tpu.vector_store %arg9[%parallel_loop3A_443, %parallel_loop3A_444], %parallel_loop3A_447 {strides = array<i32>} : memref<32x864xf32, #tpu.memory_space<vmem>>, vector<1x16xf32>,
        } {sc.loop_unroll_factor = 4 : i64, sc.parallel_access}
        %add3A_75 = arith.constant 2 : i32
        %add3A_76 = arith.addi %mul3A_44, %add3A_75 : i32
        %dma_start3A_77 = arith.constant 0 : i32
        %dma_start3A_78 = arith.constant 0 : i32
        %dma_start3A_79 = arith.constant 0 : i32
        %dma_start3A_80 = tpu.memref_slice %arg8[%dma_start3A_77, %dma_start3A_78, %dma_start3A_79] : memref<2x128x96xf32, #tpu.memory_space<vmem>> -> memref<1x128x96xf32, #tpu.memory_space<vmem>>
        %dma_start3A_81 = tpu.memref_squeeze %dma_start3A_80 : memref<1x128x96xf32, #tpu.memory_space<vmem>> -> memref<128x96xf32, #tpu.memory_space<vmem>>
        %dma_start3A_82 = arith.constant 0 : i32
        %dma_start3A_83 = tpu.memref_slice %arg6[%add3A_76, %dma_start3A_82] : memref<9x128xi32, #tpu.memory_space<vmem>> -> memref<1x128xi32, #tpu.memory_space<vmem>>
        %dma_start3A_84 = tpu.memref_squeeze %dma_start3A_83 : memref<1x128xi32, #tpu.memory_space<vmem>> -> memref<128xi32, #tpu.memory_space<vmem>>
        %dma_start3A_85 = arith.constant 0 : i32
        %dma_start3A_86 = arith.constant 0 : i32
        %dma_start3A_87 = tpu.memref_slice %arg2[%dma_start3A_85, %dma_start3A_86] : memref<50176x96xf32, #tpu.memory_space<hbm>> -> memref<50176x96xf32, #tpu.memory_space<hbm>>
        tpu.enqueue_indirect_dma source(%dma_start3A_87 : memref<50176x96xf32, #tpu.memory_space<hbm>>) target(%dma_start3A_81 : memref<128x96xf32, #tpu.memory_space<vmem>>) offsets(%dma_start3A_84 : memref<128xi32, #tpu.memory_space<vmem>>) semaphore(%arg10 : memref<!tpu.dma_semaphore, #tpu.memory_space<semaphore_mem>>)
        %dma_wait3A_88 = arith.constant 0 : i32
        %dma_wait3A_89 = arith.constant 1 : i32
        %dma_wait3A_90 = arith.constant 0 : i32
        %dma_wait3A_91 = arith.constant 0 : i32
        %dma_wait3A_92 = tpu.memref_slice %arg8[%dma_wait3A_89, %dma_wait3A_90, %dma_wait3A_91] : memref<2x128x96xf32, #tpu.memory_space<vmem>> -> memref<1x128x96xf32, #tpu.memory_space<vmem>>
        %dma_wait3A_93 = tpu.memref_squeeze %dma_wait3A_92 : memref<1x128x96xf32, #tpu.memory_space<vmem>> -> memref<128x96xf32, #tpu.memory_space<vmem>>
        %dma_wait3A_94 = arith.constant 0 : i32
        %dma_wait3A_95 = tpu.memref_slice %arg6[%dma_wait3A_88, %dma_wait3A_94] : memref<9x128xi32, #tpu.memory_space<vmem>> -> memref<1x128xi32, #tpu.memory_space<vmem>>
        %dma_wait3A_96 = tpu.memref_squeeze %dma_wait3A_95 : memref<1x128xi32, #tpu.memory_space<vmem>> -> memref<128xi32, #tpu.memory_space<vmem>>
        %dma_wait3A_97 = arith.constant 0 : i32
        %dma_wait3A_98 = arith.constant 0 : i32
        %dma_wait3A_99 = tpu.memref_slice %arg2[%dma_wait3A_97, %dma_wait3A_98] : memref<50176x96xf32, #tpu.memory_space<hbm>> -> memref<50176x96xf32, #tpu.memory_space<hbm>>
        tpu.wait_indirect_dma semaphore(%arg11 : memref<!tpu.dma_semaphore, #tpu.memory_space<semaphore_mem>>) src(%dma_wait3A_99 : memref<50176x96xf32, #tpu.memory_space<hbm>>) dst(%dma_wait3A_93 : memref<128x96xf32, #tpu.memory_space<vmem>>)
        %add3A_100 = arith.constant 1 : i32
        %add3A_101 = arith.addi %mul3A_44, %add3A_100 : i32
        %mul3A_102 = arith.constant 96 : i32
        %mul3A_103 = arith.muli %add3A_101, %mul3A_102 : i32
        %parallel_loop3A_104 = arith.constant 0 : i32
        %parallel_loop3A_105 = arith.constant 32 : i32
        %parallel_loop3A_106 = arith.constant 1 : i32
        scf.for %parallel_loop3A_107 = %parallel_loop3A_104 to %parallel_loop3A_105 step %parallel_loop3A_106  : i32 {
          %parallel_loop3A_108 = arith.constant 16 : i32
          %parallel_loop3A_109 = arith.divsi %parallel_loop3A_107, %parallel_loop3A_108 : i32
          %parallel_loop3A_110 = arith.constant 0 : i32
          %parallel_loop3A_111 = arith.cmpi sgt, %parallel_loop3A_107, %parallel_loop3A_110 : i32
          %parallel_loop3A_112 = arith.extui %parallel_loop3A_111 : i1 to i32
          %parallel_loop3A_113 = arith.constant 0 : i32
          %parallel_loop3A_114 = arith.cmpi slt, %parallel_loop3A_107, %parallel_loop3A_113 : i32
          %parallel_loop3A_115 = arith.extui %parallel_loop3A_114 : i1 to i32
          %parallel_loop3A_116 = arith.subi %parallel_loop3A_112, %parallel_loop3A_115 : i32
          %parallel_loop3A_117 = arith.constant 0 : i32
          %parallel_loop3A_118 = arith.cmpi sgt, %parallel_loop3A_108, %parallel_loop3A_117 : i32
          %parallel_loop3A_119 = arith.extui %parallel_loop3A_118 : i1 to i32
          %parallel_loop3A_120 = arith.constant 0 : i32
          %parallel_loop3A_121 = arith.cmpi slt, %parallel_loop3A_108, %parallel_loop3A_120 : i32
          %parallel_loop3A_122 = arith.extui %parallel_loop3A_121 : i1 to i32
          %parallel_loop3A_123 = arith.subi %parallel_loop3A_119, %parallel_loop3A_122 : i32
          %parallel_loop3A_124 = arith.cmpi ne, %parallel_loop3A_116, %parallel_loop3A_123 : i32
          %parallel_loop3A_125 = arith.remsi %parallel_loop3A_107, %parallel_loop3A_108 : i32
          %parallel_loop3A_126 = arith.constant 0 : i32
          %parallel_loop3A_127 = arith.cmpi ne, %parallel_loop3A_125, %parallel_loop3A_126 : i32
          %parallel_loop3A_128 = arith.andi %parallel_loop3A_124, %parallel_loop3A_127 : i1
          %parallel_loop3A_129 = arith.constant 1 : i32
          %parallel_loop3A_130 = arith.subi %parallel_loop3A_109, %parallel_loop3A_129 : i32
          %parallel_loop3A_131 = arith.select %parallel_loop3A_128, %parallel_loop3A_130, %parallel_loop3A_109 : i32
          %parallel_loop3A_132 = arith.constant 16 : i32
          %parallel_loop3A_133 = arith.muli %parallel_loop3A_131, %parallel_loop3A_132 : i32
          %parallel_loop3A_134 = arith.subi %parallel_loop3A_107, %parallel_loop3A_133 : i32
          %parallel_loop3A_135 = vector.broadcast %parallel_loop3A_134 : i32 to vector<16xi32>
          %parallel_loop3A_136 = arith.constant 0 : i32
          %parallel_loop3A_137 = arith.addi %parallel_loop3A_136, %parallel_loop3A_133 : i32
          %parallel_loop3A_138 = arith.index_cast %add3A_101 : i32 to index
          %parallel_loop3A_139 = arith.index_cast %parallel_loop3A_137 : i32 to index
          %parallel_loop3A_140 = tpu.vector_load %arg7[%parallel_loop3A_138, %parallel_loop3A_139] {strides = array<i32>} : memref<9x128xf32, #tpu.memory_space<vmem>>, vector<1x16xf32>,
          %parallel_loop3A_141 = vector.shape_cast %parallel_loop3A_140 : vector<1x16xf32> to vector<16xf32>
          %parallel_loop3A_142 = vector.shape_cast %parallel_loop3A_135 : vector<16xi32> to vector<16x1xi32>
          %parallel_loop3A_143 = vector.shape_cast %parallel_loop3A_142 : vector<16x1xi32> to vector<16xi32>
          %parallel_loop3A_144 = tpu.dynamic_gather %parallel_loop3A_141[%parallel_loop3A_143] in [0] : vector<16xf32>, vector<16xi32> -> vector<16xf32>
          %parallel_loop3A_145 = arith.constant 32 : i32
          %parallel_loop3A_146 = arith.addi %parallel_loop3A_145, %parallel_loop3A_133 : i32
          %parallel_loop3A_147 = arith.index_cast %add3A_101 : i32 to index
          %parallel_loop3A_148 = arith.index_cast %parallel_loop3A_146 : i32 to index
          %parallel_loop3A_149 = tpu.vector_load %arg7[%parallel_loop3A_147, %parallel_loop3A_148] {strides = array<i32>} : memref<9x128xf32, #tpu.memory_space<vmem>>, vector<1x16xf32>,
          %parallel_loop3A_150 = vector.shape_cast %parallel_loop3A_149 : vector<1x16xf32> to vector<16xf32>
          %parallel_loop3A_151 = vector.shape_cast %parallel_loop3A_135 : vector<16xi32> to vector<16x1xi32>
          %parallel_loop3A_152 = vector.shape_cast %parallel_loop3A_151 : vector<16x1xi32> to vector<16xi32>
          %parallel_loop3A_153 = tpu.dynamic_gather %parallel_loop3A_150[%parallel_loop3A_152] in [0] : vector<16xf32>, vector<16xi32> -> vector<16xf32>
          %parallel_loop3A_154 = arith.constant 64 : i32
          %parallel_loop3A_155 = arith.addi %parallel_loop3A_154, %parallel_loop3A_133 : i32
          %parallel_loop3A_156 = arith.index_cast %add3A_101 : i32 to index
          %parallel_loop3A_157 = arith.index_cast %parallel_loop3A_155 : i32 to index
          %parallel_loop3A_158 = tpu.vector_load %arg7[%parallel_loop3A_156, %parallel_loop3A_157] {strides = array<i32>} : memref<9x128xf32, #tpu.memory_space<vmem>>, vector<1x16xf32>,
          %parallel_loop3A_159 = vector.shape_cast %parallel_loop3A_158 : vector<1x16xf32> to vector<16xf32>
          %parallel_loop3A_160 = vector.shape_cast %parallel_loop3A_135 : vector<16xi32> to vector<16x1xi32>
          %parallel_loop3A_161 = vector.shape_cast %parallel_loop3A_160 : vector<16x1xi32> to vector<16xi32>
          %parallel_loop3A_162 = tpu.dynamic_gather %parallel_loop3A_159[%parallel_loop3A_161] in [0] : vector<16xf32>, vector<16xi32> -> vector<16xf32>
          %parallel_loop3A_163 = arith.constant 96 : i32
          %parallel_loop3A_164 = arith.addi %parallel_loop3A_163, %parallel_loop3A_133 : i32
          %parallel_loop3A_165 = arith.index_cast %add3A_101 : i32 to index
          %parallel_loop3A_166 = arith.index_cast %parallel_loop3A_164 : i32 to index
          %parallel_loop3A_167 = tpu.vector_load %arg7[%parallel_loop3A_165, %parallel_loop3A_166] {strides = array<i32>} : memref<9x128xf32, #tpu.memory_space<vmem>>, vector<1x16xf32>,
          %parallel_loop3A_168 = vector.shape_cast %parallel_loop3A_167 : vector<1x16xf32> to vector<16xf32>
          %parallel_loop3A_169 = vector.shape_cast %parallel_loop3A_135 : vector<16xi32> to vector<16x1xi32>
          %parallel_loop3A_170 = vector.shape_cast %parallel_loop3A_169 : vector<16x1xi32> to vector<16xi32>
          %parallel_loop3A_171 = tpu.dynamic_gather %parallel_loop3A_168[%parallel_loop3A_170] in [0] : vector<16xf32>, vector<16xi32> -> vector<16xf32>
          %parallel_loop3A_172 = arith.constant 0 : i32
          %parallel_loop3A_173 = arith.addi %parallel_loop3A_172, %parallel_loop3A_107 : i32
          %parallel_loop3A_174 = arith.constant 1 : i32
          %parallel_loop3A_175 = arith.index_cast %parallel_loop3A_174 : i32 to index
          %parallel_loop3A_176 = arith.index_cast %parallel_loop3A_173 : i32 to index
          %parallel_loop3A_177 = arith.constant 0 : index
          %parallel_loop3A_178 = tpu.vector_load %arg8[%parallel_loop3A_175, %parallel_loop3A_176, %parallel_loop3A_177] {strides = array<i32>} : memref<2x128x96xf32, #tpu.memory_space<vmem>>, vector<1x1x16xf32>,
          %parallel_loop3A_179 = vector.shape_cast %parallel_loop3A_178 : vector<1x1x16xf32> to vector<16xf32>
          %parallel_loop3A_180 = arith.mulf %parallel_loop3A_144, %parallel_loop3A_179 : vector<16xf32>
          %parallel_loop3A_181 = arith.constant 32 : i32
          %parallel_loop3A_182 = arith.addi %parallel_loop3A_181, %parallel_loop3A_107 : i32
          %parallel_loop3A_183 = arith.constant 1 : i32
          %parallel_loop3A_184 = arith.index_cast %parallel_loop3A_183 : i32 to index
          %parallel_loop3A_185 = arith.index_cast %parallel_loop3A_182 : i32 to index
          %parallel_loop3A_186 = arith.constant 0 : index
          %parallel_loop3A_187 = tpu.vector_load %arg8[%parallel_loop3A_184, %parallel_loop3A_185, %parallel_loop3A_186] {strides = array<i32>} : memref<2x128x96xf32, #tpu.memory_space<vmem>>, vector<1x1x16xf32>,
          %parallel_loop3A_188 = vector.shape_cast %parallel_loop3A_187 : vector<1x1x16xf32> to vector<16xf32>
          %parallel_loop3A_189 = arith.mulf %parallel_loop3A_153, %parallel_loop3A_188 : vector<16xf32>
          %parallel_loop3A_190 = arith.addf %parallel_loop3A_180, %parallel_loop3A_189 : vector<16xf32>
          %parallel_loop3A_191 = arith.constant 64 : i32
          %parallel_loop3A_192 = arith.addi %parallel_loop3A_191, %parallel_loop3A_107 : i32
          %parallel_loop3A_193 = arith.constant 1 : i32
          %parallel_loop3A_194 = arith.index_cast %parallel_loop3A_193 : i32 to index
          %parallel_loop3A_195 = arith.index_cast %parallel_loop3A_192 : i32 to index
          %parallel_loop3A_196 = arith.constant 0 : index
          %parallel_loop3A_197 = tpu.vector_load %arg8[%parallel_loop3A_194, %parallel_loop3A_195, %parallel_loop3A_196] {strides = array<i32>} : memref<2x128x96xf32, #tpu.memory_space<vmem>>, vector<1x1x16xf32>,
          %parallel_loop3A_198 = vector.shape_cast %parallel_loop3A_197 : vector<1x1x16xf32> to vector<16xf32>
          %parallel_loop3A_199 = arith.mulf %parallel_loop3A_162, %parallel_loop3A_198 : vector<16xf32>
          %parallel_loop3A_200 = arith.constant 96 : i32
          %parallel_loop3A_201 = arith.addi %parallel_loop3A_200, %parallel_loop3A_107 : i32
          %parallel_loop3A_202 = arith.constant 1 : i32
          %parallel_loop3A_203 = arith.index_cast %parallel_loop3A_202 : i32 to index
          %parallel_loop3A_204 = arith.index_cast %parallel_loop3A_201 : i32 to index
          %parallel_loop3A_205 = arith.constant 0 : index
          %parallel_loop3A_206 = tpu.vector_load %arg8[%parallel_loop3A_203, %parallel_loop3A_204, %parallel_loop3A_205] {strides = array<i32>} : memref<2x128x96xf32, #tpu.memory_space<vmem>>, vector<1x1x16xf32>,
          %parallel_loop3A_207 = vector.shape_cast %parallel_loop3A_206 : vector<1x1x16xf32> to vector<16xf32>
          %parallel_loop3A_208 = arith.mulf %parallel_loop3A_171, %parallel_loop3A_207 : vector<16xf32>
          %parallel_loop3A_209 = arith.addf %parallel_loop3A_199, %parallel_loop3A_208 : vector<16xf32>
          %parallel_loop3A_210 = arith.addf %parallel_loop3A_190, %parallel_loop3A_209 : vector<16xf32>
          %parallel_loop3A_211 = arith.constant 0 : i32
          %parallel_loop3A_212 = arith.addi %mul3A_103, %parallel_loop3A_211 : i32
          %parallel_loop3A_213 = arith.index_cast %parallel_loop3A_107 : i32 to index
          %parallel_loop3A_214 = arith.index_cast %parallel_loop3A_212 : i32 to index
          %parallel_loop3A_215 = tpu.vector_load %arg9[%parallel_loop3A_213, %parallel_loop3A_214] {strides = array<i32>} : memref<32x864xf32, #tpu.memory_space<vmem>>, vector<1x16xf32>,
          %parallel_loop3A_216 = vector.shape_cast %parallel_loop3A_215 : vector<1x16xf32> to vector<16xf32>
          %parallel_loop3A_217 = vector.shape_cast %parallel_loop3A_210 : vector<16xf32> to vector<1x16xf32>
          tpu.vector_store %arg9[%parallel_loop3A_213, %parallel_loop3A_214], %parallel_loop3A_217 {strides = array<i32>} : memref<32x864xf32, #tpu.memory_space<vmem>>, vector<1x16xf32>,
          %parallel_loop3A_218 = arith.constant 0 : i32
          %parallel_loop3A_219 = arith.addi %parallel_loop3A_218, %parallel_loop3A_107 : i32
          %parallel_loop3A_220 = arith.constant 1 : i32
          %parallel_loop3A_221 = arith.index_cast %parallel_loop3A_220 : i32 to index
          %parallel_loop3A_222 = arith.index_cast %parallel_loop3A_219 : i32 to index
          %parallel_loop3A_223 = arith.constant 16 : index
          %parallel_loop3A_224 = tpu.vector_load %arg8[%parallel_loop3A_221, %parallel_loop3A_222, %parallel_loop3A_223] {strides = array<i32>} : memref<2x128x96xf32, #tpu.memory_space<vmem>>, vector<1x1x16xf32>,
          %parallel_loop3A_225 = vector.shape_cast %parallel_loop3A_224 : vector<1x1x16xf32> to vector<16xf32>
          %parallel_loop3A_226 = arith.mulf %parallel_loop3A_144, %parallel_loop3A_225 : vector<16xf32>
          %parallel_loop3A_227 = arith.constant 32 : i32
          %parallel_loop3A_228 = arith.addi %parallel_loop3A_227, %parallel_loop3A_107 : i32
          %parallel_loop3A_229 = arith.constant 1 : i32
          %parallel_loop3A_230 = arith.index_cast %parallel_loop3A_229 : i32 to index
          %parallel_loop3A_231 = arith.index_cast %parallel_loop3A_228 : i32 to index
          %parallel_loop3A_232 = arith.constant 16 : index
          %parallel_loop3A_233 = tpu.vector_load %arg8[%parallel_loop3A_230, %parallel_loop3A_231, %parallel_loop3A_232] {strides = array<i32>} : memref<2x128x96xf32, #tpu.memory_space<vmem>>, vector<1x1x16xf32>,
          %parallel_loop3A_234 = vector.shape_cast %parallel_loop3A_233 : vector<1x1x16xf32> to vector<16xf32>
          %parallel_loop3A_235 = arith.mulf %parallel_loop3A_153, %parallel_loop3A_234 : vector<16xf32>
          %parallel_loop3A_236 = arith.addf %parallel_loop3A_226, %parallel_loop3A_235 : vector<16xf32>
          %parallel_loop3A_237 = arith.constant 64 : i32
          %parallel_loop3A_238 = arith.addi %parallel_loop3A_237, %parallel_loop3A_107 : i32
          %parallel_loop3A_239 = arith.constant 1 : i32
          %parallel_loop3A_240 = arith.index_cast %parallel_loop3A_239 : i32 to index
          %parallel_loop3A_241 = arith.index_cast %parallel_loop3A_238 : i32 to index
          %parallel_loop3A_242 = arith.constant 16 : index
          %parallel_loop3A_243 = tpu.vector_load %arg8[%parallel_loop3A_240, %parallel_loop3A_241, %parallel_loop3A_242] {strides = array<i32>} : memref<2x128x96xf32, #tpu.memory_space<vmem>>, vector<1x1x16xf32>,
          %parallel_loop3A_244 = vector.shape_cast %parallel_loop3A_243 : vector<1x1x16xf32> to vector<16xf32>
          %parallel_loop3A_245 = arith.mulf %parallel_loop3A_162, %parallel_loop3A_244 : vector<16xf32>
          %parallel_loop3A_246 = arith.constant 96 : i32
          %parallel_loop3A_247 = arith.addi %parallel_loop3A_246, %parallel_loop3A_107 : i32
          %parallel_loop3A_248 = arith.constant 1 : i32
          %parallel_loop3A_249 = arith.index_cast %parallel_loop3A_248 : i32 to index
          %parallel_loop3A_250 = arith.index_cast %parallel_loop3A_247 : i32 to index
          %parallel_loop3A_251 = arith.constant 16 : index
          %parallel_loop3A_252 = tpu.vector_load %arg8[%parallel_loop3A_249, %parallel_loop3A_250, %parallel_loop3A_251] {strides = array<i32>} : memref<2x128x96xf32, #tpu.memory_space<vmem>>, vector<1x1x16xf32>,
          %parallel_loop3A_253 = vector.shape_cast %parallel_loop3A_252 : vector<1x1x16xf32> to vector<16xf32>
          %parallel_loop3A_254 = arith.mulf %parallel_loop3A_171, %parallel_loop3A_253 : vector<16xf32>
          %parallel_loop3A_255 = arith.addf %parallel_loop3A_245, %parallel_loop3A_254 : vector<16xf32>
          %parallel_loop3A_256 = arith.addf %parallel_loop3A_236, %parallel_loop3A_255 : vector<16xf32>
          %parallel_loop3A_257 = arith.constant 16 : i32
          %parallel_loop3A_258 = arith.addi %mul3A_103, %parallel_loop3A_257 : i32
          %parallel_loop3A_259 = arith.index_cast %parallel_loop3A_107 : i32 to index
          %parallel_loop3A_260 = arith.index_cast %parallel_loop3A_258 : i32 to index
          %parallel_loop3A_261 = tpu.vector_load %arg9[%parallel_loop3A_259, %parallel_loop3A_260] {strides = array<i32>} : memref<32x864xf32, #tpu.memory_space<vmem>>, vector<1x16xf32>,
          %parallel_loop3A_262 = vector.shape_cast %parallel_loop3A_261 : vector<1x16xf32> to vector<16xf32>
          %parallel_loop3A_263 = vector.shape_cast %parallel_loop3A_256 : vector<16xf32> to vector<1x16xf32>
          tpu.vector_store %arg9[%parallel_loop3A_259, %parallel_loop3A_260], %parallel_loop3A_263 {strides = array<i32>} : memref<32x864xf32, #tpu.memory_space<vmem>>, vector<1x16xf32>,
          %parallel_loop3A_264 = arith.constant 0 : i32
          %parallel_loop3A_265 = arith.addi %parallel_loop3A_264, %parallel_loop3A_107 : i32
          %parallel_loop3A_266 = arith.constant 1 : i32
          %parallel_loop3A_267 = arith.index_cast %parallel_loop3A_266 : i32 to index
          %parallel_loop3A_268 = arith.index_cast %parallel_loop3A_265 : i32 to index
          %parallel_loop3A_269 = arith.constant 32 : index
          %parallel_loop3A_270 = tpu.vector_load %arg8[%parallel_loop3A_267, %parallel_loop3A_268, %parallel_loop3A_269] {strides = array<i32>} : memref<2x128x96xf32, #tpu.memory_space<vmem>>, vector<1x1x16xf32>,
          %parallel_loop3A_271 = vector.shape_cast %parallel_loop3A_270 : vector<1x1x16xf32> to vector<16xf32>
          %parallel_loop3A_272 = arith.mulf %parallel_loop3A_144, %parallel_loop3A_271 : vector<16xf32>
          %parallel_loop3A_273 = arith.constant 32 : i32
          %parallel_loop3A_274 = arith.addi %parallel_loop3A_273, %parallel_loop3A_107 : i32
          %parallel_loop3A_275 = arith.constant 1 : i32
          %parallel_loop3A_276 = arith.index_cast %parallel_loop3A_275 : i32 to index
          %parallel_loop3A_277 = arith.index_cast %parallel_loop3A_274 : i32 to index
          %parallel_loop3A_278 = arith.constant 32 : index
          %parallel_loop3A_279 = tpu.vector_load %arg8[%parallel_loop3A_276, %parallel_loop3A_277, %parallel_loop3A_278] {strides = array<i32>} : memref<2x128x96xf32, #tpu.memory_space<vmem>>, vector<1x1x16xf32>,
          %parallel_loop3A_280 = vector.shape_cast %parallel_loop3A_279 : vector<1x1x16xf32> to vector<16xf32>
          %parallel_loop3A_281 = arith.mulf %parallel_loop3A_153, %parallel_loop3A_280 : vector<16xf32>
          %parallel_loop3A_282 = arith.addf %parallel_loop3A_272, %parallel_loop3A_281 : vector<16xf32>
          %parallel_loop3A_283 = arith.constant 64 : i32
          %parallel_loop3A_284 = arith.addi %parallel_loop3A_283, %parallel_loop3A_107 : i32
          %parallel_loop3A_285 = arith.constant 1 : i32
          %parallel_loop3A_286 = arith.index_cast %parallel_loop3A_285 : i32 to index
          %parallel_loop3A_287 = arith.index_cast %parallel_loop3A_284 : i32 to index
          %parallel_loop3A_288 = arith.constant 32 : index
          %parallel_loop3A_289 = tpu.vector_load %arg8[%parallel_loop3A_286, %parallel_loop3A_287, %parallel_loop3A_288] {strides = array<i32>} : memref<2x128x96xf32, #tpu.memory_space<vmem>>, vector<1x1x16xf32>,
          %parallel_loop3A_290 = vector.shape_cast %parallel_loop3A_289 : vector<1x1x16xf32> to vector<16xf32>
          %parallel_loop3A_291 = arith.mulf %parallel_loop3A_162, %parallel_loop3A_290 : vector<16xf32>
          %parallel_loop3A_292 = arith.constant 96 : i32
          %parallel_loop3A_293 = arith.addi %parallel_loop3A_292, %parallel_loop3A_107 : i32
          %parallel_loop3A_294 = arith.constant 1 : i32
          %parallel_loop3A_295 = arith.index_cast %parallel_loop3A_294 : i32 to index
          %parallel_loop3A_296 = arith.index_cast %parallel_loop3A_293 : i32 to index
          %parallel_loop3A_297 = arith.constant 32 : index
          %parallel_loop3A_298 = tpu.vector_load %arg8[%parallel_loop3A_295, %parallel_loop3A_296, %parallel_loop3A_297] {strides = array<i32>} : memref<2x128x96xf32, #tpu.memory_space<vmem>>, vector<1x1x16xf32>,
          %parallel_loop3A_299 = vector.shape_cast %parallel_loop3A_298 : vector<1x1x16xf32> to vector<16xf32>
          %parallel_loop3A_300 = arith.mulf %parallel_loop3A_171, %parallel_loop3A_299 : vector<16xf32>
          %parallel_loop3A_301 = arith.addf %parallel_loop3A_291, %parallel_loop3A_300 : vector<16xf32>
          %parallel_loop3A_302 = arith.addf %parallel_loop3A_282, %parallel_loop3A_301 : vector<16xf32>
          %parallel_loop3A_303 = arith.constant 32 : i32
          %parallel_loop3A_304 = arith.addi %mul3A_103, %parallel_loop3A_303 : i32
          %parallel_loop3A_305 = arith.index_cast %parallel_loop3A_107 : i32 to index
          %parallel_loop3A_306 = arith.index_cast %parallel_loop3A_304 : i32 to index
          %parallel_loop3A_307 = tpu.vector_load %arg9[%parallel_loop3A_305, %parallel_loop3A_306] {strides = array<i32>} : memref<32x864xf32, #tpu.memory_space<vmem>>, vector<1x16xf32>,
          %parallel_loop3A_308 = vector.shape_cast %parallel_loop3A_307 : vector<1x16xf32> to vector<16xf32>
          %parallel_loop3A_309 = vector.shape_cast %parallel_loop3A_302 : vector<16xf32> to vector<1x16xf32>
          tpu.vector_store %arg9[%parallel_loop3A_305, %parallel_loop3A_306], %parallel_loop3A_309 {strides = array<i32>} : memref<32x864xf32, #tpu.memory_space<vmem>>, vector<1x16xf32>,
          %parallel_loop3A_310 = arith.constant 0 : i32
          %parallel_loop3A_311 = arith.addi %parallel_loop3A_310, %parallel_loop3A_107 : i32
          %parallel_loop3A_312 = arith.constant 1 : i32
          %parallel_loop3A_313 = arith.index_cast %parallel_loop3A_312 : i32 to index
          %parallel_loop3A_314 = arith.index_cast %parallel_loop3A_311 : i32 to index
          %parallel_loop3A_315 = arith.constant 48 : index
          %parallel_loop3A_316 = tpu.vector_load %arg8[%parallel_loop3A_313, %parallel_loop3A_314, %parallel_loop3A_315] {strides = array<i32>} : memref<2x128x96xf32, #tpu.memory_space<vmem>>, vector<1x1x16xf32>,
          %parallel_loop3A_317 = vector.shape_cast %parallel_loop3A_316 : vector<1x1x16xf32> to vector<16xf32>
          %parallel_loop3A_318 = arith.mulf %parallel_loop3A_144, %parallel_loop3A_317 : vector<16xf32>
          %parallel_loop3A_319 = arith.constant 32 : i32
          %parallel_loop3A_320 = arith.addi %parallel_loop3A_319, %parallel_loop3A_107 : i32
          %parallel_loop3A_321 = arith.constant 1 : i32
          %parallel_loop3A_322 = arith.index_cast %parallel_loop3A_321 : i32 to index
          %parallel_loop3A_323 = arith.index_cast %parallel_loop3A_320 : i32 to index
          %parallel_loop3A_324 = arith.constant 48 : index
          %parallel_loop3A_325 = tpu.vector_load %arg8[%parallel_loop3A_322, %parallel_loop3A_323, %parallel_loop3A_324] {strides = array<i32>} : memref<2x128x96xf32, #tpu.memory_space<vmem>>, vector<1x1x16xf32>,
          %parallel_loop3A_326 = vector.shape_cast %parallel_loop3A_325 : vector<1x1x16xf32> to vector<16xf32>
          %parallel_loop3A_327 = arith.mulf %parallel_loop3A_153, %parallel_loop3A_326 : vector<16xf32>
          %parallel_loop3A_328 = arith.addf %parallel_loop3A_318, %parallel_loop3A_327 : vector<16xf32>
          %parallel_loop3A_329 = arith.constant 64 : i32
          %parallel_loop3A_330 = arith.addi %parallel_loop3A_329, %parallel_loop3A_107 : i32
          %parallel_loop3A_331 = arith.constant 1 : i32
          %parallel_loop3A_332 = arith.index_cast %parallel_loop3A_331 : i32 to index
          %parallel_loop3A_333 = arith.index_cast %parallel_loop3A_330 : i32 to index
          %parallel_loop3A_334 = arith.constant 48 : index
          %parallel_loop3A_335 = tpu.vector_load %arg8[%parallel_loop3A_332, %parallel_loop3A_333, %parallel_loop3A_334] {strides = array<i32>} : memref<2x128x96xf32, #tpu.memory_space<vmem>>, vector<1x1x16xf32>,
          %parallel_loop3A_336 = vector.shape_cast %parallel_loop3A_335 : vector<1x1x16xf32> to vector<16xf32>
          %parallel_loop3A_337 = arith.mulf %parallel_loop3A_162, %parallel_loop3A_336 : vector<16xf32>
          %parallel_loop3A_338 = arith.constant 96 : i32
          %parallel_loop3A_339 = arith.addi %parallel_loop3A_338, %parallel_loop3A_107 : i32
          %parallel_loop3A_340 = arith.constant 1 : i32
          %parallel_loop3A_341 = arith.index_cast %parallel_loop3A_340 : i32 to index
          %parallel_loop3A_342 = arith.index_cast %parallel_loop3A_339 : i32 to index
          %parallel_loop3A_343 = arith.constant 48 : index
          %parallel_loop3A_344 = tpu.vector_load %arg8[%parallel_loop3A_341, %parallel_loop3A_342, %parallel_loop3A_343] {strides = array<i32>} : memref<2x128x96xf32, #tpu.memory_space<vmem>>, vector<1x1x16xf32>,
          %parallel_loop3A_345 = vector.shape_cast %parallel_loop3A_344 : vector<1x1x16xf32> to vector<16xf32>
          %parallel_loop3A_346 = arith.mulf %parallel_loop3A_171, %parallel_loop3A_345 : vector<16xf32>
          %parallel_loop3A_347 = arith.addf %parallel_loop3A_337, %parallel_loop3A_346 : vector<16xf32>
          %parallel_loop3A_348 = arith.addf %parallel_loop3A_328, %parallel_loop3A_347 : vector<16xf32>
          %parallel_loop3A_349 = arith.constant 48 : i32
          %parallel_loop3A_350 = arith.addi %mul3A_103, %parallel_loop3A_349 : i32
          %parallel_loop3A_351 = arith.index_cast %parallel_loop3A_107 : i32 to index
          %parallel_loop3A_352 = arith.index_cast %parallel_loop3A_350 : i32 to index
          %parallel_loop3A_353 = tpu.vector_load %arg9[%parallel_loop3A_351, %parallel_loop3A_352] {strides = array<i32>} : memref<32x864xf32, #tpu.memory_space<vmem>>, vector<1x16xf32>,
          %parallel_loop3A_354 = vector.shape_cast %parallel_loop3A_353 : vector<1x16xf32> to vector<16xf32>
          %parallel_loop3A_355 = vector.shape_cast %parallel_loop3A_348 : vector<16xf32> to vector<1x16xf32>
          tpu.vector_store %arg9[%parallel_loop3A_351, %parallel_loop3A_352], %parallel_loop3A_355 {strides = array<i32>} : memref<32x864xf32, #tpu.memory_space<vmem>>, vector<1x16xf32>,
          %parallel_loop3A_356 = arith.constant 0 : i32
          %parallel_loop3A_357 = arith.addi %parallel_loop3A_356, %parallel_loop3A_107 : i32
          %parallel_loop3A_358 = arith.constant 1 : i32
          %parallel_loop3A_359 = arith.index_cast %parallel_loop3A_358 : i32 to index
          %parallel_loop3A_360 = arith.index_cast %parallel_loop3A_357 : i32 to index
          %parallel_loop3A_361 = arith.constant 64 : index
          %parallel_loop3A_362 = tpu.vector_load %arg8[%parallel_loop3A_359, %parallel_loop3A_360, %parallel_loop3A_361] {strides = array<i32>} : memref<2x128x96xf32, #tpu.memory_space<vmem>>, vector<1x1x16xf32>,
          %parallel_loop3A_363 = vector.shape_cast %parallel_loop3A_362 : vector<1x1x16xf32> to vector<16xf32>
          %parallel_loop3A_364 = arith.mulf %parallel_loop3A_144, %parallel_loop3A_363 : vector<16xf32>
          %parallel_loop3A_365 = arith.constant 32 : i32
          %parallel_loop3A_366 = arith.addi %parallel_loop3A_365, %parallel_loop3A_107 : i32
          %parallel_loop3A_367 = arith.constant 1 : i32
          %parallel_loop3A_368 = arith.index_cast %parallel_loop3A_367 : i32 to index
          %parallel_loop3A_369 = arith.index_cast %parallel_loop3A_366 : i32 to index
          %parallel_loop3A_370 = arith.constant 64 : index
          %parallel_loop3A_371 = tpu.vector_load %arg8[%parallel_loop3A_368, %parallel_loop3A_369, %parallel_loop3A_370] {strides = array<i32>} : memref<2x128x96xf32, #tpu.memory_space<vmem>>, vector<1x1x16xf32>,
          %parallel_loop3A_372 = vector.shape_cast %parallel_loop3A_371 : vector<1x1x16xf32> to vector<16xf32>
          %parallel_loop3A_373 = arith.mulf %parallel_loop3A_153, %parallel_loop3A_372 : vector<16xf32>
          %parallel_loop3A_374 = arith.addf %parallel_loop3A_364, %parallel_loop3A_373 : vector<16xf32>
          %parallel_loop3A_375 = arith.constant 64 : i32
          %parallel_loop3A_376 = arith.addi %parallel_loop3A_375, %parallel_loop3A_107 : i32
          %parallel_loop3A_377 = arith.constant 1 : i32
          %parallel_loop3A_378 = arith.index_cast %parallel_loop3A_377 : i32 to index
          %parallel_loop3A_379 = arith.index_cast %parallel_loop3A_376 : i32 to index
          %parallel_loop3A_380 = arith.constant 64 : index
          %parallel_loop3A_381 = tpu.vector_load %arg8[%parallel_loop3A_378, %parallel_loop3A_379, %parallel_loop3A_380] {strides = array<i32>} : memref<2x128x96xf32, #tpu.memory_space<vmem>>, vector<1x1x16xf32>,
          %parallel_loop3A_382 = vector.shape_cast %parallel_loop3A_381 : vector<1x1x16xf32> to vector<16xf32>
          %parallel_loop3A_383 = arith.mulf %parallel_loop3A_162, %parallel_loop3A_382 : vector<16xf32>
          %parallel_loop3A_384 = arith.constant 96 : i32
          %parallel_loop3A_385 = arith.addi %parallel_loop3A_384, %parallel_loop3A_107 : i32
          %parallel_loop3A_386 = arith.constant 1 : i32
          %parallel_loop3A_387 = arith.index_cast %parallel_loop3A_386 : i32 to index
          %parallel_loop3A_388 = arith.index_cast %parallel_loop3A_385 : i32 to index
          %parallel_loop3A_389 = arith.constant 64 : index
          %parallel_loop3A_390 = tpu.vector_load %arg8[%parallel_loop3A_387, %parallel_loop3A_388, %parallel_loop3A_389] {strides = array<i32>} : memref<2x128x96xf32, #tpu.memory_space<vmem>>, vector<1x1x16xf32>,
          %parallel_loop3A_391 = vector.shape_cast %parallel_loop3A_390 : vector<1x1x16xf32> to vector<16xf32>
          %parallel_loop3A_392 = arith.mulf %parallel_loop3A_171, %parallel_loop3A_391 : vector<16xf32>
          %parallel_loop3A_393 = arith.addf %parallel_loop3A_383, %parallel_loop3A_392 : vector<16xf32>
          %parallel_loop3A_394 = arith.addf %parallel_loop3A_374, %parallel_loop3A_393 : vector<16xf32>
          %parallel_loop3A_395 = arith.constant 64 : i32
          %parallel_loop3A_396 = arith.addi %mul3A_103, %parallel_loop3A_395 : i32
          %parallel_loop3A_397 = arith.index_cast %parallel_loop3A_107 : i32 to index
          %parallel_loop3A_398 = arith.index_cast %parallel_loop3A_396 : i32 to index
          %parallel_loop3A_399 = tpu.vector_load %arg9[%parallel_loop3A_397, %parallel_loop3A_398] {strides = array<i32>} : memref<32x864xf32, #tpu.memory_space<vmem>>, vector<1x16xf32>,
          %parallel_loop3A_400 = vector.shape_cast %parallel_loop3A_399 : vector<1x16xf32> to vector<16xf32>
          %parallel_loop3A_401 = vector.shape_cast %parallel_loop3A_394 : vector<16xf32> to vector<1x16xf32>
          tpu.vector_store %arg9[%parallel_loop3A_397, %parallel_loop3A_398], %parallel_loop3A_401 {strides = array<i32>} : memref<32x864xf32, #tpu.memory_space<vmem>>, vector<1x16xf32>,
          %parallel_loop3A_402 = arith.constant 0 : i32
          %parallel_loop3A_403 = arith.addi %parallel_loop3A_402, %parallel_loop3A_107 : i32
          %parallel_loop3A_404 = arith.constant 1 : i32
          %parallel_loop3A_405 = arith.index_cast %parallel_loop3A_404 : i32 to index
          %parallel_loop3A_406 = arith.index_cast %parallel_loop3A_403 : i32 to index
          %parallel_loop3A_407 = arith.constant 80 : index
          %parallel_loop3A_408 = tpu.vector_load %arg8[%parallel_loop3A_405, %parallel_loop3A_406, %parallel_loop3A_407] {strides = array<i32>} : memref<2x128x96xf32, #tpu.memory_space<vmem>>, vector<1x1x16xf32>,
          %parallel_loop3A_409 = vector.shape_cast %parallel_loop3A_408 : vector<1x1x16xf32> to vector<16xf32>
          %parallel_loop3A_410 = arith.mulf %parallel_loop3A_144, %parallel_loop3A_409 : vector<16xf32>
          %parallel_loop3A_411 = arith.constant 32 : i32
          %parallel_loop3A_412 = arith.addi %parallel_loop3A_411, %parallel_loop3A_107 : i32
          %parallel_loop3A_413 = arith.constant 1 : i32
          %parallel_loop3A_414 = arith.index_cast %parallel_loop3A_413 : i32 to index
          %parallel_loop3A_415 = arith.index_cast %parallel_loop3A_412 : i32 to index
          %parallel_loop3A_416 = arith.constant 80 : index
          %parallel_loop3A_417 = tpu.vector_load %arg8[%parallel_loop3A_414, %parallel_loop3A_415, %parallel_loop3A_416] {strides = array<i32>} : memref<2x128x96xf32, #tpu.memory_space<vmem>>, vector<1x1x16xf32>,
          %parallel_loop3A_418 = vector.shape_cast %parallel_loop3A_417 : vector<1x1x16xf32> to vector<16xf32>
          %parallel_loop3A_419 = arith.mulf %parallel_loop3A_153, %parallel_loop3A_418 : vector<16xf32>
          %parallel_loop3A_420 = arith.addf %parallel_loop3A_410, %parallel_loop3A_419 : vector<16xf32>
          %parallel_loop3A_421 = arith.constant 64 : i32
          %parallel_loop3A_422 = arith.addi %parallel_loop3A_421, %parallel_loop3A_107 : i32
          %parallel_loop3A_423 = arith.constant 1 : i32
          %parallel_loop3A_424 = arith.index_cast %parallel_loop3A_423 : i32 to index
          %parallel_loop3A_425 = arith.index_cast %parallel_loop3A_422 : i32 to index
          %parallel_loop3A_426 = arith.constant 80 : index
          %parallel_loop3A_427 = tpu.vector_load %arg8[%parallel_loop3A_424, %parallel_loop3A_425, %parallel_loop3A_426] {strides = array<i32>} : memref<2x128x96xf32, #tpu.memory_space<vmem>>, vector<1x1x16xf32>,
          %parallel_loop3A_428 = vector.shape_cast %parallel_loop3A_427 : vector<1x1x16xf32> to vector<16xf32>
          %parallel_loop3A_429 = arith.mulf %parallel_loop3A_162, %parallel_loop3A_428 : vector<16xf32>
          %parallel_loop3A_430 = arith.constant 96 : i32
          %parallel_loop3A_431 = arith.addi %parallel_loop3A_430, %parallel_loop3A_107 : i32
          %parallel_loop3A_432 = arith.constant 1 : i32
          %parallel_loop3A_433 = arith.index_cast %parallel_loop3A_432 : i32 to index
          %parallel_loop3A_434 = arith.index_cast %parallel_loop3A_431 : i32 to index
          %parallel_loop3A_435 = arith.constant 80 : index
          %parallel_loop3A_436 = tpu.vector_load %arg8[%parallel_loop3A_433, %parallel_loop3A_434, %parallel_loop3A_435] {strides = array<i32>} : memref<2x128x96xf32, #tpu.memory_space<vmem>>, vector<1x1x16xf32>,
          %parallel_loop3A_437 = vector.shape_cast %parallel_loop3A_436 : vector<1x1x16xf32> to vector<16xf32>
          %parallel_loop3A_438 = arith.mulf %parallel_loop3A_171, %parallel_loop3A_437 : vector<16xf32>
          %parallel_loop3A_439 = arith.addf %parallel_loop3A_429, %parallel_loop3A_438 : vector<16xf32>
          %parallel_loop3A_440 = arith.addf %parallel_loop3A_420, %parallel_loop3A_439 : vector<16xf32>
          %parallel_loop3A_441 = arith.constant 80 : i32
          %parallel_loop3A_442 = arith.addi %mul3A_103, %parallel_loop3A_441 : i32
          %parallel_loop3A_443 = arith.index_cast %parallel_loop3A_107 : i32 to index
          %parallel_loop3A_444 = arith.index_cast %parallel_loop3A_442 : i32 to index
          %parallel_loop3A_445 = tpu.vector_load %arg9[%parallel_loop3A_443, %parallel_loop3A_444] {strides = array<i32>} : memref<32x864xf32, #tpu.memory_space<vmem>>, vector<1x16xf32>,
          %parallel_loop3A_446 = vector.shape_cast %parallel_loop3A_445 : vector<1x16xf32> to vector<16xf32>
          %parallel_loop3A_447 = vector.shape_cast %parallel_loop3A_440 : vector<16xf32> to vector<1x16xf32>
          tpu.vector_store %arg9[%parallel_loop3A_443, %parallel_loop3A_444], %parallel_loop3A_447 {strides = array<i32>} : memref<32x864xf32, #tpu.memory_space<vmem>>, vector<1x16xf32>,
        } {sc.loop_unroll_factor = 4 : i64, sc.parallel_access}
      }
      %scan3A_28 = arith.constant 4 : i32
      %dma_wait3A = arith.constant 0 : i32
      %dma_wait3A_29 = arith.constant 0 : i32
      %dma_wait3A_30 = arith.constant 0 : i32
      %dma_wait3A_31 = arith.constant 0 : i32
      %dma_wait3A_32 = tpu.memref_slice %arg8[%dma_wait3A_29, %dma_wait3A_30, %dma_wait3A_31] : memref<2x128x96xf32, #tpu.memory_space<vmem>> -> memref<1x128x96xf32, #tpu.memory_space<vmem>>
      %dma_wait3A_33 = tpu.memref_squeeze %dma_wait3A_32 : memref<1x128x96xf32, #tpu.memory_space<vmem>> -> memref<128x96xf32, #tpu.memory_space<vmem>>
      %dma_wait3A_34 = arith.constant 0 : i32
      %dma_wait3A_35 = tpu.memref_slice %arg6[%dma_wait3A, %dma_wait3A_34] : memref<9x128xi32, #tpu.memory_space<vmem>> -> memref<1x128xi32, #tpu.memory_space<vmem>>
      %dma_wait3A_36 = tpu.memref_squeeze %dma_wait3A_35 : memref<1x128xi32, #tpu.memory_space<vmem>> -> memref<128xi32, #tpu.memory_space<vmem>>
      %dma_wait3A_37 = arith.constant 0 : i32
      %dma_wait3A_38 = arith.constant 0 : i32
      %dma_wait3A_39 = tpu.memref_slice %arg2[%dma_wait3A_37, %dma_wait3A_38] : memref<50176x96xf32, #tpu.memory_space<hbm>> -> memref<50176x96xf32, #tpu.memory_space<hbm>>
      tpu.wait_indirect_dma semaphore(%arg10 : memref<!tpu.dma_semaphore, #tpu.memory_space<semaphore_mem>>) src(%dma_wait3A_39 : memref<50176x96xf32, #tpu.memory_space<hbm>>) dst(%dma_wait3A_33 : memref<128x96xf32, #tpu.memory_space<vmem>>)
      %parallel_loop3A = arith.constant 0 : i32
      %parallel_loop3A_40 = arith.constant 32 : i32
      %parallel_loop3A_41 = arith.constant 1 : i32
      scf.for %parallel_loop3A_42 = %parallel_loop3A to %parallel_loop3A_40 step %parallel_loop3A_41  : i32 {
        %parallel_loop3A_43 = arith.constant 16 : i32
        %parallel_loop3A_44 = arith.divsi %parallel_loop3A_42, %parallel_loop3A_43 : i32
        %parallel_loop3A_45 = arith.constant 0 : i32
        %parallel_loop3A_46 = arith.cmpi sgt, %parallel_loop3A_42, %parallel_loop3A_45 : i32
        %parallel_loop3A_47 = arith.extui %parallel_loop3A_46 : i1 to i32
        %parallel_loop3A_48 = arith.constant 0 : i32
        %parallel_loop3A_49 = arith.cmpi slt, %parallel_loop3A_42, %parallel_loop3A_48 : i32
        %parallel_loop3A_50 = arith.extui %parallel_loop3A_49 : i1 to i32
        %parallel_loop3A_51 = arith.subi %parallel_loop3A_47, %parallel_loop3A_50 : i32
        %parallel_loop3A_52 = arith.constant 0 : i32
        %parallel_loop3A_53 = arith.cmpi sgt, %parallel_loop3A_43, %parallel_loop3A_52 : i32
        %parallel_loop3A_54 = arith.extui %parallel_loop3A_53 : i1 to i32
        %parallel_loop3A_55 = arith.constant 0 : i32
        %parallel_loop3A_56 = arith.cmpi slt, %parallel_loop3A_43, %parallel_loop3A_55 : i32
        %parallel_loop3A_57 = arith.extui %parallel_loop3A_56 : i1 to i32
        %parallel_loop3A_58 = arith.subi %parallel_loop3A_54, %parallel_loop3A_57 : i32
        %parallel_loop3A_59 = arith.cmpi ne, %parallel_loop3A_51, %parallel_loop3A_58 : i32
        %parallel_loop3A_60 = arith.remsi %parallel_loop3A_42, %parallel_loop3A_43 : i32
        %parallel_loop3A_61 = arith.constant 0 : i32
        %parallel_loop3A_62 = arith.cmpi ne, %parallel_loop3A_60, %parallel_loop3A_61 : i32
        %parallel_loop3A_63 = arith.andi %parallel_loop3A_59, %parallel_loop3A_62 : i1
        %parallel_loop3A_64 = arith.constant 1 : i32
        %parallel_loop3A_65 = arith.subi %parallel_loop3A_44, %parallel_loop3A_64 : i32
        %parallel_loop3A_66 = arith.select %parallel_loop3A_63, %parallel_loop3A_65, %parallel_loop3A_44 : i32
        %parallel_loop3A_67 = arith.constant 16 : i32
        %parallel_loop3A_68 = arith.muli %parallel_loop3A_66, %parallel_loop3A_67 : i32
        %parallel_loop3A_69 = arith.subi %parallel_loop3A_42, %parallel_loop3A_68 : i32
        %parallel_loop3A_70 = vector.broadcast %parallel_loop3A_69 : i32 to vector<16xi32>
        %parallel_loop3A_71 = arith.constant 0 : i32
        %parallel_loop3A_72 = arith.addi %parallel_loop3A_71, %parallel_loop3A_68 : i32
        %parallel_loop3A_73 = arith.constant 8 : i32
        %parallel_loop3A_74 = arith.index_cast %parallel_loop3A_73 : i32 to index
        %parallel_loop3A_75 = arith.index_cast %parallel_loop3A_72 : i32 to index
        %parallel_loop3A_76 = tpu.vector_load %arg7[%parallel_loop3A_74, %parallel_loop3A_75] {strides = array<i32>} : memref<9x128xf32, #tpu.memory_space<vmem>>, vector<1x16xf32>,
        %parallel_loop3A_77 = vector.shape_cast %parallel_loop3A_76 : vector<1x16xf32> to vector<16xf32>
        %parallel_loop3A_78 = vector.shape_cast %parallel_loop3A_70 : vector<16xi32> to vector<16x1xi32>
        %parallel_loop3A_79 = vector.shape_cast %parallel_loop3A_78 : vector<16x1xi32> to vector<16xi32>
        %parallel_loop3A_80 = tpu.dynamic_gather %parallel_loop3A_77[%parallel_loop3A_79] in [0] : vector<16xf32>, vector<16xi32> -> vector<16xf32>
        %parallel_loop3A_81 = arith.constant 32 : i32
        %parallel_loop3A_82 = arith.addi %parallel_loop3A_81, %parallel_loop3A_68 : i32
        %parallel_loop3A_83 = arith.constant 8 : i32
        %parallel_loop3A_84 = arith.index_cast %parallel_loop3A_83 : i32 to index
        %parallel_loop3A_85 = arith.index_cast %parallel_loop3A_82 : i32 to index
        %parallel_loop3A_86 = tpu.vector_load %arg7[%parallel_loop3A_84, %parallel_loop3A_85] {strides = array<i32>} : memref<9x128xf32, #tpu.memory_space<vmem>>, vector<1x16xf32>,
        %parallel_loop3A_87 = vector.shape_cast %parallel_loop3A_86 : vector<1x16xf32> to vector<16xf32>
        %parallel_loop3A_88 = vector.shape_cast %parallel_loop3A_70 : vector<16xi32> to vector<16x1xi32>
        %parallel_loop3A_89 = vector.shape_cast %parallel_loop3A_88 : vector<16x1xi32> to vector<16xi32>
        %parallel_loop3A_90 = tpu.dynamic_gather %parallel_loop3A_87[%parallel_loop3A_89] in [0] : vector<16xf32>, vector<16xi32> -> vector<16xf32>
        %parallel_loop3A_91 = arith.constant 64 : i32
        %parallel_loop3A_92 = arith.addi %parallel_loop3A_91, %parallel_loop3A_68 : i32
        %parallel_loop3A_93 = arith.constant 8 : i32
        %parallel_loop3A_94 = arith.index_cast %parallel_loop3A_93 : i32 to index
        %parallel_loop3A_95 = arith.index_cast %parallel_loop3A_92 : i32 to index
        %parallel_loop3A_96 = tpu.vector_load %arg7[%parallel_loop3A_94, %parallel_loop3A_95] {strides = array<i32>} : memref<9x128xf32, #tpu.memory_space<vmem>>, vector<1x16xf32>,
        %parallel_loop3A_97 = vector.shape_cast %parallel_loop3A_96 : vector<1x16xf32> to vector<16xf32>
        %parallel_loop3A_98 = vector.shape_cast %parallel_loop3A_70 : vector<16xi32> to vector<16x1xi32>
        %parallel_loop3A_99 = vector.shape_cast %parallel_loop3A_98 : vector<16x1xi32> to vector<16xi32>
        %parallel_loop3A_100 = tpu.dynamic_gather %parallel_loop3A_97[%parallel_loop3A_99] in [0] : vector<16xf32>, vector<16xi32> -> vector<16xf32>
        %parallel_loop3A_101 = arith.constant 96 : i32
        %parallel_loop3A_102 = arith.addi %parallel_loop3A_101, %parallel_loop3A_68 : i32
        %parallel_loop3A_103 = arith.constant 8 : i32
        %parallel_loop3A_104 = arith.index_cast %parallel_loop3A_103 : i32 to index
        %parallel_loop3A_105 = arith.index_cast %parallel_loop3A_102 : i32 to index
        %parallel_loop3A_106 = tpu.vector_load %arg7[%parallel_loop3A_104, %parallel_loop3A_105] {strides = array<i32>} : memref<9x128xf32, #tpu.memory_space<vmem>>, vector<1x16xf32>,
        %parallel_loop3A_107 = vector.shape_cast %parallel_loop3A_106 : vector<1x16xf32> to vector<16xf32>
        %parallel_loop3A_108 = vector.shape_cast %parallel_loop3A_70 : vector<16xi32> to vector<16x1xi32>
        %parallel_loop3A_109 = vector.shape_cast %parallel_loop3A_108 : vector<16x1xi32> to vector<16xi32>
        %parallel_loop3A_110 = tpu.dynamic_gather %parallel_loop3A_107[%parallel_loop3A_109] in [0] : vector<16xf32>, vector<16xi32> -> vector<16xf32>
        %parallel_loop3A_111 = arith.constant 0 : i32
        %parallel_loop3A_112 = arith.addi %parallel_loop3A_111, %parallel_loop3A_42 : i32
        %parallel_loop3A_113 = arith.constant 0 : i32
        %parallel_loop3A_114 = arith.index_cast %parallel_loop3A_113 : i32 to index
        %parallel_loop3A_115 = arith.index_cast %parallel_loop3A_112 : i32 to index
        %parallel_loop3A_116 = arith.constant 0 : index
        %parallel_loop3A_117 = tpu.vector_load %arg8[%parallel_loop3A_114, %parallel_loop3A_115, %parallel_loop3A_116] {strides = array<i32>} : memref<2x128x96xf32, #tpu.memory_space<vmem>>, vector<1x1x16xf32>,
        %parallel_loop3A_118 = vector.shape_cast %parallel_loop3A_117 : vector<1x1x16xf32> to vector<16xf32>
        %parallel_loop3A_119 = arith.mulf %parallel_loop3A_80, %parallel_loop3A_118 : vector<16xf32>
        %parallel_loop3A_120 = arith.constant 32 : i32
        %parallel_loop3A_121 = arith.addi %parallel_loop3A_120, %parallel_loop3A_42 : i32
        %parallel_loop3A_122 = arith.constant 0 : i32
        %parallel_loop3A_123 = arith.index_cast %parallel_loop3A_122 : i32 to index
        %parallel_loop3A_124 = arith.index_cast %parallel_loop3A_121 : i32 to index
        %parallel_loop3A_125 = arith.constant 0 : index
        %parallel_loop3A_126 = tpu.vector_load %arg8[%parallel_loop3A_123, %parallel_loop3A_124, %parallel_loop3A_125] {strides = array<i32>} : memref<2x128x96xf32, #tpu.memory_space<vmem>>, vector<1x1x16xf32>,
        %parallel_loop3A_127 = vector.shape_cast %parallel_loop3A_126 : vector<1x1x16xf32> to vector<16xf32>
        %parallel_loop3A_128 = arith.mulf %parallel_loop3A_90, %parallel_loop3A_127 : vector<16xf32>
        %parallel_loop3A_129 = arith.addf %parallel_loop3A_119, %parallel_loop3A_128 : vector<16xf32>
        %parallel_loop3A_130 = arith.constant 64 : i32
        %parallel_loop3A_131 = arith.addi %parallel_loop3A_130, %parallel_loop3A_42 : i32
        %parallel_loop3A_132 = arith.constant 0 : i32
        %parallel_loop3A_133 = arith.index_cast %parallel_loop3A_132 : i32 to index
        %parallel_loop3A_134 = arith.index_cast %parallel_loop3A_131 : i32 to index
        %parallel_loop3A_135 = arith.constant 0 : index
        %parallel_loop3A_136 = tpu.vector_load %arg8[%parallel_loop3A_133, %parallel_loop3A_134, %parallel_loop3A_135] {strides = array<i32>} : memref<2x128x96xf32, #tpu.memory_space<vmem>>, vector<1x1x16xf32>,
        %parallel_loop3A_137 = vector.shape_cast %parallel_loop3A_136 : vector<1x1x16xf32> to vector<16xf32>
        %parallel_loop3A_138 = arith.mulf %parallel_loop3A_100, %parallel_loop3A_137 : vector<16xf32>
        %parallel_loop3A_139 = arith.constant 96 : i32
        %parallel_loop3A_140 = arith.addi %parallel_loop3A_139, %parallel_loop3A_42 : i32
        %parallel_loop3A_141 = arith.constant 0 : i32
        %parallel_loop3A_142 = arith.index_cast %parallel_loop3A_141 : i32 to index
        %parallel_loop3A_143 = arith.index_cast %parallel_loop3A_140 : i32 to index
        %parallel_loop3A_144 = arith.constant 0 : index
        %parallel_loop3A_145 = tpu.vector_load %arg8[%parallel_loop3A_142, %parallel_loop3A_143, %parallel_loop3A_144] {strides = array<i32>} : memref<2x128x96xf32, #tpu.memory_space<vmem>>, vector<1x1x16xf32>,
        %parallel_loop3A_146 = vector.shape_cast %parallel_loop3A_145 : vector<1x1x16xf32> to vector<16xf32>
        %parallel_loop3A_147 = arith.mulf %parallel_loop3A_110, %parallel_loop3A_146 : vector<16xf32>
        %parallel_loop3A_148 = arith.addf %parallel_loop3A_138, %parallel_loop3A_147 : vector<16xf32>
        %parallel_loop3A_149 = arith.addf %parallel_loop3A_129, %parallel_loop3A_148 : vector<16xf32>
        %parallel_loop3A_150 = arith.index_cast %parallel_loop3A_42 : i32 to index
        %parallel_loop3A_151 = arith.constant 768 : index
        %parallel_loop3A_152 = tpu.vector_load %arg9[%parallel_loop3A_150, %parallel_loop3A_151] {strides = array<i32>} : memref<32x864xf32, #tpu.memory_space<vmem>>, vector<1x16xf32>,
        %parallel_loop3A_153 = vector.shape_cast %parallel_loop3A_152 : vector<1x16xf32> to vector<16xf32>
        %parallel_loop3A_154 = vector.shape_cast %parallel_loop3A_149 : vector<16xf32> to vector<1x16xf32>
        tpu.vector_store %arg9[%parallel_loop3A_150, %parallel_loop3A_151], %parallel_loop3A_154 {strides = array<i32>} : memref<32x864xf32, #tpu.memory_space<vmem>>, vector<1x16xf32>,
        %parallel_loop3A_155 = arith.constant 0 : i32
        %parallel_loop3A_156 = arith.addi %parallel_loop3A_155, %parallel_loop3A_42 : i32
        %parallel_loop3A_157 = arith.constant 0 : i32
        %parallel_loop3A_158 = arith.index_cast %parallel_loop3A_157 : i32 to index
        %parallel_loop3A_159 = arith.index_cast %parallel_loop3A_156 : i32 to index
        %parallel_loop3A_160 = arith.constant 16 : index
        %parallel_loop3A_161 = tpu.vector_load %arg8[%parallel_loop3A_158, %parallel_loop3A_159, %parallel_loop3A_160] {strides = array<i32>} : memref<2x128x96xf32, #tpu.memory_space<vmem>>, vector<1x1x16xf32>,
        %parallel_loop3A_162 = vector.shape_cast %parallel_loop3A_161 : vector<1x1x16xf32> to vector<16xf32>
        %parallel_loop3A_163 = arith.mulf %parallel_loop3A_80, %parallel_loop3A_162 : vector<16xf32>
        %parallel_loop3A_164 = arith.constant 32 : i32
        %parallel_loop3A_165 = arith.addi %parallel_loop3A_164, %parallel_loop3A_42 : i32
        %parallel_loop3A_166 = arith.constant 0 : i32
        %parallel_loop3A_167 = arith.index_cast %parallel_loop3A_166 : i32 to index
        %parallel_loop3A_168 = arith.index_cast %parallel_loop3A_165 : i32 to index
        %parallel_loop3A_169 = arith.constant 16 : index
        %parallel_loop3A_170 = tpu.vector_load %arg8[%parallel_loop3A_167, %parallel_loop3A_168, %parallel_loop3A_169] {strides = array<i32>} : memref<2x128x96xf32, #tpu.memory_space<vmem>>, vector<1x1x16xf32>,
        %parallel_loop3A_171 = vector.shape_cast %parallel_loop3A_170 : vector<1x1x16xf32> to vector<16xf32>
        %parallel_loop3A_172 = arith.mulf %parallel_loop3A_90, %parallel_loop3A_171 : vector<16xf32>
        %parallel_loop3A_173 = arith.addf %parallel_loop3A_163, %parallel_loop3A_172 : vector<16xf32>
        %parallel_loop3A_174 = arith.constant 64 : i32
        %parallel_loop3A_175 = arith.addi %parallel_loop3A_174, %parallel_loop3A_42 : i32
        %parallel_loop3A_176 = arith.constant 0 : i32
        %parallel_loop3A_177 = arith.index_cast %parallel_loop3A_176 : i32 to index
        %parallel_loop3A_178 = arith.index_cast %parallel_loop3A_175 : i32 to index
        %parallel_loop3A_179 = arith.constant 16 : index
        %parallel_loop3A_180 = tpu.vector_load %arg8[%parallel_loop3A_177, %parallel_loop3A_178, %parallel_loop3A_179] {strides = array<i32>} : memref<2x128x96xf32, #tpu.memory_space<vmem>>, vector<1x1x16xf32>,
        %parallel_loop3A_181 = vector.shape_cast %parallel_loop3A_180 : vector<1x1x16xf32> to vector<16xf32>
        %parallel_loop3A_182 = arith.mulf %parallel_loop3A_100, %parallel_loop3A_181 : vector<16xf32>
        %parallel_loop3A_183 = arith.constant 96 : i32
        %parallel_loop3A_184 = arith.addi %parallel_loop3A_183, %parallel_loop3A_42 : i32
        %parallel_loop3A_185 = arith.constant 0 : i32
        %parallel_loop3A_186 = arith.index_cast %parallel_loop3A_185 : i32 to index
        %parallel_loop3A_187 = arith.index_cast %parallel_loop3A_184 : i32 to index
        %parallel_loop3A_188 = arith.constant 16 : index
        %parallel_loop3A_189 = tpu.vector_load %arg8[%parallel_loop3A_186, %parallel_loop3A_187, %parallel_loop3A_188] {strides = array<i32>} : memref<2x128x96xf32, #tpu.memory_space<vmem>>, vector<1x1x16xf32>,
        %parallel_loop3A_190 = vector.shape_cast %parallel_loop3A_189 : vector<1x1x16xf32> to vector<16xf32>
        %parallel_loop3A_191 = arith.mulf %parallel_loop3A_110, %parallel_loop3A_190 : vector<16xf32>
        %parallel_loop3A_192 = arith.addf %parallel_loop3A_182, %parallel_loop3A_191 : vector<16xf32>
        %parallel_loop3A_193 = arith.addf %parallel_loop3A_173, %parallel_loop3A_192 : vector<16xf32>
        %parallel_loop3A_194 = arith.index_cast %parallel_loop3A_42 : i32 to index
        %parallel_loop3A_195 = arith.constant 784 : index
        %parallel_loop3A_196 = tpu.vector_load %arg9[%parallel_loop3A_194, %parallel_loop3A_195] {strides = array<i32>} : memref<32x864xf32, #tpu.memory_space<vmem>>, vector<1x16xf32>,
        %parallel_loop3A_197 = vector.shape_cast %parallel_loop3A_196 : vector<1x16xf32> to vector<16xf32>
        %parallel_loop3A_198 = vector.shape_cast %parallel_loop3A_193 : vector<16xf32> to vector<1x16xf32>
        tpu.vector_store %arg9[%parallel_loop3A_194, %parallel_loop3A_195], %parallel_loop3A_198 {strides = array<i32>} : memref<32x864xf32, #tpu.memory_space<vmem>>, vector<1x16xf32>,
        %parallel_loop3A_199 = arith.constant 0 : i32
        %parallel_loop3A_200 = arith.addi %parallel_loop3A_199, %parallel_loop3A_42 : i32
        %parallel_loop3A_201 = arith.constant 0 : i32
        %parallel_loop3A_202 = arith.index_cast %parallel_loop3A_201 : i32 to index
        %parallel_loop3A_203 = arith.index_cast %parallel_loop3A_200 : i32 to index
        %parallel_loop3A_204 = arith.constant 32 : index
        %parallel_loop3A_205 = tpu.vector_load %arg8[%parallel_loop3A_202, %parallel_loop3A_203, %parallel_loop3A_204] {strides = array<i32>} : memref<2x128x96xf32, #tpu.memory_space<vmem>>, vector<1x1x16xf32>,
        %parallel_loop3A_206 = vector.shape_cast %parallel_loop3A_205 : vector<1x1x16xf32> to vector<16xf32>
        %parallel_loop3A_207 = arith.mulf %parallel_loop3A_80, %parallel_loop3A_206 : vector<16xf32>
        %parallel_loop3A_208 = arith.constant 32 : i32
        %parallel_loop3A_209 = arith.addi %parallel_loop3A_208, %parallel_loop3A_42 : i32
        %parallel_loop3A_210 = arith.constant 0 : i32
        %parallel_loop3A_211 = arith.index_cast %parallel_loop3A_210 : i32 to index
        %parallel_loop3A_212 = arith.index_cast %parallel_loop3A_209 : i32 to index
        %parallel_loop3A_213 = arith.constant 32 : index
        %parallel_loop3A_214 = tpu.vector_load %arg8[%parallel_loop3A_211, %parallel_loop3A_212, %parallel_loop3A_213] {strides = array<i32>} : memref<2x128x96xf32, #tpu.memory_space<vmem>>, vector<1x1x16xf32>,
        %parallel_loop3A_215 = vector.shape_cast %parallel_loop3A_214 : vector<1x1x16xf32> to vector<16xf32>
        %parallel_loop3A_216 = arith.mulf %parallel_loop3A_90, %parallel_loop3A_215 : vector<16xf32>
        %parallel_loop3A_217 = arith.addf %parallel_loop3A_207, %parallel_loop3A_216 : vector<16xf32>
        %parallel_loop3A_218 = arith.constant 64 : i32
        %parallel_loop3A_219 = arith.addi %parallel_loop3A_218, %parallel_loop3A_42 : i32
        %parallel_loop3A_220 = arith.constant 0 : i32
        %parallel_loop3A_221 = arith.index_cast %parallel_loop3A_220 : i32 to index
        %parallel_loop3A_222 = arith.index_cast %parallel_loop3A_219 : i32 to index
        %parallel_loop3A_223 = arith.constant 32 : index
        %parallel_loop3A_224 = tpu.vector_load %arg8[%parallel_loop3A_221, %parallel_loop3A_222, %parallel_loop3A_223] {strides = array<i32>} : memref<2x128x96xf32, #tpu.memory_space<vmem>>, vector<1x1x16xf32>,
        %parallel_loop3A_225 = vector.shape_cast %parallel_loop3A_224 : vector<1x1x16xf32> to vector<16xf32>
        %parallel_loop3A_226 = arith.mulf %parallel_loop3A_100, %parallel_loop3A_225 : vector<16xf32>
        %parallel_loop3A_227 = arith.constant 96 : i32
        %parallel_loop3A_228 = arith.addi %parallel_loop3A_227, %parallel_loop3A_42 : i32
        %parallel_loop3A_229 = arith.constant 0 : i32
        %parallel_loop3A_230 = arith.index_cast %parallel_loop3A_229 : i32 to index
        %parallel_loop3A_231 = arith.index_cast %parallel_loop3A_228 : i32 to index
        %parallel_loop3A_232 = arith.constant 32 : index
        %parallel_loop3A_233 = tpu.vector_load %arg8[%parallel_loop3A_230, %parallel_loop3A_231, %parallel_loop3A_232] {strides = array<i32>} : memref<2x128x96xf32, #tpu.memory_space<vmem>>, vector<1x1x16xf32>,
        %parallel_loop3A_234 = vector.shape_cast %parallel_loop3A_233 : vector<1x1x16xf32> to vector<16xf32>
        %parallel_loop3A_235 = arith.mulf %parallel_loop3A_110, %parallel_loop3A_234 : vector<16xf32>
        %parallel_loop3A_236 = arith.addf %parallel_loop3A_226, %parallel_loop3A_235 : vector<16xf32>
        %parallel_loop3A_237 = arith.addf %parallel_loop3A_217, %parallel_loop3A_236 : vector<16xf32>
        %parallel_loop3A_238 = arith.index_cast %parallel_loop3A_42 : i32 to index
        %parallel_loop3A_239 = arith.constant 800 : index
        %parallel_loop3A_240 = tpu.vector_load %arg9[%parallel_loop3A_238, %parallel_loop3A_239] {strides = array<i32>} : memref<32x864xf32, #tpu.memory_space<vmem>>, vector<1x16xf32>,
        %parallel_loop3A_241 = vector.shape_cast %parallel_loop3A_240 : vector<1x16xf32> to vector<16xf32>
        %parallel_loop3A_242 = vector.shape_cast %parallel_loop3A_237 : vector<16xf32> to vector<1x16xf32>
        tpu.vector_store %arg9[%parallel_loop3A_238, %parallel_loop3A_239], %parallel_loop3A_242 {strides = array<i32>} : memref<32x864xf32, #tpu.memory_space<vmem>>, vector<1x16xf32>,
        %parallel_loop3A_243 = arith.constant 0 : i32
        %parallel_loop3A_244 = arith.addi %parallel_loop3A_243, %parallel_loop3A_42 : i32
        %parallel_loop3A_245 = arith.constant 0 : i32
        %parallel_loop3A_246 = arith.index_cast %parallel_loop3A_245 : i32 to index
        %parallel_loop3A_247 = arith.index_cast %parallel_loop3A_244 : i32 to index
        %parallel_loop3A_248 = arith.constant 48 : index
        %parallel_loop3A_249 = tpu.vector_load %arg8[%parallel_loop3A_246, %parallel_loop3A_247, %parallel_loop3A_248] {strides = array<i32>} : memref<2x128x96xf32, #tpu.memory_space<vmem>>, vector<1x1x16xf32>,
        %parallel_loop3A_250 = vector.shape_cast %parallel_loop3A_249 : vector<1x1x16xf32> to vector<16xf32>
        %parallel_loop3A_251 = arith.mulf %parallel_loop3A_80, %parallel_loop3A_250 : vector<16xf32>
        %parallel_loop3A_252 = arith.constant 32 : i32
        %parallel_loop3A_253 = arith.addi %parallel_loop3A_252, %parallel_loop3A_42 : i32
        %parallel_loop3A_254 = arith.constant 0 : i32
        %parallel_loop3A_255 = arith.index_cast %parallel_loop3A_254 : i32 to index
        %parallel_loop3A_256 = arith.index_cast %parallel_loop3A_253 : i32 to index
        %parallel_loop3A_257 = arith.constant 48 : index
        %parallel_loop3A_258 = tpu.vector_load %arg8[%parallel_loop3A_255, %parallel_loop3A_256, %parallel_loop3A_257] {strides = array<i32>} : memref<2x128x96xf32, #tpu.memory_space<vmem>>, vector<1x1x16xf32>,
        %parallel_loop3A_259 = vector.shape_cast %parallel_loop3A_258 : vector<1x1x16xf32> to vector<16xf32>
        %parallel_loop3A_260 = arith.mulf %parallel_loop3A_90, %parallel_loop3A_259 : vector<16xf32>
        %parallel_loop3A_261 = arith.addf %parallel_loop3A_251, %parallel_loop3A_260 : vector<16xf32>
        %parallel_loop3A_262 = arith.constant 64 : i32
        %parallel_loop3A_263 = arith.addi %parallel_loop3A_262, %parallel_loop3A_42 : i32
        %parallel_loop3A_264 = arith.constant 0 : i32
        %parallel_loop3A_265 = arith.index_cast %parallel_loop3A_264 : i32 to index
        %parallel_loop3A_266 = arith.index_cast %parallel_loop3A_263 : i32 to index
        %parallel_loop3A_267 = arith.constant 48 : index
        %parallel_loop3A_268 = tpu.vector_load %arg8[%parallel_loop3A_265, %parallel_loop3A_266, %parallel_loop3A_267] {strides = array<i32>} : memref<2x128x96xf32, #tpu.memory_space<vmem>>, vector<1x1x16xf32>,
        %parallel_loop3A_269 = vector.shape_cast %parallel_loop3A_268 : vector<1x1x16xf32> to vector<16xf32>
        %parallel_loop3A_270 = arith.mulf %parallel_loop3A_100, %parallel_loop3A_269 : vector<16xf32>
        %parallel_loop3A_271 = arith.constant 96 : i32
        %parallel_loop3A_272 = arith.addi %parallel_loop3A_271, %parallel_loop3A_42 : i32
        %parallel_loop3A_273 = arith.constant 0 : i32
        %parallel_loop3A_274 = arith.index_cast %parallel_loop3A_273 : i32 to index
        %parallel_loop3A_275 = arith.index_cast %parallel_loop3A_272 : i32 to index
        %parallel_loop3A_276 = arith.constant 48 : index
        %parallel_loop3A_277 = tpu.vector_load %arg8[%parallel_loop3A_274, %parallel_loop3A_275, %parallel_loop3A_276] {strides = array<i32>} : memref<2x128x96xf32, #tpu.memory_space<vmem>>, vector<1x1x16xf32>,
        %parallel_loop3A_278 = vector.shape_cast %parallel_loop3A_277 : vector<1x1x16xf32> to vector<16xf32>
        %parallel_loop3A_279 = arith.mulf %parallel_loop3A_110, %parallel_loop3A_278 : vector<16xf32>
        %parallel_loop3A_280 = arith.addf %parallel_loop3A_270, %parallel_loop3A_279 : vector<16xf32>
        %parallel_loop3A_281 = arith.addf %parallel_loop3A_261, %parallel_loop3A_280 : vector<16xf32>
        %parallel_loop3A_282 = arith.index_cast %parallel_loop3A_42 : i32 to index
        %parallel_loop3A_283 = arith.constant 816 : index
        %parallel_loop3A_284 = tpu.vector_load %arg9[%parallel_loop3A_282, %parallel_loop3A_283] {strides = array<i32>} : memref<32x864xf32, #tpu.memory_space<vmem>>, vector<1x16xf32>,
        %parallel_loop3A_285 = vector.shape_cast %parallel_loop3A_284 : vector<1x16xf32> to vector<16xf32>
        %parallel_loop3A_286 = vector.shape_cast %parallel_loop3A_281 : vector<16xf32> to vector<1x16xf32>
        tpu.vector_store %arg9[%parallel_loop3A_282, %parallel_loop3A_283], %parallel_loop3A_286 {strides = array<i32>} : memref<32x864xf32, #tpu.memory_space<vmem>>, vector<1x16xf32>,
        %parallel_loop3A_287 = arith.constant 0 : i32
        %parallel_loop3A_288 = arith.addi %parallel_loop3A_287, %parallel_loop3A_42 : i32
        %parallel_loop3A_289 = arith.constant 0 : i32
        %parallel_loop3A_290 = arith.index_cast %parallel_loop3A_289 : i32 to index
        %parallel_loop3A_291 = arith.index_cast %parallel_loop3A_288 : i32 to index
        %parallel_loop3A_292 = arith.constant 64 : index
        %parallel_loop3A_293 = tpu.vector_load %arg8[%parallel_loop3A_290, %parallel_loop3A_291, %parallel_loop3A_292] {strides = array<i32>} : memref<2x128x96xf32, #tpu.memory_space<vmem>>, vector<1x1x16xf32>,
        %parallel_loop3A_294 = vector.shape_cast %parallel_loop3A_293 : vector<1x1x16xf32> to vector<16xf32>
        %parallel_loop3A_295 = arith.mulf %parallel_loop3A_80, %parallel_loop3A_294 : vector<16xf32>
        %parallel_loop3A_296 = arith.constant 32 : i32
        %parallel_loop3A_297 = arith.addi %parallel_loop3A_296, %parallel_loop3A_42 : i32
        %parallel_loop3A_298 = arith.constant 0 : i32
        %parallel_loop3A_299 = arith.index_cast %parallel_loop3A_298 : i32 to index
        %parallel_loop3A_300 = arith.index_cast %parallel_loop3A_297 : i32 to index
        %parallel_loop3A_301 = arith.constant 64 : index
        %parallel_loop3A_302 = tpu.vector_load %arg8[%parallel_loop3A_299, %parallel_loop3A_300, %parallel_loop3A_301] {strides = array<i32>} : memref<2x128x96xf32, #tpu.memory_space<vmem>>, vector<1x1x16xf32>,
        %parallel_loop3A_303 = vector.shape_cast %parallel_loop3A_302 : vector<1x1x16xf32> to vector<16xf32>
        %parallel_loop3A_304 = arith.mulf %parallel_loop3A_90, %parallel_loop3A_303 : vector<16xf32>
        %parallel_loop3A_305 = arith.addf %parallel_loop3A_295, %parallel_loop3A_304 : vector<16xf32>
        %parallel_loop3A_306 = arith.constant 64 : i32
        %parallel_loop3A_307 = arith.addi %parallel_loop3A_306, %parallel_loop3A_42 : i32
        %parallel_loop3A_308 = arith.constant 0 : i32
        %parallel_loop3A_309 = arith.index_cast %parallel_loop3A_308 : i32 to index
        %parallel_loop3A_310 = arith.index_cast %parallel_loop3A_307 : i32 to index
        %parallel_loop3A_311 = arith.constant 64 : index
        %parallel_loop3A_312 = tpu.vector_load %arg8[%parallel_loop3A_309, %parallel_loop3A_310, %parallel_loop3A_311] {strides = array<i32>} : memref<2x128x96xf32, #tpu.memory_space<vmem>>, vector<1x1x16xf32>,
        %parallel_loop3A_313 = vector.shape_cast %parallel_loop3A_312 : vector<1x1x16xf32> to vector<16xf32>
        %parallel_loop3A_314 = arith.mulf %parallel_loop3A_100, %parallel_loop3A_313 : vector<16xf32>
        %parallel_loop3A_315 = arith.constant 96 : i32
        %parallel_loop3A_316 = arith.addi %parallel_loop3A_315, %parallel_loop3A_42 : i32
        %parallel_loop3A_317 = arith.constant 0 : i32
        %parallel_loop3A_318 = arith.index_cast %parallel_loop3A_317 : i32 to index
        %parallel_loop3A_319 = arith.index_cast %parallel_loop3A_316 : i32 to index
        %parallel_loop3A_320 = arith.constant 64 : index
        %parallel_loop3A_321 = tpu.vector_load %arg8[%parallel_loop3A_318, %parallel_loop3A_319, %parallel_loop3A_320] {strides = array<i32>} : memref<2x128x96xf32, #tpu.memory_space<vmem>>, vector<1x1x16xf32>,
        %parallel_loop3A_322 = vector.shape_cast %parallel_loop3A_321 : vector<1x1x16xf32> to vector<16xf32>
        %parallel_loop3A_323 = arith.mulf %parallel_loop3A_110, %parallel_loop3A_322 : vector<16xf32>
        %parallel_loop3A_324 = arith.addf %parallel_loop3A_314, %parallel_loop3A_323 : vector<16xf32>
        %parallel_loop3A_325 = arith.addf %parallel_loop3A_305, %parallel_loop3A_324 : vector<16xf32>
        %parallel_loop3A_326 = arith.index_cast %parallel_loop3A_42 : i32 to index
        %parallel_loop3A_327 = arith.constant 832 : index
        %parallel_loop3A_328 = tpu.vector_load %arg9[%parallel_loop3A_326, %parallel_loop3A_327] {strides = array<i32>} : memref<32x864xf32, #tpu.memory_space<vmem>>, vector<1x16xf32>,
        %parallel_loop3A_329 = vector.shape_cast %parallel_loop3A_328 : vector<1x16xf32> to vector<16xf32>
        %parallel_loop3A_330 = vector.shape_cast %parallel_loop3A_325 : vector<16xf32> to vector<1x16xf32>
        tpu.vector_store %arg9[%parallel_loop3A_326, %parallel_loop3A_327], %parallel_loop3A_330 {strides = array<i32>} : memref<32x864xf32, #tpu.memory_space<vmem>>, vector<1x16xf32>,
        %parallel_loop3A_331 = arith.constant 0 : i32
        %parallel_loop3A_332 = arith.addi %parallel_loop3A_331, %parallel_loop3A_42 : i32
        %parallel_loop3A_333 = arith.constant 0 : i32
        %parallel_loop3A_334 = arith.index_cast %parallel_loop3A_333 : i32 to index
        %parallel_loop3A_335 = arith.index_cast %parallel_loop3A_332 : i32 to index
        %parallel_loop3A_336 = arith.constant 80 : index
        %parallel_loop3A_337 = tpu.vector_load %arg8[%parallel_loop3A_334, %parallel_loop3A_335, %parallel_loop3A_336] {strides = array<i32>} : memref<2x128x96xf32, #tpu.memory_space<vmem>>, vector<1x1x16xf32>,
        %parallel_loop3A_338 = vector.shape_cast %parallel_loop3A_337 : vector<1x1x16xf32> to vector<16xf32>
        %parallel_loop3A_339 = arith.mulf %parallel_loop3A_80, %parallel_loop3A_338 : vector<16xf32>
        %parallel_loop3A_340 = arith.constant 32 : i32
        %parallel_loop3A_341 = arith.addi %parallel_loop3A_340, %parallel_loop3A_42 : i32
        %parallel_loop3A_342 = arith.constant 0 : i32
        %parallel_loop3A_343 = arith.index_cast %parallel_loop3A_342 : i32 to index
        %parallel_loop3A_344 = arith.index_cast %parallel_loop3A_341 : i32 to index
        %parallel_loop3A_345 = arith.constant 80 : index
        %parallel_loop3A_346 = tpu.vector_load %arg8[%parallel_loop3A_343, %parallel_loop3A_344, %parallel_loop3A_345] {strides = array<i32>} : memref<2x128x96xf32, #tpu.memory_space<vmem>>, vector<1x1x16xf32>,
        %parallel_loop3A_347 = vector.shape_cast %parallel_loop3A_346 : vector<1x1x16xf32> to vector<16xf32>
        %parallel_loop3A_348 = arith.mulf %parallel_loop3A_90, %parallel_loop3A_347 : vector<16xf32>
        %parallel_loop3A_349 = arith.addf %parallel_loop3A_339, %parallel_loop3A_348 : vector<16xf32>
        %parallel_loop3A_350 = arith.constant 64 : i32
        %parallel_loop3A_351 = arith.addi %parallel_loop3A_350, %parallel_loop3A_42 : i32
        %parallel_loop3A_352 = arith.constant 0 : i32
        %parallel_loop3A_353 = arith.index_cast %parallel_loop3A_352 : i32 to index
        %parallel_loop3A_354 = arith.index_cast %parallel_loop3A_351 : i32 to index
        %parallel_loop3A_355 = arith.constant 80 : index
        %parallel_loop3A_356 = tpu.vector_load %arg8[%parallel_loop3A_353, %parallel_loop3A_354, %parallel_loop3A_355] {strides = array<i32>} : memref<2x128x96xf32, #tpu.memory_space<vmem>>, vector<1x1x16xf32>,
        %parallel_loop3A_357 = vector.shape_cast %parallel_loop3A_356 : vector<1x1x16xf32> to vector<16xf32>
        %parallel_loop3A_358 = arith.mulf %parallel_loop3A_100, %parallel_loop3A_357 : vector<16xf32>
        %parallel_loop3A_359 = arith.constant 96 : i32
        %parallel_loop3A_360 = arith.addi %parallel_loop3A_359, %parallel_loop3A_42 : i32
        %parallel_loop3A_361 = arith.constant 0 : i32
        %parallel_loop3A_362 = arith.index_cast %parallel_loop3A_361 : i32 to index
        %parallel_loop3A_363 = arith.index_cast %parallel_loop3A_360 : i32 to index
        %parallel_loop3A_364 = arith.constant 80 : index
        %parallel_loop3A_365 = tpu.vector_load %arg8[%parallel_loop3A_362, %parallel_loop3A_363, %parallel_loop3A_364] {strides = array<i32>} : memref<2x128x96xf32, #tpu.memory_space<vmem>>, vector<1x1x16xf32>,
        %parallel_loop3A_366 = vector.shape_cast %parallel_loop3A_365 : vector<1x1x16xf32> to vector<16xf32>
        %parallel_loop3A_367 = arith.mulf %parallel_loop3A_110, %parallel_loop3A_366 : vector<16xf32>
        %parallel_loop3A_368 = arith.addf %parallel_loop3A_358, %parallel_loop3A_367 : vector<16xf32>
        %parallel_loop3A_369 = arith.addf %parallel_loop3A_349, %parallel_loop3A_368 : vector<16xf32>
        %parallel_loop3A_370 = arith.index_cast %parallel_loop3A_42 : i32 to index
        %parallel_loop3A_371 = arith.constant 848 : index
        %parallel_loop3A_372 = tpu.vector_load %arg9[%parallel_loop3A_370, %parallel_loop3A_371] {strides = array<i32>} : memref<32x864xf32, #tpu.memory_space<vmem>>, vector<1x16xf32>,
        %parallel_loop3A_373 = vector.shape_cast %parallel_loop3A_372 : vector<1x16xf32> to vector<16xf32>
        %parallel_loop3A_374 = vector.shape_cast %parallel_loop3A_369 : vector<16xf32> to vector<1x16xf32>
        tpu.vector_store %arg9[%parallel_loop3A_370, %parallel_loop3A_371], %parallel_loop3A_374 {strides = array<i32>} : memref<32x864xf32, #tpu.memory_space<vmem>>, vector<1x16xf32>,
      } {sc.loop_unroll_factor = 4 : i64, sc.parallel_access}
      "tpu.region"() ({
        %run_scoped3A = tpu.sem_alloc : memref<!tpu.dma_semaphore, #tpu.memory_space<semaphore_mem>>
        %dma_start3A_42 = arith.constant 0 : i32
        %dma_start3A_43 = tpu.memref_slice %arg5[%mul3A_11, %dma_start3A_42] : memref<50176x864xf32, #tpu.memory_space<hbm>> -> memref<32x864xf32, #tpu.memory_space<hbm>>
        %dma_start3A_44 = arith.constant 0 : i32
        %dma_start3A_45 = tpu.memref_slice %arg5[%mul3A_11, %dma_start3A_44] : memref<50176x864xf32, #tpu.memory_space<hbm>> -> memref<32x864xf32, #tpu.memory_space<hbm>>
        tpu.enqueue_dma source(%arg9 : memref<32x864xf32, #tpu.memory_space<vmem>>) target(%dma_start3A_45 : memref<32x864xf32, #tpu.memory_space<hbm>>) target_semaphore(%run_scoped3A : memref<!tpu.dma_semaphore, #tpu.memory_space<semaphore_mem>>)
        %dma_wait3A_46 = arith.constant 0 : i32
        %dma_wait3A_47 = tpu.memref_slice %arg5[%mul3A_11, %dma_wait3A_46] : memref<50176x864xf32, #tpu.memory_space<hbm>> -> memref<32x864xf32, #tpu.memory_space<hbm>>
        %dma_wait3A_48 = arith.constant 0 : i32
        %dma_wait3A_49 = tpu.memref_slice %arg5[%mul3A_11, %dma_wait3A_48] : memref<50176x864xf32, #tpu.memory_space<hbm>> -> memref<32x864xf32, #tpu.memory_space<hbm>>
        tpu.wait_dma2 semaphore(%run_scoped3A : memref<!tpu.dma_semaphore, #tpu.memory_space<semaphore_mem>>) src(%arg9 : memref<32x864xf32, #tpu.memory_space<vmem>>) dst(%dma_wait3A_49 : memref<32x864xf32, #tpu.memory_space<hbm>>)
        tpu.yield
      }) : () -> ()
    }
    %scan3A_5 = arith.constant 49 : i32
    return
  }
}

module attributes {stable_mosaic.version = 14 : i64} {
  func.func @_prep_body(%arg0: memref<18x224x224xf32, #tpu.memory_space<vmem>>, %arg1: memref<9x4x224x224xi32, #tpu.memory_space<vmem>>, %arg2: memref<9x4x224x224xf32, #tpu.memory_space<vmem>>) attributes {dimension_semantics = [], scalar_prefetch = 0 : i64, scratch_operands = 0 : i64, tpu.core_type = #tpu.core_type<tc>} {
    %iota3A = tpu.iota {dimensions = array<i32: 0>} : vector<224x224xi32>
    %convert_element_type3A = arith.sitofp %iota3A : vector<224x224xi32> to vector<224x224xf32>
    %iota3A_0 = tpu.iota {dimensions = array<i32: 1>} : vector<224x224xi32>
    %convert_element_type3A_1 = arith.sitofp %iota3A_0 : vector<224x224xi32> to vector<224x224xf32>
    %add3A = arith.constant -1.000000e+00 : f32
    %add3A_2 = vector.broadcast %add3A : f32 to vector<224x224xf32>
    %add3A_3 = arith.addf %convert_element_type3A, %add3A_2 : vector<224x224xf32>
    %get3A = arith.constant 0 : index
    %get3A_4 = arith.constant 0 : index
    %get3A_5 = arith.constant 0 : index
    %get3A_6 = vector.load %arg0[%get3A, %get3A_4, %get3A_5] : memref<18x224x224xf32, #tpu.memory_space<vmem>>, vector<1x224x224xf32>
    %get3A_7 = vector.shape_cast %get3A_6 : vector<1x224x224xf32> to vector<224x224xf32>
    %add3A_8 = arith.addf %add3A_3, %get3A_7 : vector<224x224xf32>
    %jit3A = arith.constant 0.000000e+00 : f32
    %jit3A_9 = arith.constant 2.230000e+02 : f32
    %max3A = vector.broadcast %jit3A : f32 to vector<224x224xf32>
    %max3A_10 = arith.maximumf %max3A, %add3A_8 : vector<224x224xf32>
    %min3A = vector.broadcast %jit3A_9 : f32 to vector<224x224xf32>
    %min3A_11 = arith.minimumf %min3A, %max3A_10 : vector<224x224xf32>
    %add3A_12 = arith.constant -1.000000e+00 : f32
    %add3A_13 = vector.broadcast %add3A_12 : f32 to vector<224x224xf32>
    %add3A_14 = arith.addf %convert_element_type3A_1, %add3A_13 : vector<224x224xf32>
    %get3A_15 = arith.constant 1 : index
    %get3A_16 = arith.constant 0 : index
    %get3A_17 = arith.constant 0 : index
    %get3A_18 = vector.load %arg0[%get3A_15, %get3A_16, %get3A_17] : memref<18x224x224xf32, #tpu.memory_space<vmem>>, vector<1x224x224xf32>
    %get3A_19 = vector.shape_cast %get3A_18 : vector<1x224x224xf32> to vector<224x224xf32>
    %add3A_20 = arith.addf %add3A_14, %get3A_19 : vector<224x224xf32>
    %jit3A_21 = arith.constant 0.000000e+00 : f32
    %jit3A_22 = arith.constant 2.230000e+02 : f32
    %max3A_23 = vector.broadcast %jit3A_21 : f32 to vector<224x224xf32>
    %max3A_24 = arith.maximumf %max3A_23, %add3A_20 : vector<224x224xf32>
    %min3A_25 = vector.broadcast %jit3A_22 : f32 to vector<224x224xf32>
    %min3A_26 = arith.minimumf %min3A_25, %max3A_24 : vector<224x224xf32>
    %floor3A = math.floor %min3A_11 : vector<224x224xf32>
    %floor3A_27 = math.floor %min3A_26 : vector<224x224xf32>
    %sub3A = arith.subf %min3A_11, %floor3A : vector<224x224xf32>
    %sub3A_28 = arith.subf %min3A_26, %floor3A_27 : vector<224x224xf32>
    %convert_element_type3A_29 = arith.fptosi %floor3A : vector<224x224xf32> to vector<224x224xi32>
    %convert_element_type3A_30 = arith.fptosi %floor3A_27 : vector<224x224xf32> to vector<224x224xi32>
    %gt3A = arith.constant 0.000000e+00 : f32
    %gt3A_31 = vector.broadcast %gt3A : f32 to vector<224x224xf32>
    %gt3A_32 = arith.cmpf ogt, %sub3A, %gt3A_31 : vector<224x224xf32>
    %convert_element_type3A_33 = arith.extui %gt3A_32 : vector<224x224xi1> to vector<224x224xi32>
    %add3A_34 = arith.addi %convert_element_type3A_29, %convert_element_type3A_33 : vector<224x224xi32>
    %gt3A_35 = arith.constant 0.000000e+00 : f32
    %gt3A_36 = vector.broadcast %gt3A_35 : f32 to vector<224x224xf32>
    %gt3A_37 = arith.cmpf ogt, %sub3A_28, %gt3A_36 : vector<224x224xf32>
    %convert_element_type3A_38 = arith.extui %gt3A_37 : vector<224x224xi1> to vector<224x224xi32>
    %add3A_39 = arith.addi %convert_element_type3A_30, %convert_element_type3A_38 : vector<224x224xi32>
    %mul3A = arith.constant 224 : i32
    %mul3A_40 = vector.broadcast %mul3A : i32 to vector<224x224xi32>
    %mul3A_41 = arith.muli %convert_element_type3A_29, %mul3A_40 : vector<224x224xi32>
    %mul3A_42 = arith.constant 224 : i32
    %mul3A_43 = vector.broadcast %mul3A_42 : i32 to vector<224x224xi32>
    %mul3A_44 = arith.muli %add3A_34, %mul3A_43 : vector<224x224xi32>
    %add3A_45 = arith.addi %mul3A_41, %convert_element_type3A_30 : vector<224x224xi32>
    %swap3A = arith.constant 0 : index
    %swap3A_46 = arith.constant 0 : index
    %swap3A_47 = arith.constant 0 : index
    %swap3A_48 = arith.constant 0 : index
    %swap3A_49 = vector.load %arg1[%swap3A, %swap3A_46, %swap3A_47, %swap3A_48] : memref<9x4x224x224xi32, #tpu.memory_space<vmem>>, vector<1x1x224x224xi32>
    %swap3A_50 = vector.shape_cast %swap3A_49 : vector<1x1x224x224xi32> to vector<224x224xi32>
    %swap3A_51 = vector.shape_cast %add3A_45 : vector<224x224xi32> to vector<1x1x224x224xi32>
    tpu.vector_store %arg1[%swap3A, %swap3A_46, %swap3A_47, %swap3A_48], %swap3A_51 {strides = array<i32>} : memref<9x4x224x224xi32, #tpu.memory_space<vmem>>, vector<1x1x224x224xi32>,
    %add3A_52 = arith.addi %mul3A_44, %convert_element_type3A_30 : vector<224x224xi32>
    %swap3A_53 = arith.constant 0 : index
    %swap3A_54 = arith.constant 1 : index
    %swap3A_55 = arith.constant 0 : index
    %swap3A_56 = arith.constant 0 : index
    %swap3A_57 = vector.load %arg1[%swap3A_53, %swap3A_54, %swap3A_55, %swap3A_56] : memref<9x4x224x224xi32, #tpu.memory_space<vmem>>, vector<1x1x224x224xi32>
    %swap3A_58 = vector.shape_cast %swap3A_57 : vector<1x1x224x224xi32> to vector<224x224xi32>
    %swap3A_59 = vector.shape_cast %add3A_52 : vector<224x224xi32> to vector<1x1x224x224xi32>
    tpu.vector_store %arg1[%swap3A_53, %swap3A_54, %swap3A_55, %swap3A_56], %swap3A_59 {strides = array<i32>} : memref<9x4x224x224xi32, #tpu.memory_space<vmem>>, vector<1x1x224x224xi32>,
    %add3A_60 = arith.addi %mul3A_41, %add3A_39 : vector<224x224xi32>
    %swap3A_61 = arith.constant 0 : index
    %swap3A_62 = arith.constant 2 : index
    %swap3A_63 = arith.constant 0 : index
    %swap3A_64 = arith.constant 0 : index
    %swap3A_65 = vector.load %arg1[%swap3A_61, %swap3A_62, %swap3A_63, %swap3A_64] : memref<9x4x224x224xi32, #tpu.memory_space<vmem>>, vector<1x1x224x224xi32>
    %swap3A_66 = vector.shape_cast %swap3A_65 : vector<1x1x224x224xi32> to vector<224x224xi32>
    %swap3A_67 = vector.shape_cast %add3A_60 : vector<224x224xi32> to vector<1x1x224x224xi32>
    tpu.vector_store %arg1[%swap3A_61, %swap3A_62, %swap3A_63, %swap3A_64], %swap3A_67 {strides = array<i32>} : memref<9x4x224x224xi32, #tpu.memory_space<vmem>>, vector<1x1x224x224xi32>,
    %add3A_68 = arith.addi %mul3A_44, %add3A_39 : vector<224x224xi32>
    %swap3A_69 = arith.constant 0 : index
    %swap3A_70 = arith.constant 3 : index
    %swap3A_71 = arith.constant 0 : index
    %swap3A_72 = arith.constant 0 : index
    %swap3A_73 = vector.load %arg1[%swap3A_69, %swap3A_70, %swap3A_71, %swap3A_72] : memref<9x4x224x224xi32, #tpu.memory_space<vmem>>, vector<1x1x224x224xi32>
    %swap3A_74 = vector.shape_cast %swap3A_73 : vector<1x1x224x224xi32> to vector<224x224xi32>
    %swap3A_75 = vector.shape_cast %add3A_68 : vector<224x224xi32> to vector<1x1x224x224xi32>
    tpu.vector_store %arg1[%swap3A_69, %swap3A_70, %swap3A_71, %swap3A_72], %swap3A_75 {strides = array<i32>} : memref<9x4x224x224xi32, #tpu.memory_space<vmem>>, vector<1x1x224x224xi32>,
    %sub3A_76 = arith.constant 1.000000e+00 : f32
    %sub3A_77 = vector.broadcast %sub3A_76 : f32 to vector<224x224xf32>
    %sub3A_78 = arith.subf %sub3A_77, %sub3A : vector<224x224xf32>
    %sub3A_79 = arith.constant 1.000000e+00 : f32
    %sub3A_80 = vector.broadcast %sub3A_79 : f32 to vector<224x224xf32>
    %sub3A_81 = arith.subf %sub3A_80, %sub3A_28 : vector<224x224xf32>
    %mul3A_82 = arith.mulf %sub3A_78, %sub3A_81 : vector<224x224xf32>
    %swap3A_83 = arith.constant 0 : index
    %swap3A_84 = arith.constant 0 : index
    %swap3A_85 = arith.constant 0 : index
    %swap3A_86 = arith.constant 0 : index
    %swap3A_87 = vector.load %arg2[%swap3A_83, %swap3A_84, %swap3A_85, %swap3A_86] : memref<9x4x224x224xf32, #tpu.memory_space<vmem>>, vector<1x1x224x224xf32>
    %swap3A_88 = vector.shape_cast %swap3A_87 : vector<1x1x224x224xf32> to vector<224x224xf32>
    %swap3A_89 = vector.shape_cast %mul3A_82 : vector<224x224xf32> to vector<1x1x224x224xf32>
    tpu.vector_store %arg2[%swap3A_83, %swap3A_84, %swap3A_85, %swap3A_86], %swap3A_89 {strides = array<i32>} : memref<9x4x224x224xf32, #tpu.memory_space<vmem>>, vector<1x1x224x224xf32>,
    %mul3A_90 = arith.mulf %sub3A, %sub3A_81 : vector<224x224xf32>
    %swap3A_91 = arith.constant 0 : index
    %swap3A_92 = arith.constant 1 : index
    %swap3A_93 = arith.constant 0 : index
    %swap3A_94 = arith.constant 0 : index
    %swap3A_95 = vector.load %arg2[%swap3A_91, %swap3A_92, %swap3A_93, %swap3A_94] : memref<9x4x224x224xf32, #tpu.memory_space<vmem>>, vector<1x1x224x224xf32>
    %swap3A_96 = vector.shape_cast %swap3A_95 : vector<1x1x224x224xf32> to vector<224x224xf32>
    %swap3A_97 = vector.shape_cast %mul3A_90 : vector<224x224xf32> to vector<1x1x224x224xf32>
    tpu.vector_store %arg2[%swap3A_91, %swap3A_92, %swap3A_93, %swap3A_94], %swap3A_97 {strides = array<i32>} : memref<9x4x224x224xf32, #tpu.memory_space<vmem>>, vector<1x1x224x224xf32>,
    %mul3A_98 = arith.mulf %sub3A_78, %sub3A_28 : vector<224x224xf32>
    %swap3A_99 = arith.constant 0 : index
    %swap3A_100 = arith.constant 2 : index
    %swap3A_101 = arith.constant 0 : index
    %swap3A_102 = arith.constant 0 : index
    %swap3A_103 = vector.load %arg2[%swap3A_99, %swap3A_100, %swap3A_101, %swap3A_102] : memref<9x4x224x224xf32, #tpu.memory_space<vmem>>, vector<1x1x224x224xf32>
    %swap3A_104 = vector.shape_cast %swap3A_103 : vector<1x1x224x224xf32> to vector<224x224xf32>
    %swap3A_105 = vector.shape_cast %mul3A_98 : vector<224x224xf32> to vector<1x1x224x224xf32>
    tpu.vector_store %arg2[%swap3A_99, %swap3A_100, %swap3A_101, %swap3A_102], %swap3A_105 {strides = array<i32>} : memref<9x4x224x224xf32, #tpu.memory_space<vmem>>, vector<1x1x224x224xf32>,
    %mul3A_106 = arith.mulf %sub3A, %sub3A_28 : vector<224x224xf32>
    %swap3A_107 = arith.constant 0 : index
    %swap3A_108 = arith.constant 3 : index
    %swap3A_109 = arith.constant 0 : index
    %swap3A_110 = arith.constant 0 : index
    %swap3A_111 = vector.load %arg2[%swap3A_107, %swap3A_108, %swap3A_109, %swap3A_110] : memref<9x4x224x224xf32, #tpu.memory_space<vmem>>, vector<1x1x224x224xf32>
    %swap3A_112 = vector.shape_cast %swap3A_111 : vector<1x1x224x224xf32> to vector<224x224xf32>
    %swap3A_113 = vector.shape_cast %mul3A_106 : vector<224x224xf32> to vector<1x1x224x224xf32>
    tpu.vector_store %arg2[%swap3A_107, %swap3A_108, %swap3A_109, %swap3A_110], %swap3A_113 {strides = array<i32>} : memref<9x4x224x224xf32, #tpu.memory_space<vmem>>, vector<1x1x224x224xf32>,
    %add3A_114 = arith.constant -1.000000e+00 : f32
    %add3A_115 = vector.broadcast %add3A_114 : f32 to vector<224x224xf32>
    %add3A_116 = arith.addf %convert_element_type3A, %add3A_115 : vector<224x224xf32>
    %get3A_117 = arith.constant 2 : index
    %get3A_118 = arith.constant 0 : index
    %get3A_119 = arith.constant 0 : index
    %get3A_120 = vector.load %arg0[%get3A_117, %get3A_118, %get3A_119] : memref<18x224x224xf32, #tpu.memory_space<vmem>>, vector<1x224x224xf32>
    %get3A_121 = vector.shape_cast %get3A_120 : vector<1x224x224xf32> to vector<224x224xf32>
    %add3A_122 = arith.addf %add3A_116, %get3A_121 : vector<224x224xf32>
    %jit3A_123 = arith.constant 0.000000e+00 : f32
    %jit3A_124 = arith.constant 2.230000e+02 : f32
    %max3A_125 = vector.broadcast %jit3A_123 : f32 to vector<224x224xf32>
    %max3A_126 = arith.maximumf %max3A_125, %add3A_122 : vector<224x224xf32>
    %min3A_127 = vector.broadcast %jit3A_124 : f32 to vector<224x224xf32>
    %min3A_128 = arith.minimumf %min3A_127, %max3A_126 : vector<224x224xf32>
    %add3A_129 = arith.constant 0.000000e+00 : f32
    %add3A_130 = vector.broadcast %add3A_129 : f32 to vector<224x224xf32>
    %add3A_131 = arith.addf %convert_element_type3A_1, %add3A_130 : vector<224x224xf32>
    %get3A_132 = arith.constant 3 : index
    %get3A_133 = arith.constant 0 : index
    %get3A_134 = arith.constant 0 : index
    %get3A_135 = vector.load %arg0[%get3A_132, %get3A_133, %get3A_134] : memref<18x224x224xf32, #tpu.memory_space<vmem>>, vector<1x224x224xf32>
    %get3A_136 = vector.shape_cast %get3A_135 : vector<1x224x224xf32> to vector<224x224xf32>
    %add3A_137 = arith.addf %add3A_131, %get3A_136 : vector<224x224xf32>
    %jit3A_138 = arith.constant 0.000000e+00 : f32
    %jit3A_139 = arith.constant 2.230000e+02 : f32
    %max3A_140 = vector.broadcast %jit3A_138 : f32 to vector<224x224xf32>
    %max3A_141 = arith.maximumf %max3A_140, %add3A_137 : vector<224x224xf32>
    %min3A_142 = vector.broadcast %jit3A_139 : f32 to vector<224x224xf32>
    %min3A_143 = arith.minimumf %min3A_142, %max3A_141 : vector<224x224xf32>
    %floor3A_144 = math.floor %min3A_128 : vector<224x224xf32>
    %floor3A_145 = math.floor %min3A_143 : vector<224x224xf32>
    %sub3A_146 = arith.subf %min3A_128, %floor3A_144 : vector<224x224xf32>
    %sub3A_147 = arith.subf %min3A_143, %floor3A_145 : vector<224x224xf32>
    %convert_element_type3A_148 = arith.fptosi %floor3A_144 : vector<224x224xf32> to vector<224x224xi32>
    %convert_element_type3A_149 = arith.fptosi %floor3A_145 : vector<224x224xf32> to vector<224x224xi32>
    %gt3A_150 = arith.constant 0.000000e+00 : f32
    %gt3A_151 = vector.broadcast %gt3A_150 : f32 to vector<224x224xf32>
    %gt3A_152 = arith.cmpf ogt, %sub3A_146, %gt3A_151 : vector<224x224xf32>
    %convert_element_type3A_153 = arith.extui %gt3A_152 : vector<224x224xi1> to vector<224x224xi32>
    %add3A_154 = arith.addi %convert_element_type3A_148, %convert_element_type3A_153 : vector<224x224xi32>
    %gt3A_155 = arith.constant 0.000000e+00 : f32
    %gt3A_156 = vector.broadcast %gt3A_155 : f32 to vector<224x224xf32>
    %gt3A_157 = arith.cmpf ogt, %sub3A_147, %gt3A_156 : vector<224x224xf32>
    %convert_element_type3A_158 = arith.extui %gt3A_157 : vector<224x224xi1> to vector<224x224xi32>
    %add3A_159 = arith.addi %convert_element_type3A_149, %convert_element_type3A_158 : vector<224x224xi32>
    %mul3A_160 = arith.constant 224 : i32
    %mul3A_161 = vector.broadcast %mul3A_160 : i32 to vector<224x224xi32>
    %mul3A_162 = arith.muli %convert_element_type3A_148, %mul3A_161 : vector<224x224xi32>
    %mul3A_163 = arith.constant 224 : i32
    %mul3A_164 = vector.broadcast %mul3A_163 : i32 to vector<224x224xi32>
    %mul3A_165 = arith.muli %add3A_154, %mul3A_164 : vector<224x224xi32>
    %add3A_166 = arith.addi %mul3A_162, %convert_element_type3A_149 : vector<224x224xi32>
    %swap3A_167 = arith.constant 1 : index
    %swap3A_168 = arith.constant 0 : index
    %swap3A_169 = arith.constant 0 : index
    %swap3A_170 = arith.constant 0 : index
    %swap3A_171 = vector.load %arg1[%swap3A_167, %swap3A_168, %swap3A_169, %swap3A_170] : memref<9x4x224x224xi32, #tpu.memory_space<vmem>>, vector<1x1x224x224xi32>
    %swap3A_172 = vector.shape_cast %swap3A_171 : vector<1x1x224x224xi32> to vector<224x224xi32>
    %swap3A_173 = vector.shape_cast %add3A_166 : vector<224x224xi32> to vector<1x1x224x224xi32>
    tpu.vector_store %arg1[%swap3A_167, %swap3A_168, %swap3A_169, %swap3A_170], %swap3A_173 {strides = array<i32>} : memref<9x4x224x224xi32, #tpu.memory_space<vmem>>, vector<1x1x224x224xi32>,
    %add3A_174 = arith.addi %mul3A_165, %convert_element_type3A_149 : vector<224x224xi32>
    %swap3A_175 = arith.constant 1 : index
    %swap3A_176 = arith.constant 1 : index
    %swap3A_177 = arith.constant 0 : index
    %swap3A_178 = arith.constant 0 : index
    %swap3A_179 = vector.load %arg1[%swap3A_175, %swap3A_176, %swap3A_177, %swap3A_178] : memref<9x4x224x224xi32, #tpu.memory_space<vmem>>, vector<1x1x224x224xi32>
    %swap3A_180 = vector.shape_cast %swap3A_179 : vector<1x1x224x224xi32> to vector<224x224xi32>
    %swap3A_181 = vector.shape_cast %add3A_174 : vector<224x224xi32> to vector<1x1x224x224xi32>
    tpu.vector_store %arg1[%swap3A_175, %swap3A_176, %swap3A_177, %swap3A_178], %swap3A_181 {strides = array<i32>} : memref<9x4x224x224xi32, #tpu.memory_space<vmem>>, vector<1x1x224x224xi32>,
    %add3A_182 = arith.addi %mul3A_162, %add3A_159 : vector<224x224xi32>
    %swap3A_183 = arith.constant 1 : index
    %swap3A_184 = arith.constant 2 : index
    %swap3A_185 = arith.constant 0 : index
    %swap3A_186 = arith.constant 0 : index
    %swap3A_187 = vector.load %arg1[%swap3A_183, %swap3A_184, %swap3A_185, %swap3A_186] : memref<9x4x224x224xi32, #tpu.memory_space<vmem>>, vector<1x1x224x224xi32>
    %swap3A_188 = vector.shape_cast %swap3A_187 : vector<1x1x224x224xi32> to vector<224x224xi32>
    %swap3A_189 = vector.shape_cast %add3A_182 : vector<224x224xi32> to vector<1x1x224x224xi32>
    tpu.vector_store %arg1[%swap3A_183, %swap3A_184, %swap3A_185, %swap3A_186], %swap3A_189 {strides = array<i32>} : memref<9x4x224x224xi32, #tpu.memory_space<vmem>>, vector<1x1x224x224xi32>,
    %add3A_190 = arith.addi %mul3A_165, %add3A_159 : vector<224x224xi32>
    %swap3A_191 = arith.constant 1 : index
    %swap3A_192 = arith.constant 3 : index
    %swap3A_193 = arith.constant 0 : index
    %swap3A_194 = arith.constant 0 : index
    %swap3A_195 = vector.load %arg1[%swap3A_191, %swap3A_192, %swap3A_193, %swap3A_194] : memref<9x4x224x224xi32, #tpu.memory_space<vmem>>, vector<1x1x224x224xi32>
    %swap3A_196 = vector.shape_cast %swap3A_195 : vector<1x1x224x224xi32> to vector<224x224xi32>
    %swap3A_197 = vector.shape_cast %add3A_190 : vector<224x224xi32> to vector<1x1x224x224xi32>
    tpu.vector_store %arg1[%swap3A_191, %swap3A_192, %swap3A_193, %swap3A_194], %swap3A_197 {strides = array<i32>} : memref<9x4x224x224xi32, #tpu.memory_space<vmem>>, vector<1x1x224x224xi32>,
    %sub3A_198 = arith.constant 1.000000e+00 : f32
    %sub3A_199 = vector.broadcast %sub3A_198 : f32 to vector<224x224xf32>
    %sub3A_200 = arith.subf %sub3A_199, %sub3A_146 : vector<224x224xf32>
    %sub3A_201 = arith.constant 1.000000e+00 : f32
    %sub3A_202 = vector.broadcast %sub3A_201 : f32 to vector<224x224xf32>
    %sub3A_203 = arith.subf %sub3A_202, %sub3A_147 : vector<224x224xf32>
    %mul3A_204 = arith.mulf %sub3A_200, %sub3A_203 : vector<224x224xf32>
    %swap3A_205 = arith.constant 1 : index
    %swap3A_206 = arith.constant 0 : index
    %swap3A_207 = arith.constant 0 : index
    %swap3A_208 = arith.constant 0 : index
    %swap3A_209 = vector.load %arg2[%swap3A_205, %swap3A_206, %swap3A_207, %swap3A_208] : memref<9x4x224x224xf32, #tpu.memory_space<vmem>>, vector<1x1x224x224xf32>
    %swap3A_210 = vector.shape_cast %swap3A_209 : vector<1x1x224x224xf32> to vector<224x224xf32>
    %swap3A_211 = vector.shape_cast %mul3A_204 : vector<224x224xf32> to vector<1x1x224x224xf32>
    tpu.vector_store %arg2[%swap3A_205, %swap3A_206, %swap3A_207, %swap3A_208], %swap3A_211 {strides = array<i32>} : memref<9x4x224x224xf32, #tpu.memory_space<vmem>>, vector<1x1x224x224xf32>,
    %mul3A_212 = arith.mulf %sub3A_146, %sub3A_203 : vector<224x224xf32>
    %swap3A_213 = arith.constant 1 : index
    %swap3A_214 = arith.constant 1 : index
    %swap3A_215 = arith.constant 0 : index
    %swap3A_216 = arith.constant 0 : index
    %swap3A_217 = vector.load %arg2[%swap3A_213, %swap3A_214, %swap3A_215, %swap3A_216] : memref<9x4x224x224xf32, #tpu.memory_space<vmem>>, vector<1x1x224x224xf32>
    %swap3A_218 = vector.shape_cast %swap3A_217 : vector<1x1x224x224xf32> to vector<224x224xf32>
    %swap3A_219 = vector.shape_cast %mul3A_212 : vector<224x224xf32> to vector<1x1x224x224xf32>
    tpu.vector_store %arg2[%swap3A_213, %swap3A_214, %swap3A_215, %swap3A_216], %swap3A_219 {strides = array<i32>} : memref<9x4x224x224xf32, #tpu.memory_space<vmem>>, vector<1x1x224x224xf32>,
    %mul3A_220 = arith.mulf %sub3A_200, %sub3A_147 : vector<224x224xf32>
    %swap3A_221 = arith.constant 1 : index
    %swap3A_222 = arith.constant 2 : index
    %swap3A_223 = arith.constant 0 : index
    %swap3A_224 = arith.constant 0 : index
    %swap3A_225 = vector.load %arg2[%swap3A_221, %swap3A_222, %swap3A_223, %swap3A_224] : memref<9x4x224x224xf32, #tpu.memory_space<vmem>>, vector<1x1x224x224xf32>
    %swap3A_226 = vector.shape_cast %swap3A_225 : vector<1x1x224x224xf32> to vector<224x224xf32>
    %swap3A_227 = vector.shape_cast %mul3A_220 : vector<224x224xf32> to vector<1x1x224x224xf32>
    tpu.vector_store %arg2[%swap3A_221, %swap3A_222, %swap3A_223, %swap3A_224], %swap3A_227 {strides = array<i32>} : memref<9x4x224x224xf32, #tpu.memory_space<vmem>>, vector<1x1x224x224xf32>,
    %mul3A_228 = arith.mulf %sub3A_146, %sub3A_147 : vector<224x224xf32>
    %swap3A_229 = arith.constant 1 : index
    %swap3A_230 = arith.constant 3 : index
    %swap3A_231 = arith.constant 0 : index
    %swap3A_232 = arith.constant 0 : index
    %swap3A_233 = vector.load %arg2[%swap3A_229, %swap3A_230, %swap3A_231, %swap3A_232] : memref<9x4x224x224xf32, #tpu.memory_space<vmem>>, vector<1x1x224x224xf32>
    %swap3A_234 = vector.shape_cast %swap3A_233 : vector<1x1x224x224xf32> to vector<224x224xf32>
    %swap3A_235 = vector.shape_cast %mul3A_228 : vector<224x224xf32> to vector<1x1x224x224xf32>
    tpu.vector_store %arg2[%swap3A_229, %swap3A_230, %swap3A_231, %swap3A_232], %swap3A_235 {strides = array<i32>} : memref<9x4x224x224xf32, #tpu.memory_space<vmem>>, vector<1x1x224x224xf32>,
    %add3A_236 = arith.constant 0.000000e+00 : f32
    %add3A_237 = vector.broadcast %add3A_236 : f32 to vector<224x224xf32>
    %add3A_238 = arith.addf %convert_element_type3A, %add3A_237 : vector<224x224xf32>
    %get3A_239 = arith.constant 4 : index
    %get3A_240 = arith.constant 0 : index
    %get3A_241 = arith.constant 0 : index
    %get3A_242 = vector.load %arg0[%get3A_239, %get3A_240, %get3A_241] : memref<18x224x224xf32, #tpu.memory_space<vmem>>, vector<1x224x224xf32>
    %get3A_243 = vector.shape_cast %get3A_242 : vector<1x224x224xf32> to vector<224x224xf32>
    %add3A_244 = arith.addf %add3A_238, %get3A_243 : vector<224x224xf32>
    %jit3A_245 = arith.constant 0.000000e+00 : f32
    %jit3A_246 = arith.constant 2.230000e+02 : f32
    %max3A_247 = vector.broadcast %jit3A_245 : f32 to vector<224x224xf32>
    %max3A_248 = arith.maximumf %max3A_247, %add3A_244 : vector<224x224xf32>
    %min3A_249 = vector.broadcast %jit3A_246 : f32 to vector<224x224xf32>
    %min3A_250 = arith.minimumf %min3A_249, %max3A_248 : vector<224x224xf32>
    %add3A_251 = arith.constant 0.000000e+00 : f32
    %add3A_252 = vector.broadcast %add3A_251 : f32 to vector<224x224xf32>
    %add3A_253 = arith.addf %convert_element_type3A_1, %add3A_252 : vector<224x224xf32>
    %get3A_254 = arith.constant 5 : index
    %get3A_255 = arith.constant 0 : index
    %get3A_256 = arith.constant 0 : index
    %get3A_257 = vector.load %arg0[%get3A_254, %get3A_255, %get3A_256] : memref<18x224x224xf32, #tpu.memory_space<vmem>>, vector<1x224x224xf32>
    %get3A_258 = vector.shape_cast %get3A_257 : vector<1x224x224xf32> to vector<224x224xf32>
    %add3A_259 = arith.addf %add3A_253, %get3A_258 : vector<224x224xf32>
    %jit3A_260 = arith.constant 0.000000e+00 : f32
    %jit3A_261 = arith.constant 2.230000e+02 : f32
    %max3A_262 = vector.broadcast %jit3A_260 : f32 to vector<224x224xf32>
    %max3A_263 = arith.maximumf %max3A_262, %add3A_259 : vector<224x224xf32>
    %min3A_264 = vector.broadcast %jit3A_261 : f32 to vector<224x224xf32>
    %min3A_265 = arith.minimumf %min3A_264, %max3A_263 : vector<224x224xf32>
    %floor3A_266 = math.floor %min3A_250 : vector<224x224xf32>
    %floor3A_267 = math.floor %min3A_265 : vector<224x224xf32>
    %sub3A_268 = arith.subf %min3A_250, %floor3A_266 : vector<224x224xf32>
    %sub3A_269 = arith.subf %min3A_265, %floor3A_267 : vector<224x224xf32>
    %convert_element_type3A_270 = arith.fptosi %floor3A_266 : vector<224x224xf32> to vector<224x224xi32>
    %convert_element_type3A_271 = arith.fptosi %floor3A_267 : vector<224x224xf32> to vector<224x224xi32>
    %gt3A_272 = arith.constant 0.000000e+00 : f32
    %gt3A_273 = vector.broadcast %gt3A_272 : f32 to vector<224x224xf32>
    %gt3A_274 = arith.cmpf ogt, %sub3A_268, %gt3A_273 : vector<224x224xf32>
    %convert_element_type3A_275 = arith.extui %gt3A_274 : vector<224x224xi1> to vector<224x224xi32>
    %add3A_276 = arith.addi %convert_element_type3A_270, %convert_element_type3A_275 : vector<224x224xi32>
    %gt3A_277 = arith.constant 0.000000e+00 : f32
    %gt3A_278 = vector.broadcast %gt3A_277 : f32 to vector<224x224xf32>
    %gt3A_279 = arith.cmpf ogt, %sub3A_269, %gt3A_278 : vector<224x224xf32>
    %convert_element_type3A_280 = arith.extui %gt3A_279 : vector<224x224xi1> to vector<224x224xi32>
    %add3A_281 = arith.addi %convert_element_type3A_271, %convert_element_type3A_280 : vector<224x224xi32>
    %mul3A_282 = arith.constant 224 : i32
    %mul3A_283 = vector.broadcast %mul3A_282 : i32 to vector<224x224xi32>
    %mul3A_284 = arith.muli %convert_element_type3A_270, %mul3A_283 : vector<224x224xi32>
    %mul3A_285 = arith.constant 224 : i32
    %mul3A_286 = vector.broadcast %mul3A_285 : i32 to vector<224x224xi32>
    %mul3A_287 = arith.muli %add3A_276, %mul3A_286 : vector<224x224xi32>
    %add3A_288 = arith.addi %mul3A_284, %convert_element_type3A_271 : vector<224x224xi32>
    %swap3A_289 = arith.constant 2 : index
    %swap3A_290 = arith.constant 0 : index
    %swap3A_291 = arith.constant 0 : index
    %swap3A_292 = arith.constant 0 : index
    %swap3A_293 = vector.load %arg1[%swap3A_289, %swap3A_290, %swap3A_291, %swap3A_292] : memref<9x4x224x224xi32, #tpu.memory_space<vmem>>, vector<1x1x224x224xi32>
    %swap3A_294 = vector.shape_cast %swap3A_293 : vector<1x1x224x224xi32> to vector<224x224xi32>
    %swap3A_295 = vector.shape_cast %add3A_288 : vector<224x224xi32> to vector<1x1x224x224xi32>
    tpu.vector_store %arg1[%swap3A_289, %swap3A_290, %swap3A_291, %swap3A_292], %swap3A_295 {strides = array<i32>} : memref<9x4x224x224xi32, #tpu.memory_space<vmem>>, vector<1x1x224x224xi32>,
    %add3A_296 = arith.addi %mul3A_287, %convert_element_type3A_271 : vector<224x224xi32>
    %swap3A_297 = arith.constant 2 : index
    %swap3A_298 = arith.constant 1 : index
    %swap3A_299 = arith.constant 0 : index
    %swap3A_300 = arith.constant 0 : index
    %swap3A_301 = vector.load %arg1[%swap3A_297, %swap3A_298, %swap3A_299, %swap3A_300] : memref<9x4x224x224xi32, #tpu.memory_space<vmem>>, vector<1x1x224x224xi32>
    %swap3A_302 = vector.shape_cast %swap3A_301 : vector<1x1x224x224xi32> to vector<224x224xi32>
    %swap3A_303 = vector.shape_cast %add3A_296 : vector<224x224xi32> to vector<1x1x224x224xi32>
    tpu.vector_store %arg1[%swap3A_297, %swap3A_298, %swap3A_299, %swap3A_300], %swap3A_303 {strides = array<i32>} : memref<9x4x224x224xi32, #tpu.memory_space<vmem>>, vector<1x1x224x224xi32>,
    %add3A_304 = arith.addi %mul3A_284, %add3A_281 : vector<224x224xi32>
    %swap3A_305 = arith.constant 2 : index
    %swap3A_306 = arith.constant 2 : index
    %swap3A_307 = arith.constant 0 : index
    %swap3A_308 = arith.constant 0 : index
    %swap3A_309 = vector.load %arg1[%swap3A_305, %swap3A_306, %swap3A_307, %swap3A_308] : memref<9x4x224x224xi32, #tpu.memory_space<vmem>>, vector<1x1x224x224xi32>
    %swap3A_310 = vector.shape_cast %swap3A_309 : vector<1x1x224x224xi32> to vector<224x224xi32>
    %swap3A_311 = vector.shape_cast %add3A_304 : vector<224x224xi32> to vector<1x1x224x224xi32>
    tpu.vector_store %arg1[%swap3A_305, %swap3A_306, %swap3A_307, %swap3A_308], %swap3A_311 {strides = array<i32>} : memref<9x4x224x224xi32, #tpu.memory_space<vmem>>, vector<1x1x224x224xi32>,
    %add3A_312 = arith.addi %mul3A_287, %add3A_281 : vector<224x224xi32>
    %swap3A_313 = arith.constant 2 : index
    %swap3A_314 = arith.constant 3 : index
    %swap3A_315 = arith.constant 0 : index
    %swap3A_316 = arith.constant 0 : index
    %swap3A_317 = vector.load %arg1[%swap3A_313, %swap3A_314, %swap3A_315, %swap3A_316] : memref<9x4x224x224xi32, #tpu.memory_space<vmem>>, vector<1x1x224x224xi32>
    %swap3A_318 = vector.shape_cast %swap3A_317 : vector<1x1x224x224xi32> to vector<224x224xi32>
    %swap3A_319 = vector.shape_cast %add3A_312 : vector<224x224xi32> to vector<1x1x224x224xi32>
    tpu.vector_store %arg1[%swap3A_313, %swap3A_314, %swap3A_315, %swap3A_316], %swap3A_319 {strides = array<i32>} : memref<9x4x224x224xi32, #tpu.memory_space<vmem>>, vector<1x1x224x224xi32>,
    %sub3A_320 = arith.constant 1.000000e+00 : f32
    %sub3A_321 = vector.broadcast %sub3A_320 : f32 to vector<224x224xf32>
    %sub3A_322 = arith.subf %sub3A_321, %sub3A_268 : vector<224x224xf32>
    %sub3A_323 = arith.constant 1.000000e+00 : f32
    %sub3A_324 = vector.broadcast %sub3A_323 : f32 to vector<224x224xf32>
    %sub3A_325 = arith.subf %sub3A_324, %sub3A_269 : vector<224x224xf32>
    %mul3A_326 = arith.mulf %sub3A_322, %sub3A_325 : vector<224x224xf32>
    %swap3A_327 = arith.constant 2 : index
    %swap3A_328 = arith.constant 0 : index
    %swap3A_329 = arith.constant 0 : index
    %swap3A_330 = arith.constant 0 : index
    %swap3A_331 = vector.load %arg2[%swap3A_327, %swap3A_328, %swap3A_329, %swap3A_330] : memref<9x4x224x224xf32, #tpu.memory_space<vmem>>, vector<1x1x224x224xf32>
    %swap3A_332 = vector.shape_cast %swap3A_331 : vector<1x1x224x224xf32> to vector<224x224xf32>
    %swap3A_333 = vector.shape_cast %mul3A_326 : vector<224x224xf32> to vector<1x1x224x224xf32>
    tpu.vector_store %arg2[%swap3A_327, %swap3A_328, %swap3A_329, %swap3A_330], %swap3A_333 {strides = array<i32>} : memref<9x4x224x224xf32, #tpu.memory_space<vmem>>, vector<1x1x224x224xf32>,
    %mul3A_334 = arith.mulf %sub3A_268, %sub3A_325 : vector<224x224xf32>
    %swap3A_335 = arith.constant 2 : index
    %swap3A_336 = arith.constant 1 : index
    %swap3A_337 = arith.constant 0 : index
    %swap3A_338 = arith.constant 0 : index
    %swap3A_339 = vector.load %arg2[%swap3A_335, %swap3A_336, %swap3A_337, %swap3A_338] : memref<9x4x224x224xf32, #tpu.memory_space<vmem>>, vector<1x1x224x224xf32>
    %swap3A_340 = vector.shape_cast %swap3A_339 : vector<1x1x224x224xf32> to vector<224x224xf32>
    %swap3A_341 = vector.shape_cast %mul3A_334 : vector<224x224xf32> to vector<1x1x224x224xf32>
    tpu.vector_store %arg2[%swap3A_335, %swap3A_336, %swap3A_337, %swap3A_338], %swap3A_341 {strides = array<i32>} : memref<9x4x224x224xf32, #tpu.memory_space<vmem>>, vector<1x1x224x224xf32>,
    %mul3A_342 = arith.mulf %sub3A_322, %sub3A_269 : vector<224x224xf32>
    %swap3A_343 = arith.constant 2 : index
    %swap3A_344 = arith.constant 2 : index
    %swap3A_345 = arith.constant 0 : index
    %swap3A_346 = arith.constant 0 : index
    %swap3A_347 = vector.load %arg2[%swap3A_343, %swap3A_344, %swap3A_345, %swap3A_346] : memref<9x4x224x224xf32, #tpu.memory_space<vmem>>, vector<1x1x224x224xf32>
    %swap3A_348 = vector.shape_cast %swap3A_347 : vector<1x1x224x224xf32> to vector<224x224xf32>
    %swap3A_349 = vector.shape_cast %mul3A_342 : vector<224x224xf32> to vector<1x1x224x224xf32>
    tpu.vector_store %arg2[%swap3A_343, %swap3A_344, %swap3A_345, %swap3A_346], %swap3A_349 {strides = array<i32>} : memref<9x4x224x224xf32, #tpu.memory_space<vmem>>, vector<1x1x224x224xf32>,
    %mul3A_350 = arith.mulf %sub3A_268, %sub3A_269 : vector<224x224xf32>
    %swap3A_351 = arith.constant 2 : index
    %swap3A_352 = arith.constant 3 : index
    %swap3A_353 = arith.constant 0 : index
    %swap3A_354 = arith.constant 0 : index
    %swap3A_355 = vector.load %arg2[%swap3A_351, %swap3A_352, %swap3A_353, %swap3A_354] : memref<9x4x224x224xf32, #tpu.memory_space<vmem>>, vector<1x1x224x224xf32>
    %swap3A_356 = vector.shape_cast %swap3A_355 : vector<1x1x224x224xf32> to vector<224x224xf32>
    %swap3A_357 = vector.shape_cast %mul3A_350 : vector<224x224xf32> to vector<1x1x224x224xf32>
    tpu.vector_store %arg2[%swap3A_351, %swap3A_352, %swap3A_353, %swap3A_354], %swap3A_357 {strides = array<i32>} : memref<9x4x224x224xf32, #tpu.memory_space<vmem>>, vector<1x1x224x224xf32>,
    %add3A_358 = arith.constant 1.000000e+00 : f32
    %add3A_359 = vector.broadcast %add3A_358 : f32 to vector<224x224xf32>
    %add3A_360 = arith.addf %convert_element_type3A, %add3A_359 : vector<224x224xf32>
    %get3A_361 = arith.constant 6 : index
    %get3A_362 = arith.constant 0 : index
    %get3A_363 = arith.constant 0 : index
    %get3A_364 = vector.load %arg0[%get3A_361, %get3A_362, %get3A_363] : memref<18x224x224xf32, #tpu.memory_space<vmem>>, vector<1x224x224xf32>
    %get3A_365 = vector.shape_cast %get3A_364 : vector<1x224x224xf32> to vector<224x224xf32>
    %add3A_366 = arith.addf %add3A_360, %get3A_365 : vector<224x224xf32>
    %jit3A_367 = arith.constant 0.000000e+00 : f32
    %jit3A_368 = arith.constant 2.230000e+02 : f32
    %max3A_369 = vector.broadcast %jit3A_367 : f32 to vector<224x224xf32>
    %max3A_370 = arith.maximumf %max3A_369, %add3A_366 : vector<224x224xf32>
    %min3A_371 = vector.broadcast %jit3A_368 : f32 to vector<224x224xf32>
    %min3A_372 = arith.minimumf %min3A_371, %max3A_370 : vector<224x224xf32>
    %add3A_373 = arith.constant 1.000000e+00 : f32
    %add3A_374 = vector.broadcast %add3A_373 : f32 to vector<224x224xf32>
    %add3A_375 = arith.addf %convert_element_type3A_1, %add3A_374 : vector<224x224xf32>
    %get3A_376 = arith.constant 7 : index
    %get3A_377 = arith.constant 0 : index
    %get3A_378 = arith.constant 0 : index
    %get3A_379 = vector.load %arg0[%get3A_376, %get3A_377, %get3A_378] : memref<18x224x224xf32, #tpu.memory_space<vmem>>, vector<1x224x224xf32>
    %get3A_380 = vector.shape_cast %get3A_379 : vector<1x224x224xf32> to vector<224x224xf32>
    %add3A_381 = arith.addf %add3A_375, %get3A_380 : vector<224x224xf32>
    %jit3A_382 = arith.constant 0.000000e+00 : f32
    %jit3A_383 = arith.constant 2.230000e+02 : f32
    %max3A_384 = vector.broadcast %jit3A_382 : f32 to vector<224x224xf32>
    %max3A_385 = arith.maximumf %max3A_384, %add3A_381 : vector<224x224xf32>
    %min3A_386 = vector.broadcast %jit3A_383 : f32 to vector<224x224xf32>
    %min3A_387 = arith.minimumf %min3A_386, %max3A_385 : vector<224x224xf32>
    %floor3A_388 = math.floor %min3A_372 : vector<224x224xf32>
    %floor3A_389 = math.floor %min3A_387 : vector<224x224xf32>
    %sub3A_390 = arith.subf %min3A_372, %floor3A_388 : vector<224x224xf32>
    %sub3A_391 = arith.subf %min3A_387, %floor3A_389 : vector<224x224xf32>
    %convert_element_type3A_392 = arith.fptosi %floor3A_388 : vector<224x224xf32> to vector<224x224xi32>
    %convert_element_type3A_393 = arith.fptosi %floor3A_389 : vector<224x224xf32> to vector<224x224xi32>
    %gt3A_394 = arith.constant 0.000000e+00 : f32
    %gt3A_395 = vector.broadcast %gt3A_394 : f32 to vector<224x224xf32>
    %gt3A_396 = arith.cmpf ogt, %sub3A_390, %gt3A_395 : vector<224x224xf32>
    %convert_element_type3A_397 = arith.extui %gt3A_396 : vector<224x224xi1> to vector<224x224xi32>
    %add3A_398 = arith.addi %convert_element_type3A_392, %convert_element_type3A_397 : vector<224x224xi32>
    %gt3A_399 = arith.constant 0.000000e+00 : f32
    %gt3A_400 = vector.broadcast %gt3A_399 : f32 to vector<224x224xf32>
    %gt3A_401 = arith.cmpf ogt, %sub3A_391, %gt3A_400 : vector<224x224xf32>
    %convert_element_type3A_402 = arith.extui %gt3A_401 : vector<224x224xi1> to vector<224x224xi32>
    %add3A_403 = arith.addi %convert_element_type3A_393, %convert_element_type3A_402 : vector<224x224xi32>
    %mul3A_404 = arith.constant 224 : i32
    %mul3A_405 = vector.broadcast %mul3A_404 : i32 to vector<224x224xi32>
    %mul3A_406 = arith.muli %convert_element_type3A_392, %mul3A_405 : vector<224x224xi32>
    %mul3A_407 = arith.constant 224 : i32
    %mul3A_408 = vector.broadcast %mul3A_407 : i32 to vector<224x224xi32>
    %mul3A_409 = arith.muli %add3A_398, %mul3A_408 : vector<224x224xi32>
    %add3A_410 = arith.addi %mul3A_406, %convert_element_type3A_393 : vector<224x224xi32>
    %swap3A_411 = arith.constant 3 : index
    %swap3A_412 = arith.constant 0 : index
    %swap3A_413 = arith.constant 0 : index
    %swap3A_414 = arith.constant 0 : index
    %swap3A_415 = vector.load %arg1[%swap3A_411, %swap3A_412, %swap3A_413, %swap3A_414] : memref<9x4x224x224xi32, #tpu.memory_space<vmem>>, vector<1x1x224x224xi32>
    %swap3A_416 = vector.shape_cast %swap3A_415 : vector<1x1x224x224xi32> to vector<224x224xi32>
    %swap3A_417 = vector.shape_cast %add3A_410 : vector<224x224xi32> to vector<1x1x224x224xi32>
    tpu.vector_store %arg1[%swap3A_411, %swap3A_412, %swap3A_413, %swap3A_414], %swap3A_417 {strides = array<i32>} : memref<9x4x224x224xi32, #tpu.memory_space<vmem>>, vector<1x1x224x224xi32>,
    %add3A_418 = arith.addi %mul3A_409, %convert_element_type3A_393 : vector<224x224xi32>
    %swap3A_419 = arith.constant 3 : index
    %swap3A_420 = arith.constant 1 : index
    %swap3A_421 = arith.constant 0 : index
    %swap3A_422 = arith.constant 0 : index
    %swap3A_423 = vector.load %arg1[%swap3A_419, %swap3A_420, %swap3A_421, %swap3A_422] : memref<9x4x224x224xi32, #tpu.memory_space<vmem>>, vector<1x1x224x224xi32>
    %swap3A_424 = vector.shape_cast %swap3A_423 : vector<1x1x224x224xi32> to vector<224x224xi32>
    %swap3A_425 = vector.shape_cast %add3A_418 : vector<224x224xi32> to vector<1x1x224x224xi32>
    tpu.vector_store %arg1[%swap3A_419, %swap3A_420, %swap3A_421, %swap3A_422], %swap3A_425 {strides = array<i32>} : memref<9x4x224x224xi32, #tpu.memory_space<vmem>>, vector<1x1x224x224xi32>,
    %add3A_426 = arith.addi %mul3A_406, %add3A_403 : vector<224x224xi32>
    %swap3A_427 = arith.constant 3 : index
    %swap3A_428 = arith.constant 2 : index
    %swap3A_429 = arith.constant 0 : index
    %swap3A_430 = arith.constant 0 : index
    %swap3A_431 = vector.load %arg1[%swap3A_427, %swap3A_428, %swap3A_429, %swap3A_430] : memref<9x4x224x224xi32, #tpu.memory_space<vmem>>, vector<1x1x224x224xi32>
    %swap3A_432 = vector.shape_cast %swap3A_431 : vector<1x1x224x224xi32> to vector<224x224xi32>
    %swap3A_433 = vector.shape_cast %add3A_426 : vector<224x224xi32> to vector<1x1x224x224xi32>
    tpu.vector_store %arg1[%swap3A_427, %swap3A_428, %swap3A_429, %swap3A_430], %swap3A_433 {strides = array<i32>} : memref<9x4x224x224xi32, #tpu.memory_space<vmem>>, vector<1x1x224x224xi32>,
    %add3A_434 = arith.addi %mul3A_409, %add3A_403 : vector<224x224xi32>
    %swap3A_435 = arith.constant 3 : index
    %swap3A_436 = arith.constant 3 : index
    %swap3A_437 = arith.constant 0 : index
    %swap3A_438 = arith.constant 0 : index
    %swap3A_439 = vector.load %arg1[%swap3A_435, %swap3A_436, %swap3A_437, %swap3A_438] : memref<9x4x224x224xi32, #tpu.memory_space<vmem>>, vector<1x1x224x224xi32>
    %swap3A_440 = vector.shape_cast %swap3A_439 : vector<1x1x224x224xi32> to vector<224x224xi32>
    %swap3A_441 = vector.shape_cast %add3A_434 : vector<224x224xi32> to vector<1x1x224x224xi32>
    tpu.vector_store %arg1[%swap3A_435, %swap3A_436, %swap3A_437, %swap3A_438], %swap3A_441 {strides = array<i32>} : memref<9x4x224x224xi32, #tpu.memory_space<vmem>>, vector<1x1x224x224xi32>,
    %sub3A_442 = arith.constant 1.000000e+00 : f32
    %sub3A_443 = vector.broadcast %sub3A_442 : f32 to vector<224x224xf32>
    %sub3A_444 = arith.subf %sub3A_443, %sub3A_390 : vector<224x224xf32>
    %sub3A_445 = arith.constant 1.000000e+00 : f32
    %sub3A_446 = vector.broadcast %sub3A_445 : f32 to vector<224x224xf32>
    %sub3A_447 = arith.subf %sub3A_446, %sub3A_391 : vector<224x224xf32>
    %mul3A_448 = arith.mulf %sub3A_444, %sub3A_447 : vector<224x224xf32>
    %swap3A_449 = arith.constant 3 : index
    %swap3A_450 = arith.constant 0 : index
    %swap3A_451 = arith.constant 0 : index
    %swap3A_452 = arith.constant 0 : index
    %swap3A_453 = vector.load %arg2[%swap3A_449, %swap3A_450, %swap3A_451, %swap3A_452] : memref<9x4x224x224xf32, #tpu.memory_space<vmem>>, vector<1x1x224x224xf32>
    %swap3A_454 = vector.shape_cast %swap3A_453 : vector<1x1x224x224xf32> to vector<224x224xf32>
    %swap3A_455 = vector.shape_cast %mul3A_448 : vector<224x224xf32> to vector<1x1x224x224xf32>
    tpu.vector_store %arg2[%swap3A_449, %swap3A_450, %swap3A_451, %swap3A_452], %swap3A_455 {strides = array<i32>} : memref<9x4x224x224xf32, #tpu.memory_space<vmem>>, vector<1x1x224x224xf32>,
    %mul3A_456 = arith.mulf %sub3A_390, %sub3A_447 : vector<224x224xf32>
    %swap3A_457 = arith.constant 3 : index
    %swap3A_458 = arith.constant 1 : index
    %swap3A_459 = arith.constant 0 : index
    %swap3A_460 = arith.constant 0 : index
    %swap3A_461 = vector.load %arg2[%swap3A_457, %swap3A_458, %swap3A_459, %swap3A_460] : memref<9x4x224x224xf32, #tpu.memory_space<vmem>>, vector<1x1x224x224xf32>
    %swap3A_462 = vector.shape_cast %swap3A_461 : vector<1x1x224x224xf32> to vector<224x224xf32>
    %swap3A_463 = vector.shape_cast %mul3A_456 : vector<224x224xf32> to vector<1x1x224x224xf32>
    tpu.vector_store %arg2[%swap3A_457, %swap3A_458, %swap3A_459, %swap3A_460], %swap3A_463 {strides = array<i32>} : memref<9x4x224x224xf32, #tpu.memory_space<vmem>>, vector<1x1x224x224xf32>,
    %mul3A_464 = arith.mulf %sub3A_444, %sub3A_391 : vector<224x224xf32>
    %swap3A_465 = arith.constant 3 : index
    %swap3A_466 = arith.constant 2 : index
    %swap3A_467 = arith.constant 0 : index
    %swap3A_468 = arith.constant 0 : index
    %swap3A_469 = vector.load %arg2[%swap3A_465, %swap3A_466, %swap3A_467, %swap3A_468] : memref<9x4x224x224xf32, #tpu.memory_space<vmem>>, vector<1x1x224x224xf32>
    %swap3A_470 = vector.shape_cast %swap3A_469 : vector<1x1x224x224xf32> to vector<224x224xf32>
    %swap3A_471 = vector.shape_cast %mul3A_464 : vector<224x224xf32> to vector<1x1x224x224xf32>
    tpu.vector_store %arg2[%swap3A_465, %swap3A_466, %swap3A_467, %swap3A_468], %swap3A_471 {strides = array<i32>} : memref<9x4x224x224xf32, #tpu.memory_space<vmem>>, vector<1x1x224x224xf32>,
    %mul3A_472 = arith.mulf %sub3A_390, %sub3A_391 : vector<224x224xf32>
    %swap3A_473 = arith.constant 3 : index
    %swap3A_474 = arith.constant 3 : index
    %swap3A_475 = arith.constant 0 : index
    %swap3A_476 = arith.constant 0 : index
    %swap3A_477 = vector.load %arg2[%swap3A_473, %swap3A_474, %swap3A_475, %swap3A_476] : memref<9x4x224x224xf32, #tpu.memory_space<vmem>>, vector<1x1x224x224xf32>
    %swap3A_478 = vector.shape_cast %swap3A_477 : vector<1x1x224x224xf32> to vector<224x224xf32>
    %swap3A_479 = vector.shape_cast %mul3A_472 : vector<224x224xf32> to vector<1x1x224x224xf32>
    tpu.vector_store %arg2[%swap3A_473, %swap3A_474, %swap3A_475, %swap3A_476], %swap3A_479 {strides = array<i32>} : memref<9x4x224x224xf32, #tpu.memory_space<vmem>>, vector<1x1x224x224xf32>,
    %add3A_480 = arith.constant 1.000000e+00 : f32
    %add3A_481 = vector.broadcast %add3A_480 : f32 to vector<224x224xf32>
    %add3A_482 = arith.addf %convert_element_type3A, %add3A_481 : vector<224x224xf32>
    %get3A_483 = arith.constant 8 : index
    %get3A_484 = arith.constant 0 : index
    %get3A_485 = arith.constant 0 : index
    %get3A_486 = vector.load %arg0[%get3A_483, %get3A_484, %get3A_485] : memref<18x224x224xf32, #tpu.memory_space<vmem>>, vector<1x224x224xf32>
    %get3A_487 = vector.shape_cast %get3A_486 : vector<1x224x224xf32> to vector<224x224xf32>
    %add3A_488 = arith.addf %add3A_482, %get3A_487 : vector<224x224xf32>
    %jit3A_489 = arith.constant 0.000000e+00 : f32
    %jit3A_490 = arith.constant 2.230000e+02 : f32
    %max3A_491 = vector.broadcast %jit3A_489 : f32 to vector<224x224xf32>
    %max3A_492 = arith.maximumf %max3A_491, %add3A_488 : vector<224x224xf32>
    %min3A_493 = vector.broadcast %jit3A_490 : f32 to vector<224x224xf32>
    %min3A_494 = arith.minimumf %min3A_493, %max3A_492 : vector<224x224xf32>
    %add3A_495 = arith.constant -1.000000e+00 : f32
    %add3A_496 = vector.broadcast %add3A_495 : f32 to vector<224x224xf32>
    %add3A_497 = arith.addf %convert_element_type3A_1, %add3A_496 : vector<224x224xf32>
    %get3A_498 = arith.constant 9 : index
    %get3A_499 = arith.constant 0 : index
    %get3A_500 = arith.constant 0 : index
    %get3A_501 = vector.load %arg0[%get3A_498, %get3A_499, %get3A_500] : memref<18x224x224xf32, #tpu.memory_space<vmem>>, vector<1x224x224xf32>
    %get3A_502 = vector.shape_cast %get3A_501 : vector<1x224x224xf32> to vector<224x224xf32>
    %add3A_503 = arith.addf %add3A_497, %get3A_502 : vector<224x224xf32>
    %jit3A_504 = arith.constant 0.000000e+00 : f32
    %jit3A_505 = arith.constant 2.230000e+02 : f32
    %max3A_506 = vector.broadcast %jit3A_504 : f32 to vector<224x224xf32>
    %max3A_507 = arith.maximumf %max3A_506, %add3A_503 : vector<224x224xf32>
    %min3A_508 = vector.broadcast %jit3A_505 : f32 to vector<224x224xf32>
    %min3A_509 = arith.minimumf %min3A_508, %max3A_507 : vector<224x224xf32>
    %floor3A_510 = math.floor %min3A_494 : vector<224x224xf32>
    %floor3A_511 = math.floor %min3A_509 : vector<224x224xf32>
    %sub3A_512 = arith.subf %min3A_494, %floor3A_510 : vector<224x224xf32>
    %sub3A_513 = arith.subf %min3A_509, %floor3A_511 : vector<224x224xf32>
    %convert_element_type3A_514 = arith.fptosi %floor3A_510 : vector<224x224xf32> to vector<224x224xi32>
    %convert_element_type3A_515 = arith.fptosi %floor3A_511 : vector<224x224xf32> to vector<224x224xi32>
    %gt3A_516 = arith.constant 0.000000e+00 : f32
    %gt3A_517 = vector.broadcast %gt3A_516 : f32 to vector<224x224xf32>
    %gt3A_518 = arith.cmpf ogt, %sub3A_512, %gt3A_517 : vector<224x224xf32>
    %convert_element_type3A_519 = arith.extui %gt3A_518 : vector<224x224xi1> to vector<224x224xi32>
    %add3A_520 = arith.addi %convert_element_type3A_514, %convert_element_type3A_519 : vector<224x224xi32>
    %gt3A_521 = arith.constant 0.000000e+00 : f32
    %gt3A_522 = vector.broadcast %gt3A_521 : f32 to vector<224x224xf32>
    %gt3A_523 = arith.cmpf ogt, %sub3A_513, %gt3A_522 : vector<224x224xf32>
    %convert_element_type3A_524 = arith.extui %gt3A_523 : vector<224x224xi1> to vector<224x224xi32>
    %add3A_525 = arith.addi %convert_element_type3A_515, %convert_element_type3A_524 : vector<224x224xi32>
    %mul3A_526 = arith.constant 224 : i32
    %mul3A_527 = vector.broadcast %mul3A_526 : i32 to vector<224x224xi32>
    %mul3A_528 = arith.muli %convert_element_type3A_514, %mul3A_527 : vector<224x224xi32>
    %mul3A_529 = arith.constant 224 : i32
    %mul3A_530 = vector.broadcast %mul3A_529 : i32 to vector<224x224xi32>
    %mul3A_531 = arith.muli %add3A_520, %mul3A_530 : vector<224x224xi32>
    %add3A_532 = arith.addi %mul3A_528, %convert_element_type3A_515 : vector<224x224xi32>
    %swap3A_533 = arith.constant 4 : index
    %swap3A_534 = arith.constant 0 : index
    %swap3A_535 = arith.constant 0 : index
    %swap3A_536 = arith.constant 0 : index
    %swap3A_537 = vector.load %arg1[%swap3A_533, %swap3A_534, %swap3A_535, %swap3A_536] : memref<9x4x224x224xi32, #tpu.memory_space<vmem>>, vector<1x1x224x224xi32>
    %swap3A_538 = vector.shape_cast %swap3A_537 : vector<1x1x224x224xi32> to vector<224x224xi32>
    %swap3A_539 = vector.shape_cast %add3A_532 : vector<224x224xi32> to vector<1x1x224x224xi32>
    tpu.vector_store %arg1[%swap3A_533, %swap3A_534, %swap3A_535, %swap3A_536], %swap3A_539 {strides = array<i32>} : memref<9x4x224x224xi32, #tpu.memory_space<vmem>>, vector<1x1x224x224xi32>,
    %add3A_540 = arith.addi %mul3A_531, %convert_element_type3A_515 : vector<224x224xi32>
    %swap3A_541 = arith.constant 4 : index
    %swap3A_542 = arith.constant 1 : index
    %swap3A_543 = arith.constant 0 : index
    %swap3A_544 = arith.constant 0 : index
    %swap3A_545 = vector.load %arg1[%swap3A_541, %swap3A_542, %swap3A_543, %swap3A_544] : memref<9x4x224x224xi32, #tpu.memory_space<vmem>>, vector<1x1x224x224xi32>
    %swap3A_546 = vector.shape_cast %swap3A_545 : vector<1x1x224x224xi32> to vector<224x224xi32>
    %swap3A_547 = vector.shape_cast %add3A_540 : vector<224x224xi32> to vector<1x1x224x224xi32>
    tpu.vector_store %arg1[%swap3A_541, %swap3A_542, %swap3A_543, %swap3A_544], %swap3A_547 {strides = array<i32>} : memref<9x4x224x224xi32, #tpu.memory_space<vmem>>, vector<1x1x224x224xi32>,
    %add3A_548 = arith.addi %mul3A_528, %add3A_525 : vector<224x224xi32>
    %swap3A_549 = arith.constant 4 : index
    %swap3A_550 = arith.constant 2 : index
    %swap3A_551 = arith.constant 0 : index
    %swap3A_552 = arith.constant 0 : index
    %swap3A_553 = vector.load %arg1[%swap3A_549, %swap3A_550, %swap3A_551, %swap3A_552] : memref<9x4x224x224xi32, #tpu.memory_space<vmem>>, vector<1x1x224x224xi32>
    %swap3A_554 = vector.shape_cast %swap3A_553 : vector<1x1x224x224xi32> to vector<224x224xi32>
    %swap3A_555 = vector.shape_cast %add3A_548 : vector<224x224xi32> to vector<1x1x224x224xi32>
    tpu.vector_store %arg1[%swap3A_549, %swap3A_550, %swap3A_551, %swap3A_552], %swap3A_555 {strides = array<i32>} : memref<9x4x224x224xi32, #tpu.memory_space<vmem>>, vector<1x1x224x224xi32>,
    %add3A_556 = arith.addi %mul3A_531, %add3A_525 : vector<224x224xi32>
    %swap3A_557 = arith.constant 4 : index
    %swap3A_558 = arith.constant 3 : index
    %swap3A_559 = arith.constant 0 : index
    %swap3A_560 = arith.constant 0 : index
    %swap3A_561 = vector.load %arg1[%swap3A_557, %swap3A_558, %swap3A_559, %swap3A_560] : memref<9x4x224x224xi32, #tpu.memory_space<vmem>>, vector<1x1x224x224xi32>
    %swap3A_562 = vector.shape_cast %swap3A_561 : vector<1x1x224x224xi32> to vector<224x224xi32>
    %swap3A_563 = vector.shape_cast %add3A_556 : vector<224x224xi32> to vector<1x1x224x224xi32>
    tpu.vector_store %arg1[%swap3A_557, %swap3A_558, %swap3A_559, %swap3A_560], %swap3A_563 {strides = array<i32>} : memref<9x4x224x224xi32, #tpu.memory_space<vmem>>, vector<1x1x224x224xi32>,
    %sub3A_564 = arith.constant 1.000000e+00 : f32
    %sub3A_565 = vector.broadcast %sub3A_564 : f32 to vector<224x224xf32>
    %sub3A_566 = arith.subf %sub3A_565, %sub3A_512 : vector<224x224xf32>
    %sub3A_567 = arith.constant 1.000000e+00 : f32
    %sub3A_568 = vector.broadcast %sub3A_567 : f32 to vector<224x224xf32>
    %sub3A_569 = arith.subf %sub3A_568, %sub3A_513 : vector<224x224xf32>
    %mul3A_570 = arith.mulf %sub3A_566, %sub3A_569 : vector<224x224xf32>
    %swap3A_571 = arith.constant 4 : index
    %swap3A_572 = arith.constant 0 : index
    %swap3A_573 = arith.constant 0 : index
    %swap3A_574 = arith.constant 0 : index
    %swap3A_575 = vector.load %arg2[%swap3A_571, %swap3A_572, %swap3A_573, %swap3A_574] : memref<9x4x224x224xf32, #tpu.memory_space<vmem>>, vector<1x1x224x224xf32>
    %swap3A_576 = vector.shape_cast %swap3A_575 : vector<1x1x224x224xf32> to vector<224x224xf32>
    %swap3A_577 = vector.shape_cast %mul3A_570 : vector<224x224xf32> to vector<1x1x224x224xf32>
    tpu.vector_store %arg2[%swap3A_571, %swap3A_572, %swap3A_573, %swap3A_574], %swap3A_577 {strides = array<i32>} : memref<9x4x224x224xf32, #tpu.memory_space<vmem>>, vector<1x1x224x224xf32>,
    %mul3A_578 = arith.mulf %sub3A_512, %sub3A_569 : vector<224x224xf32>
    %swap3A_579 = arith.constant 4 : index
    %swap3A_580 = arith.constant 1 : index
    %swap3A_581 = arith.constant 0 : index
    %swap3A_582 = arith.constant 0 : index
    %swap3A_583 = vector.load %arg2[%swap3A_579, %swap3A_580, %swap3A_581, %swap3A_582] : memref<9x4x224x224xf32, #tpu.memory_space<vmem>>, vector<1x1x224x224xf32>
    %swap3A_584 = vector.shape_cast %swap3A_583 : vector<1x1x224x224xf32> to vector<224x224xf32>
    %swap3A_585 = vector.shape_cast %mul3A_578 : vector<224x224xf32> to vector<1x1x224x224xf32>
    tpu.vector_store %arg2[%swap3A_579, %swap3A_580, %swap3A_581, %swap3A_582], %swap3A_585 {strides = array<i32>} : memref<9x4x224x224xf32, #tpu.memory_space<vmem>>, vector<1x1x224x224xf32>,
    %mul3A_586 = arith.mulf %sub3A_566, %sub3A_513 : vector<224x224xf32>
    %swap3A_587 = arith.constant 4 : index
    %swap3A_588 = arith.constant 2 : index
    %swap3A_589 = arith.constant 0 : index
    %swap3A_590 = arith.constant 0 : index
    %swap3A_591 = vector.load %arg2[%swap3A_587, %swap3A_588, %swap3A_589, %swap3A_590] : memref<9x4x224x224xf32, #tpu.memory_space<vmem>>, vector<1x1x224x224xf32>
    %swap3A_592 = vector.shape_cast %swap3A_591 : vector<1x1x224x224xf32> to vector<224x224xf32>
    %swap3A_593 = vector.shape_cast %mul3A_586 : vector<224x224xf32> to vector<1x1x224x224xf32>
    tpu.vector_store %arg2[%swap3A_587, %swap3A_588, %swap3A_589, %swap3A_590], %swap3A_593 {strides = array<i32>} : memref<9x4x224x224xf32, #tpu.memory_space<vmem>>, vector<1x1x224x224xf32>,
    %mul3A_594 = arith.mulf %sub3A_512, %sub3A_513 : vector<224x224xf32>
    %swap3A_595 = arith.constant 4 : index
    %swap3A_596 = arith.constant 3 : index
    %swap3A_597 = arith.constant 0 : index
    %swap3A_598 = arith.constant 0 : index
    %swap3A_599 = vector.load %arg2[%swap3A_595, %swap3A_596, %swap3A_597, %swap3A_598] : memref<9x4x224x224xf32, #tpu.memory_space<vmem>>, vector<1x1x224x224xf32>
    %swap3A_600 = vector.shape_cast %swap3A_599 : vector<1x1x224x224xf32> to vector<224x224xf32>
    %swap3A_601 = vector.shape_cast %mul3A_594 : vector<224x224xf32> to vector<1x1x224x224xf32>
    tpu.vector_store %arg2[%swap3A_595, %swap3A_596, %swap3A_597, %swap3A_598], %swap3A_601 {strides = array<i32>} : memref<9x4x224x224xf32, #tpu.memory_space<vmem>>, vector<1x1x224x224xf32>,
    %add3A_602 = arith.constant 0.000000e+00 : f32
    %add3A_603 = vector.broadcast %add3A_602 : f32 to vector<224x224xf32>
    %add3A_604 = arith.addf %convert_element_type3A, %add3A_603 : vector<224x224xf32>
    %get3A_605 = arith.constant 10 : index
    %get3A_606 = arith.constant 0 : index
    %get3A_607 = arith.constant 0 : index
    %get3A_608 = vector.load %arg0[%get3A_605, %get3A_606, %get3A_607] : memref<18x224x224xf32, #tpu.memory_space<vmem>>, vector<1x224x224xf32>
    %get3A_609 = vector.shape_cast %get3A_608 : vector<1x224x224xf32> to vector<224x224xf32>
    %add3A_610 = arith.addf %add3A_604, %get3A_609 : vector<224x224xf32>
    %jit3A_611 = arith.constant 0.000000e+00 : f32
    %jit3A_612 = arith.constant 2.230000e+02 : f32
    %max3A_613 = vector.broadcast %jit3A_611 : f32 to vector<224x224xf32>
    %max3A_614 = arith.maximumf %max3A_613, %add3A_610 : vector<224x224xf32>
    %min3A_615 = vector.broadcast %jit3A_612 : f32 to vector<224x224xf32>
    %min3A_616 = arith.minimumf %min3A_615, %max3A_614 : vector<224x224xf32>
    %add3A_617 = arith.constant 1.000000e+00 : f32
    %add3A_618 = vector.broadcast %add3A_617 : f32 to vector<224x224xf32>
    %add3A_619 = arith.addf %convert_element_type3A_1, %add3A_618 : vector<224x224xf32>
    %get3A_620 = arith.constant 11 : index
    %get3A_621 = arith.constant 0 : index
    %get3A_622 = arith.constant 0 : index
    %get3A_623 = vector.load %arg0[%get3A_620, %get3A_621, %get3A_622] : memref<18x224x224xf32, #tpu.memory_space<vmem>>, vector<1x224x224xf32>
    %get3A_624 = vector.shape_cast %get3A_623 : vector<1x224x224xf32> to vector<224x224xf32>
    %add3A_625 = arith.addf %add3A_619, %get3A_624 : vector<224x224xf32>
    %jit3A_626 = arith.constant 0.000000e+00 : f32
    %jit3A_627 = arith.constant 2.230000e+02 : f32
    %max3A_628 = vector.broadcast %jit3A_626 : f32 to vector<224x224xf32>
    %max3A_629 = arith.maximumf %max3A_628, %add3A_625 : vector<224x224xf32>
    %min3A_630 = vector.broadcast %jit3A_627 : f32 to vector<224x224xf32>
    %min3A_631 = arith.minimumf %min3A_630, %max3A_629 : vector<224x224xf32>
    %floor3A_632 = math.floor %min3A_616 : vector<224x224xf32>
    %floor3A_633 = math.floor %min3A_631 : vector<224x224xf32>
    %sub3A_634 = arith.subf %min3A_616, %floor3A_632 : vector<224x224xf32>
    %sub3A_635 = arith.subf %min3A_631, %floor3A_633 : vector<224x224xf32>
    %convert_element_type3A_636 = arith.fptosi %floor3A_632 : vector<224x224xf32> to vector<224x224xi32>
    %convert_element_type3A_637 = arith.fptosi %floor3A_633 : vector<224x224xf32> to vector<224x224xi32>
    %gt3A_638 = arith.constant 0.000000e+00 : f32
    %gt3A_639 = vector.broadcast %gt3A_638 : f32 to vector<224x224xf32>
    %gt3A_640 = arith.cmpf ogt, %sub3A_634, %gt3A_639 : vector<224x224xf32>
    %convert_element_type3A_641 = arith.extui %gt3A_640 : vector<224x224xi1> to vector<224x224xi32>
    %add3A_642 = arith.addi %convert_element_type3A_636, %convert_element_type3A_641 : vector<224x224xi32>
    %gt3A_643 = arith.constant 0.000000e+00 : f32
    %gt3A_644 = vector.broadcast %gt3A_643 : f32 to vector<224x224xf32>
    %gt3A_645 = arith.cmpf ogt, %sub3A_635, %gt3A_644 : vector<224x224xf32>
    %convert_element_type3A_646 = arith.extui %gt3A_645 : vector<224x224xi1> to vector<224x224xi32>
    %add3A_647 = arith.addi %convert_element_type3A_637, %convert_element_type3A_646 : vector<224x224xi32>
    %mul3A_648 = arith.constant 224 : i32
    %mul3A_649 = vector.broadcast %mul3A_648 : i32 to vector<224x224xi32>
    %mul3A_650 = arith.muli %convert_element_type3A_636, %mul3A_649 : vector<224x224xi32>
    %mul3A_651 = arith.constant 224 : i32
    %mul3A_652 = vector.broadcast %mul3A_651 : i32 to vector<224x224xi32>
    %mul3A_653 = arith.muli %add3A_642, %mul3A_652 : vector<224x224xi32>
    %add3A_654 = arith.addi %mul3A_650, %convert_element_type3A_637 : vector<224x224xi32>
    %swap3A_655 = arith.constant 5 : index
    %swap3A_656 = arith.constant 0 : index
    %swap3A_657 = arith.constant 0 : index
    %swap3A_658 = arith.constant 0 : index
    %swap3A_659 = vector.load %arg1[%swap3A_655, %swap3A_656, %swap3A_657, %swap3A_658] : memref<9x4x224x224xi32, #tpu.memory_space<vmem>>, vector<1x1x224x224xi32>
    %swap3A_660 = vector.shape_cast %swap3A_659 : vector<1x1x224x224xi32> to vector<224x224xi32>
    %swap3A_661 = vector.shape_cast %add3A_654 : vector<224x224xi32> to vector<1x1x224x224xi32>
    tpu.vector_store %arg1[%swap3A_655, %swap3A_656, %swap3A_657, %swap3A_658], %swap3A_661 {strides = array<i32>} : memref<9x4x224x224xi32, #tpu.memory_space<vmem>>, vector<1x1x224x224xi32>,
    %add3A_662 = arith.addi %mul3A_653, %convert_element_type3A_637 : vector<224x224xi32>
    %swap3A_663 = arith.constant 5 : index
    %swap3A_664 = arith.constant 1 : index
    %swap3A_665 = arith.constant 0 : index
    %swap3A_666 = arith.constant 0 : index
    %swap3A_667 = vector.load %arg1[%swap3A_663, %swap3A_664, %swap3A_665, %swap3A_666] : memref<9x4x224x224xi32, #tpu.memory_space<vmem>>, vector<1x1x224x224xi32>
    %swap3A_668 = vector.shape_cast %swap3A_667 : vector<1x1x224x224xi32> to vector<224x224xi32>
    %swap3A_669 = vector.shape_cast %add3A_662 : vector<224x224xi32> to vector<1x1x224x224xi32>
    tpu.vector_store %arg1[%swap3A_663, %swap3A_664, %swap3A_665, %swap3A_666], %swap3A_669 {strides = array<i32>} : memref<9x4x224x224xi32, #tpu.memory_space<vmem>>, vector<1x1x224x224xi32>,
    %add3A_670 = arith.addi %mul3A_650, %add3A_647 : vector<224x224xi32>
    %swap3A_671 = arith.constant 5 : index
    %swap3A_672 = arith.constant 2 : index
    %swap3A_673 = arith.constant 0 : index
    %swap3A_674 = arith.constant 0 : index
    %swap3A_675 = vector.load %arg1[%swap3A_671, %swap3A_672, %swap3A_673, %swap3A_674] : memref<9x4x224x224xi32, #tpu.memory_space<vmem>>, vector<1x1x224x224xi32>
    %swap3A_676 = vector.shape_cast %swap3A_675 : vector<1x1x224x224xi32> to vector<224x224xi32>
    %swap3A_677 = vector.shape_cast %add3A_670 : vector<224x224xi32> to vector<1x1x224x224xi32>
    tpu.vector_store %arg1[%swap3A_671, %swap3A_672, %swap3A_673, %swap3A_674], %swap3A_677 {strides = array<i32>} : memref<9x4x224x224xi32, #tpu.memory_space<vmem>>, vector<1x1x224x224xi32>,
    %add3A_678 = arith.addi %mul3A_653, %add3A_647 : vector<224x224xi32>
    %swap3A_679 = arith.constant 5 : index
    %swap3A_680 = arith.constant 3 : index
    %swap3A_681 = arith.constant 0 : index
    %swap3A_682 = arith.constant 0 : index
    %swap3A_683 = vector.load %arg1[%swap3A_679, %swap3A_680, %swap3A_681, %swap3A_682] : memref<9x4x224x224xi32, #tpu.memory_space<vmem>>, vector<1x1x224x224xi32>
    %swap3A_684 = vector.shape_cast %swap3A_683 : vector<1x1x224x224xi32> to vector<224x224xi32>
    %swap3A_685 = vector.shape_cast %add3A_678 : vector<224x224xi32> to vector<1x1x224x224xi32>
    tpu.vector_store %arg1[%swap3A_679, %swap3A_680, %swap3A_681, %swap3A_682], %swap3A_685 {strides = array<i32>} : memref<9x4x224x224xi32, #tpu.memory_space<vmem>>, vector<1x1x224x224xi32>,
    %sub3A_686 = arith.constant 1.000000e+00 : f32
    %sub3A_687 = vector.broadcast %sub3A_686 : f32 to vector<224x224xf32>
    %sub3A_688 = arith.subf %sub3A_687, %sub3A_634 : vector<224x224xf32>
    %sub3A_689 = arith.constant 1.000000e+00 : f32
    %sub3A_690 = vector.broadcast %sub3A_689 : f32 to vector<224x224xf32>
    %sub3A_691 = arith.subf %sub3A_690, %sub3A_635 : vector<224x224xf32>
    %mul3A_692 = arith.mulf %sub3A_688, %sub3A_691 : vector<224x224xf32>
    %swap3A_693 = arith.constant 5 : index
    %swap3A_694 = arith.constant 0 : index
    %swap3A_695 = arith.constant 0 : index
    %swap3A_696 = arith.constant 0 : index
    %swap3A_697 = vector.load %arg2[%swap3A_693, %swap3A_694, %swap3A_695, %swap3A_696] : memref<9x4x224x224xf32, #tpu.memory_space<vmem>>, vector<1x1x224x224xf32>
    %swap3A_698 = vector.shape_cast %swap3A_697 : vector<1x1x224x224xf32> to vector<224x224xf32>
    %swap3A_699 = vector.shape_cast %mul3A_692 : vector<224x224xf32> to vector<1x1x224x224xf32>
    tpu.vector_store %arg2[%swap3A_693, %swap3A_694, %swap3A_695, %swap3A_696], %swap3A_699 {strides = array<i32>} : memref<9x4x224x224xf32, #tpu.memory_space<vmem>>, vector<1x1x224x224xf32>,
    %mul3A_700 = arith.mulf %sub3A_634, %sub3A_691 : vector<224x224xf32>
    %swap3A_701 = arith.constant 5 : index
    %swap3A_702 = arith.constant 1 : index
    %swap3A_703 = arith.constant 0 : index
    %swap3A_704 = arith.constant 0 : index
    %swap3A_705 = vector.load %arg2[%swap3A_701, %swap3A_702, %swap3A_703, %swap3A_704] : memref<9x4x224x224xf32, #tpu.memory_space<vmem>>, vector<1x1x224x224xf32>
    %swap3A_706 = vector.shape_cast %swap3A_705 : vector<1x1x224x224xf32> to vector<224x224xf32>
    %swap3A_707 = vector.shape_cast %mul3A_700 : vector<224x224xf32> to vector<1x1x224x224xf32>
    tpu.vector_store %arg2[%swap3A_701, %swap3A_702, %swap3A_703, %swap3A_704], %swap3A_707 {strides = array<i32>} : memref<9x4x224x224xf32, #tpu.memory_space<vmem>>, vector<1x1x224x224xf32>,
    %mul3A_708 = arith.mulf %sub3A_688, %sub3A_635 : vector<224x224xf32>
    %swap3A_709 = arith.constant 5 : index
    %swap3A_710 = arith.constant 2 : index
    %swap3A_711 = arith.constant 0 : index
    %swap3A_712 = arith.constant 0 : index
    %swap3A_713 = vector.load %arg2[%swap3A_709, %swap3A_710, %swap3A_711, %swap3A_712] : memref<9x4x224x224xf32, #tpu.memory_space<vmem>>, vector<1x1x224x224xf32>
    %swap3A_714 = vector.shape_cast %swap3A_713 : vector<1x1x224x224xf32> to vector<224x224xf32>
    %swap3A_715 = vector.shape_cast %mul3A_708 : vector<224x224xf32> to vector<1x1x224x224xf32>
    tpu.vector_store %arg2[%swap3A_709, %swap3A_710, %swap3A_711, %swap3A_712], %swap3A_715 {strides = array<i32>} : memref<9x4x224x224xf32, #tpu.memory_space<vmem>>, vector<1x1x224x224xf32>,
    %mul3A_716 = arith.mulf %sub3A_634, %sub3A_635 : vector<224x224xf32>
    %swap3A_717 = arith.constant 5 : index
    %swap3A_718 = arith.constant 3 : index
    %swap3A_719 = arith.constant 0 : index
    %swap3A_720 = arith.constant 0 : index
    %swap3A_721 = vector.load %arg2[%swap3A_717, %swap3A_718, %swap3A_719, %swap3A_720] : memref<9x4x224x224xf32, #tpu.memory_space<vmem>>, vector<1x1x224x224xf32>
    %swap3A_722 = vector.shape_cast %swap3A_721 : vector<1x1x224x224xf32> to vector<224x224xf32>
    %swap3A_723 = vector.shape_cast %mul3A_716 : vector<224x224xf32> to vector<1x1x224x224xf32>
    tpu.vector_store %arg2[%swap3A_717, %swap3A_718, %swap3A_719, %swap3A_720], %swap3A_723 {strides = array<i32>} : memref<9x4x224x224xf32, #tpu.memory_space<vmem>>, vector<1x1x224x224xf32>,
    %add3A_724 = arith.constant -1.000000e+00 : f32
    %add3A_725 = vector.broadcast %add3A_724 : f32 to vector<224x224xf32>
    %add3A_726 = arith.addf %convert_element_type3A, %add3A_725 : vector<224x224xf32>
    %get3A_727 = arith.constant 12 : index
    %get3A_728 = arith.constant 0 : index
    %get3A_729 = arith.constant 0 : index
    %get3A_730 = vector.load %arg0[%get3A_727, %get3A_728, %get3A_729] : memref<18x224x224xf32, #tpu.memory_space<vmem>>, vector<1x224x224xf32>
    %get3A_731 = vector.shape_cast %get3A_730 : vector<1x224x224xf32> to vector<224x224xf32>
    %add3A_732 = arith.addf %add3A_726, %get3A_731 : vector<224x224xf32>
    %jit3A_733 = arith.constant 0.000000e+00 : f32
    %jit3A_734 = arith.constant 2.230000e+02 : f32
    %max3A_735 = vector.broadcast %jit3A_733 : f32 to vector<224x224xf32>
    %max3A_736 = arith.maximumf %max3A_735, %add3A_732 : vector<224x224xf32>
    %min3A_737 = vector.broadcast %jit3A_734 : f32 to vector<224x224xf32>
    %min3A_738 = arith.minimumf %min3A_737, %max3A_736 : vector<224x224xf32>
    %add3A_739 = arith.constant 0.000000e+00 : f32
    %add3A_740 = vector.broadcast %add3A_739 : f32 to vector<224x224xf32>
    %add3A_741 = arith.addf %convert_element_type3A_1, %add3A_740 : vector<224x224xf32>
    %get3A_742 = arith.constant 13 : index
    %get3A_743 = arith.constant 0 : index
    %get3A_744 = arith.constant 0 : index
    %get3A_745 = vector.load %arg0[%get3A_742, %get3A_743, %get3A_744] : memref<18x224x224xf32, #tpu.memory_space<vmem>>, vector<1x224x224xf32>
    %get3A_746 = vector.shape_cast %get3A_745 : vector<1x224x224xf32> to vector<224x224xf32>
    %add3A_747 = arith.addf %add3A_741, %get3A_746 : vector<224x224xf32>
    %jit3A_748 = arith.constant 0.000000e+00 : f32
    %jit3A_749 = arith.constant 2.230000e+02 : f32
    %max3A_750 = vector.broadcast %jit3A_748 : f32 to vector<224x224xf32>
    %max3A_751 = arith.maximumf %max3A_750, %add3A_747 : vector<224x224xf32>
    %min3A_752 = vector.broadcast %jit3A_749 : f32 to vector<224x224xf32>
    %min3A_753 = arith.minimumf %min3A_752, %max3A_751 : vector<224x224xf32>
    %floor3A_754 = math.floor %min3A_738 : vector<224x224xf32>
    %floor3A_755 = math.floor %min3A_753 : vector<224x224xf32>
    %sub3A_756 = arith.subf %min3A_738, %floor3A_754 : vector<224x224xf32>
    %sub3A_757 = arith.subf %min3A_753, %floor3A_755 : vector<224x224xf32>
    %convert_element_type3A_758 = arith.fptosi %floor3A_754 : vector<224x224xf32> to vector<224x224xi32>
    %convert_element_type3A_759 = arith.fptosi %floor3A_755 : vector<224x224xf32> to vector<224x224xi32>
    %gt3A_760 = arith.constant 0.000000e+00 : f32
    %gt3A_761 = vector.broadcast %gt3A_760 : f32 to vector<224x224xf32>
    %gt3A_762 = arith.cmpf ogt, %sub3A_756, %gt3A_761 : vector<224x224xf32>
    %convert_element_type3A_763 = arith.extui %gt3A_762 : vector<224x224xi1> to vector<224x224xi32>
    %add3A_764 = arith.addi %convert_element_type3A_758, %convert_element_type3A_763 : vector<224x224xi32>
    %gt3A_765 = arith.constant 0.000000e+00 : f32
    %gt3A_766 = vector.broadcast %gt3A_765 : f32 to vector<224x224xf32>
    %gt3A_767 = arith.cmpf ogt, %sub3A_757, %gt3A_766 : vector<224x224xf32>
    %convert_element_type3A_768 = arith.extui %gt3A_767 : vector<224x224xi1> to vector<224x224xi32>
    %add3A_769 = arith.addi %convert_element_type3A_759, %convert_element_type3A_768 : vector<224x224xi32>
    %mul3A_770 = arith.constant 224 : i32
    %mul3A_771 = vector.broadcast %mul3A_770 : i32 to vector<224x224xi32>
    %mul3A_772 = arith.muli %convert_element_type3A_758, %mul3A_771 : vector<224x224xi32>
    %mul3A_773 = arith.constant 224 : i32
    %mul3A_774 = vector.broadcast %mul3A_773 : i32 to vector<224x224xi32>
    %mul3A_775 = arith.muli %add3A_764, %mul3A_774 : vector<224x224xi32>
    %add3A_776 = arith.addi %mul3A_772, %convert_element_type3A_759 : vector<224x224xi32>
    %swap3A_777 = arith.constant 6 : index
    %swap3A_778 = arith.constant 0 : index
    %swap3A_779 = arith.constant 0 : index
    %swap3A_780 = arith.constant 0 : index
    %swap3A_781 = vector.load %arg1[%swap3A_777, %swap3A_778, %swap3A_779, %swap3A_780] : memref<9x4x224x224xi32, #tpu.memory_space<vmem>>, vector<1x1x224x224xi32>
    %swap3A_782 = vector.shape_cast %swap3A_781 : vector<1x1x224x224xi32> to vector<224x224xi32>
    %swap3A_783 = vector.shape_cast %add3A_776 : vector<224x224xi32> to vector<1x1x224x224xi32>
    tpu.vector_store %arg1[%swap3A_777, %swap3A_778, %swap3A_779, %swap3A_780], %swap3A_783 {strides = array<i32>} : memref<9x4x224x224xi32, #tpu.memory_space<vmem>>, vector<1x1x224x224xi32>,
    %add3A_784 = arith.addi %mul3A_775, %convert_element_type3A_759 : vector<224x224xi32>
    %swap3A_785 = arith.constant 6 : index
    %swap3A_786 = arith.constant 1 : index
    %swap3A_787 = arith.constant 0 : index
    %swap3A_788 = arith.constant 0 : index
    %swap3A_789 = vector.load %arg1[%swap3A_785, %swap3A_786, %swap3A_787, %swap3A_788] : memref<9x4x224x224xi32, #tpu.memory_space<vmem>>, vector<1x1x224x224xi32>
    %swap3A_790 = vector.shape_cast %swap3A_789 : vector<1x1x224x224xi32> to vector<224x224xi32>
    %swap3A_791 = vector.shape_cast %add3A_784 : vector<224x224xi32> to vector<1x1x224x224xi32>
    tpu.vector_store %arg1[%swap3A_785, %swap3A_786, %swap3A_787, %swap3A_788], %swap3A_791 {strides = array<i32>} : memref<9x4x224x224xi32, #tpu.memory_space<vmem>>, vector<1x1x224x224xi32>,
    %add3A_792 = arith.addi %mul3A_772, %add3A_769 : vector<224x224xi32>
    %swap3A_793 = arith.constant 6 : index
    %swap3A_794 = arith.constant 2 : index
    %swap3A_795 = arith.constant 0 : index
    %swap3A_796 = arith.constant 0 : index
    %swap3A_797 = vector.load %arg1[%swap3A_793, %swap3A_794, %swap3A_795, %swap3A_796] : memref<9x4x224x224xi32, #tpu.memory_space<vmem>>, vector<1x1x224x224xi32>
    %swap3A_798 = vector.shape_cast %swap3A_797 : vector<1x1x224x224xi32> to vector<224x224xi32>
    %swap3A_799 = vector.shape_cast %add3A_792 : vector<224x224xi32> to vector<1x1x224x224xi32>
    tpu.vector_store %arg1[%swap3A_793, %swap3A_794, %swap3A_795, %swap3A_796], %swap3A_799 {strides = array<i32>} : memref<9x4x224x224xi32, #tpu.memory_space<vmem>>, vector<1x1x224x224xi32>,
    %add3A_800 = arith.addi %mul3A_775, %add3A_769 : vector<224x224xi32>
    %swap3A_801 = arith.constant 6 : index
    %swap3A_802 = arith.constant 3 : index
    %swap3A_803 = arith.constant 0 : index
    %swap3A_804 = arith.constant 0 : index
    %swap3A_805 = vector.load %arg1[%swap3A_801, %swap3A_802, %swap3A_803, %swap3A_804] : memref<9x4x224x224xi32, #tpu.memory_space<vmem>>, vector<1x1x224x224xi32>
    %swap3A_806 = vector.shape_cast %swap3A_805 : vector<1x1x224x224xi32> to vector<224x224xi32>
    %swap3A_807 = vector.shape_cast %add3A_800 : vector<224x224xi32> to vector<1x1x224x224xi32>
    tpu.vector_store %arg1[%swap3A_801, %swap3A_802, %swap3A_803, %swap3A_804], %swap3A_807 {strides = array<i32>} : memref<9x4x224x224xi32, #tpu.memory_space<vmem>>, vector<1x1x224x224xi32>,
    %sub3A_808 = arith.constant 1.000000e+00 : f32
    %sub3A_809 = vector.broadcast %sub3A_808 : f32 to vector<224x224xf32>
    %sub3A_810 = arith.subf %sub3A_809, %sub3A_756 : vector<224x224xf32>
    %sub3A_811 = arith.constant 1.000000e+00 : f32
    %sub3A_812 = vector.broadcast %sub3A_811 : f32 to vector<224x224xf32>
    %sub3A_813 = arith.subf %sub3A_812, %sub3A_757 : vector<224x224xf32>
    %mul3A_814 = arith.mulf %sub3A_810, %sub3A_813 : vector<224x224xf32>
    %swap3A_815 = arith.constant 6 : index
    %swap3A_816 = arith.constant 0 : index
    %swap3A_817 = arith.constant 0 : index
    %swap3A_818 = arith.constant 0 : index
    %swap3A_819 = vector.load %arg2[%swap3A_815, %swap3A_816, %swap3A_817, %swap3A_818] : memref<9x4x224x224xf32, #tpu.memory_space<vmem>>, vector<1x1x224x224xf32>
    %swap3A_820 = vector.shape_cast %swap3A_819 : vector<1x1x224x224xf32> to vector<224x224xf32>
    %swap3A_821 = vector.shape_cast %mul3A_814 : vector<224x224xf32> to vector<1x1x224x224xf32>
    tpu.vector_store %arg2[%swap3A_815, %swap3A_816, %swap3A_817, %swap3A_818], %swap3A_821 {strides = array<i32>} : memref<9x4x224x224xf32, #tpu.memory_space<vmem>>, vector<1x1x224x224xf32>,
    %mul3A_822 = arith.mulf %sub3A_756, %sub3A_813 : vector<224x224xf32>
    %swap3A_823 = arith.constant 6 : index
    %swap3A_824 = arith.constant 1 : index
    %swap3A_825 = arith.constant 0 : index
    %swap3A_826 = arith.constant 0 : index
    %swap3A_827 = vector.load %arg2[%swap3A_823, %swap3A_824, %swap3A_825, %swap3A_826] : memref<9x4x224x224xf32, #tpu.memory_space<vmem>>, vector<1x1x224x224xf32>
    %swap3A_828 = vector.shape_cast %swap3A_827 : vector<1x1x224x224xf32> to vector<224x224xf32>
    %swap3A_829 = vector.shape_cast %mul3A_822 : vector<224x224xf32> to vector<1x1x224x224xf32>
    tpu.vector_store %arg2[%swap3A_823, %swap3A_824, %swap3A_825, %swap3A_826], %swap3A_829 {strides = array<i32>} : memref<9x4x224x224xf32, #tpu.memory_space<vmem>>, vector<1x1x224x224xf32>,
    %mul3A_830 = arith.mulf %sub3A_810, %sub3A_757 : vector<224x224xf32>
    %swap3A_831 = arith.constant 6 : index
    %swap3A_832 = arith.constant 2 : index
    %swap3A_833 = arith.constant 0 : index
    %swap3A_834 = arith.constant 0 : index
    %swap3A_835 = vector.load %arg2[%swap3A_831, %swap3A_832, %swap3A_833, %swap3A_834] : memref<9x4x224x224xf32, #tpu.memory_space<vmem>>, vector<1x1x224x224xf32>
    %swap3A_836 = vector.shape_cast %swap3A_835 : vector<1x1x224x224xf32> to vector<224x224xf32>
    %swap3A_837 = vector.shape_cast %mul3A_830 : vector<224x224xf32> to vector<1x1x224x224xf32>
    tpu.vector_store %arg2[%swap3A_831, %swap3A_832, %swap3A_833, %swap3A_834], %swap3A_837 {strides = array<i32>} : memref<9x4x224x224xf32, #tpu.memory_space<vmem>>, vector<1x1x224x224xf32>,
    %mul3A_838 = arith.mulf %sub3A_756, %sub3A_757 : vector<224x224xf32>
    %swap3A_839 = arith.constant 6 : index
    %swap3A_840 = arith.constant 3 : index
    %swap3A_841 = arith.constant 0 : index
    %swap3A_842 = arith.constant 0 : index
    %swap3A_843 = vector.load %arg2[%swap3A_839, %swap3A_840, %swap3A_841, %swap3A_842] : memref<9x4x224x224xf32, #tpu.memory_space<vmem>>, vector<1x1x224x224xf32>
    %swap3A_844 = vector.shape_cast %swap3A_843 : vector<1x1x224x224xf32> to vector<224x224xf32>
    %swap3A_845 = vector.shape_cast %mul3A_838 : vector<224x224xf32> to vector<1x1x224x224xf32>
    tpu.vector_store %arg2[%swap3A_839, %swap3A_840, %swap3A_841, %swap3A_842], %swap3A_845 {strides = array<i32>} : memref<9x4x224x224xf32, #tpu.memory_space<vmem>>, vector<1x1x224x224xf32>,
    %add3A_846 = arith.constant 1.000000e+00 : f32
    %add3A_847 = vector.broadcast %add3A_846 : f32 to vector<224x224xf32>
    %add3A_848 = arith.addf %convert_element_type3A, %add3A_847 : vector<224x224xf32>
    %get3A_849 = arith.constant 14 : index
    %get3A_850 = arith.constant 0 : index
    %get3A_851 = arith.constant 0 : index
    %get3A_852 = vector.load %arg0[%get3A_849, %get3A_850, %get3A_851] : memref<18x224x224xf32, #tpu.memory_space<vmem>>, vector<1x224x224xf32>
    %get3A_853 = vector.shape_cast %get3A_852 : vector<1x224x224xf32> to vector<224x224xf32>
    %add3A_854 = arith.addf %add3A_848, %get3A_853 : vector<224x224xf32>
    %jit3A_855 = arith.constant 0.000000e+00 : f32
    %jit3A_856 = arith.constant 2.230000e+02 : f32
    %max3A_857 = vector.broadcast %jit3A_855 : f32 to vector<224x224xf32>
    %max3A_858 = arith.maximumf %max3A_857, %add3A_854 : vector<224x224xf32>
    %min3A_859 = vector.broadcast %jit3A_856 : f32 to vector<224x224xf32>
    %min3A_860 = arith.minimumf %min3A_859, %max3A_858 : vector<224x224xf32>
    %add3A_861 = arith.constant -1.000000e+00 : f32
    %add3A_862 = vector.broadcast %add3A_861 : f32 to vector<224x224xf32>
    %add3A_863 = arith.addf %convert_element_type3A_1, %add3A_862 : vector<224x224xf32>
    %get3A_864 = arith.constant 15 : index
    %get3A_865 = arith.constant 0 : index
    %get3A_866 = arith.constant 0 : index
    %get3A_867 = vector.load %arg0[%get3A_864, %get3A_865, %get3A_866] : memref<18x224x224xf32, #tpu.memory_space<vmem>>, vector<1x224x224xf32>
    %get3A_868 = vector.shape_cast %get3A_867 : vector<1x224x224xf32> to vector<224x224xf32>
    %add3A_869 = arith.addf %add3A_863, %get3A_868 : vector<224x224xf32>
    %jit3A_870 = arith.constant 0.000000e+00 : f32
    %jit3A_871 = arith.constant 2.230000e+02 : f32
    %max3A_872 = vector.broadcast %jit3A_870 : f32 to vector<224x224xf32>
    %max3A_873 = arith.maximumf %max3A_872, %add3A_869 : vector<224x224xf32>
    %min3A_874 = vector.broadcast %jit3A_871 : f32 to vector<224x224xf32>
    %min3A_875 = arith.minimumf %min3A_874, %max3A_873 : vector<224x224xf32>
    %floor3A_876 = math.floor %min3A_860 : vector<224x224xf32>
    %floor3A_877 = math.floor %min3A_875 : vector<224x224xf32>
    %sub3A_878 = arith.subf %min3A_860, %floor3A_876 : vector<224x224xf32>
    %sub3A_879 = arith.subf %min3A_875, %floor3A_877 : vector<224x224xf32>
    %convert_element_type3A_880 = arith.fptosi %floor3A_876 : vector<224x224xf32> to vector<224x224xi32>
    %convert_element_type3A_881 = arith.fptosi %floor3A_877 : vector<224x224xf32> to vector<224x224xi32>
    %gt3A_882 = arith.constant 0.000000e+00 : f32
    %gt3A_883 = vector.broadcast %gt3A_882 : f32 to vector<224x224xf32>
    %gt3A_884 = arith.cmpf ogt, %sub3A_878, %gt3A_883 : vector<224x224xf32>
    %convert_element_type3A_885 = arith.extui %gt3A_884 : vector<224x224xi1> to vector<224x224xi32>
    %add3A_886 = arith.addi %convert_element_type3A_880, %convert_element_type3A_885 : vector<224x224xi32>
    %gt3A_887 = arith.constant 0.000000e+00 : f32
    %gt3A_888 = vector.broadcast %gt3A_887 : f32 to vector<224x224xf32>
    %gt3A_889 = arith.cmpf ogt, %sub3A_879, %gt3A_888 : vector<224x224xf32>
    %convert_element_type3A_890 = arith.extui %gt3A_889 : vector<224x224xi1> to vector<224x224xi32>
    %add3A_891 = arith.addi %convert_element_type3A_881, %convert_element_type3A_890 : vector<224x224xi32>
    %mul3A_892 = arith.constant 224 : i32
    %mul3A_893 = vector.broadcast %mul3A_892 : i32 to vector<224x224xi32>
    %mul3A_894 = arith.muli %convert_element_type3A_880, %mul3A_893 : vector<224x224xi32>
    %mul3A_895 = arith.constant 224 : i32
    %mul3A_896 = vector.broadcast %mul3A_895 : i32 to vector<224x224xi32>
    %mul3A_897 = arith.muli %add3A_886, %mul3A_896 : vector<224x224xi32>
    %add3A_898 = arith.addi %mul3A_894, %convert_element_type3A_881 : vector<224x224xi32>
    %swap3A_899 = arith.constant 7 : index
    %swap3A_900 = arith.constant 0 : index
    %swap3A_901 = arith.constant 0 : index
    %swap3A_902 = arith.constant 0 : index
    %swap3A_903 = vector.load %arg1[%swap3A_899, %swap3A_900, %swap3A_901, %swap3A_902] : memref<9x4x224x224xi32, #tpu.memory_space<vmem>>, vector<1x1x224x224xi32>
    %swap3A_904 = vector.shape_cast %swap3A_903 : vector<1x1x224x224xi32> to vector<224x224xi32>
    %swap3A_905 = vector.shape_cast %add3A_898 : vector<224x224xi32> to vector<1x1x224x224xi32>
    tpu.vector_store %arg1[%swap3A_899, %swap3A_900, %swap3A_901, %swap3A_902], %swap3A_905 {strides = array<i32>} : memref<9x4x224x224xi32, #tpu.memory_space<vmem>>, vector<1x1x224x224xi32>,
    %add3A_906 = arith.addi %mul3A_897, %convert_element_type3A_881 : vector<224x224xi32>
    %swap3A_907 = arith.constant 7 : index
    %swap3A_908 = arith.constant 1 : index
    %swap3A_909 = arith.constant 0 : index
    %swap3A_910 = arith.constant 0 : index
    %swap3A_911 = vector.load %arg1[%swap3A_907, %swap3A_908, %swap3A_909, %swap3A_910] : memref<9x4x224x224xi32, #tpu.memory_space<vmem>>, vector<1x1x224x224xi32>
    %swap3A_912 = vector.shape_cast %swap3A_911 : vector<1x1x224x224xi32> to vector<224x224xi32>
    %swap3A_913 = vector.shape_cast %add3A_906 : vector<224x224xi32> to vector<1x1x224x224xi32>
    tpu.vector_store %arg1[%swap3A_907, %swap3A_908, %swap3A_909, %swap3A_910], %swap3A_913 {strides = array<i32>} : memref<9x4x224x224xi32, #tpu.memory_space<vmem>>, vector<1x1x224x224xi32>,
    %add3A_914 = arith.addi %mul3A_894, %add3A_891 : vector<224x224xi32>
    %swap3A_915 = arith.constant 7 : index
    %swap3A_916 = arith.constant 2 : index
    %swap3A_917 = arith.constant 0 : index
    %swap3A_918 = arith.constant 0 : index
    %swap3A_919 = vector.load %arg1[%swap3A_915, %swap3A_916, %swap3A_917, %swap3A_918] : memref<9x4x224x224xi32, #tpu.memory_space<vmem>>, vector<1x1x224x224xi32>
    %swap3A_920 = vector.shape_cast %swap3A_919 : vector<1x1x224x224xi32> to vector<224x224xi32>
    %swap3A_921 = vector.shape_cast %add3A_914 : vector<224x224xi32> to vector<1x1x224x224xi32>
    tpu.vector_store %arg1[%swap3A_915, %swap3A_916, %swap3A_917, %swap3A_918], %swap3A_921 {strides = array<i32>} : memref<9x4x224x224xi32, #tpu.memory_space<vmem>>, vector<1x1x224x224xi32>,
    %add3A_922 = arith.addi %mul3A_897, %add3A_891 : vector<224x224xi32>
    %swap3A_923 = arith.constant 7 : index
    %swap3A_924 = arith.constant 3 : index
    %swap3A_925 = arith.constant 0 : index
    %swap3A_926 = arith.constant 0 : index
    %swap3A_927 = vector.load %arg1[%swap3A_923, %swap3A_924, %swap3A_925, %swap3A_926] : memref<9x4x224x224xi32, #tpu.memory_space<vmem>>, vector<1x1x224x224xi32>
    %swap3A_928 = vector.shape_cast %swap3A_927 : vector<1x1x224x224xi32> to vector<224x224xi32>
    %swap3A_929 = vector.shape_cast %add3A_922 : vector<224x224xi32> to vector<1x1x224x224xi32>
    tpu.vector_store %arg1[%swap3A_923, %swap3A_924, %swap3A_925, %swap3A_926], %swap3A_929 {strides = array<i32>} : memref<9x4x224x224xi32, #tpu.memory_space<vmem>>, vector<1x1x224x224xi32>,
    %sub3A_930 = arith.constant 1.000000e+00 : f32
    %sub3A_931 = vector.broadcast %sub3A_930 : f32 to vector<224x224xf32>
    %sub3A_932 = arith.subf %sub3A_931, %sub3A_878 : vector<224x224xf32>
    %sub3A_933 = arith.constant 1.000000e+00 : f32
    %sub3A_934 = vector.broadcast %sub3A_933 : f32 to vector<224x224xf32>
    %sub3A_935 = arith.subf %sub3A_934, %sub3A_879 : vector<224x224xf32>
    %mul3A_936 = arith.mulf %sub3A_932, %sub3A_935 : vector<224x224xf32>
    %swap3A_937 = arith.constant 7 : index
    %swap3A_938 = arith.constant 0 : index
    %swap3A_939 = arith.constant 0 : index
    %swap3A_940 = arith.constant 0 : index
    %swap3A_941 = vector.load %arg2[%swap3A_937, %swap3A_938, %swap3A_939, %swap3A_940] : memref<9x4x224x224xf32, #tpu.memory_space<vmem>>, vector<1x1x224x224xf32>
    %swap3A_942 = vector.shape_cast %swap3A_941 : vector<1x1x224x224xf32> to vector<224x224xf32>
    %swap3A_943 = vector.shape_cast %mul3A_936 : vector<224x224xf32> to vector<1x1x224x224xf32>
    tpu.vector_store %arg2[%swap3A_937, %swap3A_938, %swap3A_939, %swap3A_940], %swap3A_943 {strides = array<i32>} : memref<9x4x224x224xf32, #tpu.memory_space<vmem>>, vector<1x1x224x224xf32>,
    %mul3A_944 = arith.mulf %sub3A_878, %sub3A_935 : vector<224x224xf32>
    %swap3A_945 = arith.constant 7 : index
    %swap3A_946 = arith.constant 1 : index
    %swap3A_947 = arith.constant 0 : index
    %swap3A_948 = arith.constant 0 : index
    %swap3A_949 = vector.load %arg2[%swap3A_945, %swap3A_946, %swap3A_947, %swap3A_948] : memref<9x4x224x224xf32, #tpu.memory_space<vmem>>, vector<1x1x224x224xf32>
    %swap3A_950 = vector.shape_cast %swap3A_949 : vector<1x1x224x224xf32> to vector<224x224xf32>
    %swap3A_951 = vector.shape_cast %mul3A_944 : vector<224x224xf32> to vector<1x1x224x224xf32>
    tpu.vector_store %arg2[%swap3A_945, %swap3A_946, %swap3A_947, %swap3A_948], %swap3A_951 {strides = array<i32>} : memref<9x4x224x224xf32, #tpu.memory_space<vmem>>, vector<1x1x224x224xf32>,
    %mul3A_952 = arith.mulf %sub3A_932, %sub3A_879 : vector<224x224xf32>
    %swap3A_953 = arith.constant 7 : index
    %swap3A_954 = arith.constant 2 : index
    %swap3A_955 = arith.constant 0 : index
    %swap3A_956 = arith.constant 0 : index
    %swap3A_957 = vector.load %arg2[%swap3A_953, %swap3A_954, %swap3A_955, %swap3A_956] : memref<9x4x224x224xf32, #tpu.memory_space<vmem>>, vector<1x1x224x224xf32>
    %swap3A_958 = vector.shape_cast %swap3A_957 : vector<1x1x224x224xf32> to vector<224x224xf32>
    %swap3A_959 = vector.shape_cast %mul3A_952 : vector<224x224xf32> to vector<1x1x224x224xf32>
    tpu.vector_store %arg2[%swap3A_953, %swap3A_954, %swap3A_955, %swap3A_956], %swap3A_959 {strides = array<i32>} : memref<9x4x224x224xf32, #tpu.memory_space<vmem>>, vector<1x1x224x224xf32>,
    %mul3A_960 = arith.mulf %sub3A_878, %sub3A_879 : vector<224x224xf32>
    %swap3A_961 = arith.constant 7 : index
    %swap3A_962 = arith.constant 3 : index
    %swap3A_963 = arith.constant 0 : index
    %swap3A_964 = arith.constant 0 : index
    %swap3A_965 = vector.load %arg2[%swap3A_961, %swap3A_962, %swap3A_963, %swap3A_964] : memref<9x4x224x224xf32, #tpu.memory_space<vmem>>, vector<1x1x224x224xf32>
    %swap3A_966 = vector.shape_cast %swap3A_965 : vector<1x1x224x224xf32> to vector<224x224xf32>
    %swap3A_967 = vector.shape_cast %mul3A_960 : vector<224x224xf32> to vector<1x1x224x224xf32>
    tpu.vector_store %arg2[%swap3A_961, %swap3A_962, %swap3A_963, %swap3A_964], %swap3A_967 {strides = array<i32>} : memref<9x4x224x224xf32, #tpu.memory_space<vmem>>, vector<1x1x224x224xf32>,
    %add3A_968 = arith.constant 0.000000e+00 : f32
    %add3A_969 = vector.broadcast %add3A_968 : f32 to vector<224x224xf32>
    %add3A_970 = arith.addf %convert_element_type3A, %add3A_969 : vector<224x224xf32>
    %get3A_971 = arith.constant 16 : index
    %get3A_972 = arith.constant 0 : index
    %get3A_973 = arith.constant 0 : index
    %get3A_974 = vector.load %arg0[%get3A_971, %get3A_972, %get3A_973] : memref<18x224x224xf32, #tpu.memory_space<vmem>>, vector<1x224x224xf32>
    %get3A_975 = vector.shape_cast %get3A_974 : vector<1x224x224xf32> to vector<224x224xf32>
    %add3A_976 = arith.addf %add3A_970, %get3A_975 : vector<224x224xf32>
    %jit3A_977 = arith.constant 0.000000e+00 : f32
    %jit3A_978 = arith.constant 2.230000e+02 : f32
    %max3A_979 = vector.broadcast %jit3A_977 : f32 to vector<224x224xf32>
    %max3A_980 = arith.maximumf %max3A_979, %add3A_976 : vector<224x224xf32>
    %min3A_981 = vector.broadcast %jit3A_978 : f32 to vector<224x224xf32>
    %min3A_982 = arith.minimumf %min3A_981, %max3A_980 : vector<224x224xf32>
    %add3A_983 = arith.constant 1.000000e+00 : f32
    %add3A_984 = vector.broadcast %add3A_983 : f32 to vector<224x224xf32>
    %add3A_985 = arith.addf %convert_element_type3A_1, %add3A_984 : vector<224x224xf32>
    %get3A_986 = arith.constant 17 : index
    %get3A_987 = arith.constant 0 : index
    %get3A_988 = arith.constant 0 : index
    %get3A_989 = vector.load %arg0[%get3A_986, %get3A_987, %get3A_988] : memref<18x224x224xf32, #tpu.memory_space<vmem>>, vector<1x224x224xf32>
    %get3A_990 = vector.shape_cast %get3A_989 : vector<1x224x224xf32> to vector<224x224xf32>
    %add3A_991 = arith.addf %add3A_985, %get3A_990 : vector<224x224xf32>
    %jit3A_992 = arith.constant 0.000000e+00 : f32
    %jit3A_993 = arith.constant 2.230000e+02 : f32
    %max3A_994 = vector.broadcast %jit3A_992 : f32 to vector<224x224xf32>
    %max3A_995 = arith.maximumf %max3A_994, %add3A_991 : vector<224x224xf32>
    %min3A_996 = vector.broadcast %jit3A_993 : f32 to vector<224x224xf32>
    %min3A_997 = arith.minimumf %min3A_996, %max3A_995 : vector<224x224xf32>
    %floor3A_998 = math.floor %min3A_982 : vector<224x224xf32>
    %floor3A_999 = math.floor %min3A_997 : vector<224x224xf32>
    %sub3A_1000 = arith.subf %min3A_982, %floor3A_998 : vector<224x224xf32>
    %sub3A_1001 = arith.subf %min3A_997, %floor3A_999 : vector<224x224xf32>
    %convert_element_type3A_1002 = arith.fptosi %floor3A_998 : vector<224x224xf32> to vector<224x224xi32>
    %convert_element_type3A_1003 = arith.fptosi %floor3A_999 : vector<224x224xf32> to vector<224x224xi32>
    %gt3A_1004 = arith.constant 0.000000e+00 : f32
    %gt3A_1005 = vector.broadcast %gt3A_1004 : f32 to vector<224x224xf32>
    %gt3A_1006 = arith.cmpf ogt, %sub3A_1000, %gt3A_1005 : vector<224x224xf32>
    %convert_element_type3A_1007 = arith.extui %gt3A_1006 : vector<224x224xi1> to vector<224x224xi32>
    %add3A_1008 = arith.addi %convert_element_type3A_1002, %convert_element_type3A_1007 : vector<224x224xi32>
    %gt3A_1009 = arith.constant 0.000000e+00 : f32
    %gt3A_1010 = vector.broadcast %gt3A_1009 : f32 to vector<224x224xf32>
    %gt3A_1011 = arith.cmpf ogt, %sub3A_1001, %gt3A_1010 : vector<224x224xf32>
    %convert_element_type3A_1012 = arith.extui %gt3A_1011 : vector<224x224xi1> to vector<224x224xi32>
    %add3A_1013 = arith.addi %convert_element_type3A_1003, %convert_element_type3A_1012 : vector<224x224xi32>
    %mul3A_1014 = arith.constant 224 : i32
    %mul3A_1015 = vector.broadcast %mul3A_1014 : i32 to vector<224x224xi32>
    %mul3A_1016 = arith.muli %convert_element_type3A_1002, %mul3A_1015 : vector<224x224xi32>
    %mul3A_1017 = arith.constant 224 : i32
    %mul3A_1018 = vector.broadcast %mul3A_1017 : i32 to vector<224x224xi32>
    %mul3A_1019 = arith.muli %add3A_1008, %mul3A_1018 : vector<224x224xi32>
    %add3A_1020 = arith.addi %mul3A_1016, %convert_element_type3A_1003 : vector<224x224xi32>
    %swap3A_1021 = arith.constant 8 : index
    %swap3A_1022 = arith.constant 0 : index
    %swap3A_1023 = arith.constant 0 : index
    %swap3A_1024 = arith.constant 0 : index
    %swap3A_1025 = vector.load %arg1[%swap3A_1021, %swap3A_1022, %swap3A_1023, %swap3A_1024] : memref<9x4x224x224xi32, #tpu.memory_space<vmem>>, vector<1x1x224x224xi32>
    %swap3A_1026 = vector.shape_cast %swap3A_1025 : vector<1x1x224x224xi32> to vector<224x224xi32>
    %swap3A_1027 = vector.shape_cast %add3A_1020 : vector<224x224xi32> to vector<1x1x224x224xi32>
    tpu.vector_store %arg1[%swap3A_1021, %swap3A_1022, %swap3A_1023, %swap3A_1024], %swap3A_1027 {strides = array<i32>} : memref<9x4x224x224xi32, #tpu.memory_space<vmem>>, vector<1x1x224x224xi32>,
    %add3A_1028 = arith.addi %mul3A_1019, %convert_element_type3A_1003 : vector<224x224xi32>
    %swap3A_1029 = arith.constant 8 : index
    %swap3A_1030 = arith.constant 1 : index
    %swap3A_1031 = arith.constant 0 : index
    %swap3A_1032 = arith.constant 0 : index
    %swap3A_1033 = vector.load %arg1[%swap3A_1029, %swap3A_1030, %swap3A_1031, %swap3A_1032] : memref<9x4x224x224xi32, #tpu.memory_space<vmem>>, vector<1x1x224x224xi32>
    %swap3A_1034 = vector.shape_cast %swap3A_1033 : vector<1x1x224x224xi32> to vector<224x224xi32>
    %swap3A_1035 = vector.shape_cast %add3A_1028 : vector<224x224xi32> to vector<1x1x224x224xi32>
    tpu.vector_store %arg1[%swap3A_1029, %swap3A_1030, %swap3A_1031, %swap3A_1032], %swap3A_1035 {strides = array<i32>} : memref<9x4x224x224xi32, #tpu.memory_space<vmem>>, vector<1x1x224x224xi32>,
    %add3A_1036 = arith.addi %mul3A_1016, %add3A_1013 : vector<224x224xi32>
    %swap3A_1037 = arith.constant 8 : index
    %swap3A_1038 = arith.constant 2 : index
    %swap3A_1039 = arith.constant 0 : index
    %swap3A_1040 = arith.constant 0 : index
    %swap3A_1041 = vector.load %arg1[%swap3A_1037, %swap3A_1038, %swap3A_1039, %swap3A_1040] : memref<9x4x224x224xi32, #tpu.memory_space<vmem>>, vector<1x1x224x224xi32>
    %swap3A_1042 = vector.shape_cast %swap3A_1041 : vector<1x1x224x224xi32> to vector<224x224xi32>
    %swap3A_1043 = vector.shape_cast %add3A_1036 : vector<224x224xi32> to vector<1x1x224x224xi32>
    tpu.vector_store %arg1[%swap3A_1037, %swap3A_1038, %swap3A_1039, %swap3A_1040], %swap3A_1043 {strides = array<i32>} : memref<9x4x224x224xi32, #tpu.memory_space<vmem>>, vector<1x1x224x224xi32>,
    %add3A_1044 = arith.addi %mul3A_1019, %add3A_1013 : vector<224x224xi32>
    %swap3A_1045 = arith.constant 8 : index
    %swap3A_1046 = arith.constant 3 : index
    %swap3A_1047 = arith.constant 0 : index
    %swap3A_1048 = arith.constant 0 : index
    %swap3A_1049 = vector.load %arg1[%swap3A_1045, %swap3A_1046, %swap3A_1047, %swap3A_1048] : memref<9x4x224x224xi32, #tpu.memory_space<vmem>>, vector<1x1x224x224xi32>
    %swap3A_1050 = vector.shape_cast %swap3A_1049 : vector<1x1x224x224xi32> to vector<224x224xi32>
    %swap3A_1051 = vector.shape_cast %add3A_1044 : vector<224x224xi32> to vector<1x1x224x224xi32>
    tpu.vector_store %arg1[%swap3A_1045, %swap3A_1046, %swap3A_1047, %swap3A_1048], %swap3A_1051 {strides = array<i32>} : memref<9x4x224x224xi32, #tpu.memory_space<vmem>>, vector<1x1x224x224xi32>,
    %sub3A_1052 = arith.constant 1.000000e+00 : f32
    %sub3A_1053 = vector.broadcast %sub3A_1052 : f32 to vector<224x224xf32>
    %sub3A_1054 = arith.subf %sub3A_1053, %sub3A_1000 : vector<224x224xf32>
    %sub3A_1055 = arith.constant 1.000000e+00 : f32
    %sub3A_1056 = vector.broadcast %sub3A_1055 : f32 to vector<224x224xf32>
    %sub3A_1057 = arith.subf %sub3A_1056, %sub3A_1001 : vector<224x224xf32>
    %mul3A_1058 = arith.mulf %sub3A_1054, %sub3A_1057 : vector<224x224xf32>
    %swap3A_1059 = arith.constant 8 : index
    %swap3A_1060 = arith.constant 0 : index
    %swap3A_1061 = arith.constant 0 : index
    %swap3A_1062 = arith.constant 0 : index
    %swap3A_1063 = vector.load %arg2[%swap3A_1059, %swap3A_1060, %swap3A_1061, %swap3A_1062] : memref<9x4x224x224xf32, #tpu.memory_space<vmem>>, vector<1x1x224x224xf32>
    %swap3A_1064 = vector.shape_cast %swap3A_1063 : vector<1x1x224x224xf32> to vector<224x224xf32>
    %swap3A_1065 = vector.shape_cast %mul3A_1058 : vector<224x224xf32> to vector<1x1x224x224xf32>
    tpu.vector_store %arg2[%swap3A_1059, %swap3A_1060, %swap3A_1061, %swap3A_1062], %swap3A_1065 {strides = array<i32>} : memref<9x4x224x224xf32, #tpu.memory_space<vmem>>, vector<1x1x224x224xf32>,
    %mul3A_1066 = arith.mulf %sub3A_1000, %sub3A_1057 : vector<224x224xf32>
    %swap3A_1067 = arith.constant 8 : index
    %swap3A_1068 = arith.constant 1 : index
    %swap3A_1069 = arith.constant 0 : index
    %swap3A_1070 = arith.constant 0 : index
    %swap3A_1071 = vector.load %arg2[%swap3A_1067, %swap3A_1068, %swap3A_1069, %swap3A_1070] : memref<9x4x224x224xf32, #tpu.memory_space<vmem>>, vector<1x1x224x224xf32>
    %swap3A_1072 = vector.shape_cast %swap3A_1071 : vector<1x1x224x224xf32> to vector<224x224xf32>
    %swap3A_1073 = vector.shape_cast %mul3A_1066 : vector<224x224xf32> to vector<1x1x224x224xf32>
    tpu.vector_store %arg2[%swap3A_1067, %swap3A_1068, %swap3A_1069, %swap3A_1070], %swap3A_1073 {strides = array<i32>} : memref<9x4x224x224xf32, #tpu.memory_space<vmem>>, vector<1x1x224x224xf32>,
    %mul3A_1074 = arith.mulf %sub3A_1054, %sub3A_1001 : vector<224x224xf32>
    %swap3A_1075 = arith.constant 8 : index
    %swap3A_1076 = arith.constant 2 : index
    %swap3A_1077 = arith.constant 0 : index
    %swap3A_1078 = arith.constant 0 : index
    %swap3A_1079 = vector.load %arg2[%swap3A_1075, %swap3A_1076, %swap3A_1077, %swap3A_1078] : memref<9x4x224x224xf32, #tpu.memory_space<vmem>>, vector<1x1x224x224xf32>
    %swap3A_1080 = vector.shape_cast %swap3A_1079 : vector<1x1x224x224xf32> to vector<224x224xf32>
    %swap3A_1081 = vector.shape_cast %mul3A_1074 : vector<224x224xf32> to vector<1x1x224x224xf32>
    tpu.vector_store %arg2[%swap3A_1075, %swap3A_1076, %swap3A_1077, %swap3A_1078], %swap3A_1081 {strides = array<i32>} : memref<9x4x224x224xf32, #tpu.memory_space<vmem>>, vector<1x1x224x224xf32>,
    %mul3A_1082 = arith.mulf %sub3A_1000, %sub3A_1001 : vector<224x224xf32>
    %swap3A_1083 = arith.constant 8 : index
    %swap3A_1084 = arith.constant 3 : index
    %swap3A_1085 = arith.constant 0 : index
    %swap3A_1086 = arith.constant 0 : index
    %swap3A_1087 = vector.load %arg2[%swap3A_1083, %swap3A_1084, %swap3A_1085, %swap3A_1086] : memref<9x4x224x224xf32, #tpu.memory_space<vmem>>, vector<1x1x224x224xf32>
    %swap3A_1088 = vector.shape_cast %swap3A_1087 : vector<1x1x224x224xf32> to vector<224x224xf32>
    %swap3A_1089 = vector.shape_cast %mul3A_1082 : vector<224x224xf32> to vector<1x1x224x224xf32>
    tpu.vector_store %arg2[%swap3A_1083, %swap3A_1084, %swap3A_1085, %swap3A_1086], %swap3A_1089 {strides = array<i32>} : memref<9x4x224x224xf32, #tpu.memory_space<vmem>>, vector<1x1x224x224xf32>,
    return
  }
}

module attributes {stable_mosaic.version = 14 : i64} {
  func.func @_mm_body(%arg0: i32, %arg1: memref<512x864xf32, #tpu.memory_space<vmem>>, %arg2: memref<864x96xf32, #tpu.memory_space<vmem>>, %arg3: memref<1x96xf32, #tpu.memory_space<vmem>>, %arg4: memref<512x96xf32, #tpu.memory_space<vmem>>) attributes {dimension_semantics = [#tpu.dimension_semantics<arbitrary>], iteration_bounds = array<i64: 98>, scalar_prefetch = 0 : i64, scratch_operands = 0 : i64, tpu.core_type = #tpu.core_type<tc>, window_params = [{transform_indices = @transform_0, window_bounds = array<i64: 512, 864>}, {pipeline_mode = #tpu.pipeline_mode<synchronous>, transform_indices = @transform_1, window_bounds = array<i64: 864, 96>}, {pipeline_mode = #tpu.pipeline_mode<synchronous>, transform_indices = @transform_2, window_bounds = array<i64: 1, 96>}, {transform_indices = @transform_3, window_bounds = array<i64: 512, 96>}]} {
    %get3A = arith.constant 0 : index
    %get3A_0 = arith.constant 0 : index
    %get3A_1 = vector.load %arg1[%get3A, %get3A_0] : memref<512x864xf32, #tpu.memory_space<vmem>>, vector<512x864xf32>
    %get3A_2 = arith.constant 0 : index
    %get3A_3 = arith.constant 0 : index
    %get3A_4 = vector.load %arg2[%get3A_2, %get3A_3] : memref<864x96xf32, #tpu.memory_space<vmem>>, vector<864x96xf32>
    %dot_general3A = arith.constant dense<0.000000e+00> : vector<512x96xf32>
    %dot_general3A_5 = tpu.matmul %get3A_1, %get3A_4, %dot_general3A {dimension_numbers = #tpu.dot_dimension_numbers<[1], [0], [0], [1], [0, 0, 1, 1], [], []>, precision = #tpu.contract_precision<fp32>, transpose_lhs_hint = false} : vector<512x864xf32>, vector<864x96xf32>, vector<512x96xf32> -> vector<512x96xf32>
    %get3A_6 = arith.constant 0 : index
    %get3A_7 = arith.constant 0 : index
    %get3A_8 = vector.load %arg3[%get3A_6, %get3A_7] : memref<1x96xf32, #tpu.memory_space<vmem>>, vector<1x96xf32>
    %add3A = vector.broadcast %get3A_8 : vector<1x96xf32> to vector<512x96xf32>
    %add3A_9 = arith.addf %dot_general3A_5, %add3A : vector<512x96xf32>
    %swap3A = arith.constant 0 : index
    %swap3A_10 = arith.constant 0 : index
    %swap3A_11 = vector.load %arg4[%swap3A, %swap3A_10] : memref<512x96xf32, #tpu.memory_space<vmem>>, vector<512x96xf32>
    tpu.vector_store %arg4[%swap3A, %swap3A_10], %add3A_9 {strides = array<i32>} : memref<512x96xf32, #tpu.memory_space<vmem>>, vector<512x96xf32>,
    return
  }
  func.func @transform_0(%arg0: i32) -> (i32, i32) {
    %c0_i32 = arith.constant 0 : i32
    %c0_i32_0 = arith.constant 0 : i32
    return %arg0, %c0_i32 : i32, i32
  }
  func.func @transform_1(%arg0: i32) -> (i32, i32) {
    %c0_i32 = arith.constant 0 : i32
    %c0_i32_0 = arith.constant 0 : i32
    %c0_i32_1 = arith.constant 0 : i32
    return %c0_i32, %c0_i32_0 : i32, i32
  }
  func.func @transform_2(%arg0: i32) -> (i32, i32) {
    %c0_i32 = arith.constant 0 : i32
    %c0_i32_0 = arith.constant 0 : i32
    %c0_i32_1 = arith.constant 0 : i32
    return %c0_i32, %c0_i32_0 : i32, i32
  }
  func.func @transform_3(%arg0: i32) -> (i32, i32) {
    %c0_i32 = arith.constant 0 : i32
    %c0_i32_0 = arith.constant 0 : i32
    return %arg0, %c0_i32 : i32, i32
  }
}

</mosaic_0001>

<sc_bundles>
// kernel: kernel.5.cloned.1.call-start
scs
__scs_entry_jumppad:
0x0: {  	(pc) =	sbr.rel $0x88, $3  }
0x1: {  	(tag) =	ssettag $0x0;
	lr =	simm.s32 $0x1  }
0x2: {  	[smem:$0x3F9D] =	sst lr;
	_ =	strace $0xD0000000  }
0x3: {  	_ = 	snop  }
0x4: {  	_ = 	snop  }
0x5: {  	_ = 	snop  }
0x6: {  	_ = 	snop  }
0x7: {  	_ = 	snop  }
__scs_overlays_trampoline_lowered:
0x8: {  	[smem:$0x3FAC] =	sst s0  }
0x9: {  	[smem:$0x3FAD] =	sst s1  }
0xa: {  	[smem:$0x3FAE] =	sst s2  }
0xb: {  	[smem:$0x3FAF] =	sst s3  }
0xc: {  	[smem:$0x3FB0] =	sst s4  }
0xd: {  	[smem:$0x3FB1] =	sst s5  }
0xe: {  	[smem:$0x3FB2] =	sst s6  }
0xf: {  	[smem:$0x3FB3] =	sst s7  }
0x10: {  	[smem:$0x3FB4] =	sst s8  }
0x11: {  	[smem:$0x3FB5] =	sst s9;
	s0 =	simm.s32 @!p0 $0x0  }
0x12: {  	s1 =	sld [smem:$0x3F9B];
	s0 =	simm.s32 @p0 $0x1  }
0x13: {  	[smem:$0x3FB6] =	sst s0;
	s0 =	simm.s32 @!p1 $0x0  }
0x14: {  	s2 =	sld [smem:$0x3F9A];
	s0 =	simm.s32 @p1 $0x1  }
0x15: {  	[smem:$0x3FB7] =	sst s0;
	s0 =	simm.s32 @!p2 $0x0  }
0x16: {  	s3 =	sld [smem:$0x3FDB];
	s0 =	simm.s32 @p2 $0x1  }
0x17: {  	s4 =	simm.s32 $0x1BF5;
	[smem:$0x3FB9] =	sst s0  }
0x18: {  	s0 =	sld [smem:$0x3F9C];
	_ =	swait.ge [sflag:s4], $0x0  }
0x19: {  	s7 =	sld [smem:$0x3F9D]  }
0x1a: {  	s8 =	sadd.s32 $0xFFFFE003, lr  }
0x1b: {  	s9 =	sadd.s32 $0xFFFFFEF7, lr;
	s5 =	simm.s32 $0xFFFFFFFF;
	p2 =	slt.u32 s8, $0xFFFFF086  }
0x1c: {  	p1 =	slt.u32 s9, $0xF7A;
	s5 =	simm.s32 @!p2 $0x0  }
0x1d: {  	s5 =	simm.s32 @p1 $0x1;
	p0 =	seq.s32 s7, s2  }
0x1e: {  	s7 =	smul.u32 @!p0 $0xF7A, s2;
	p2 =	seq.s32 @!p0 s5, $0x0  }
0x1f: {  	s9 =	smul.u32 $0xF7A, s1;
	s8 =	simm.s32 @!p0 $0x1BF5;
	p2 =	por !p2, p0  }
0x20: {  	[sflag:s8] =	ssyncset.s32 @!p0 $0xFFFFF086;
	s6 =	sadd.s32 @!p0 s3, s7;
	s7 =	simm.s32 @!p0 $0x108  }
0x21: {  	s3 =	sadd.s32 s3, s9;
	s6 =	sadd.s32 @!p0 $0x88, s6;
	s7 =	simm.s32 @p2 $0x1082  }
0x22: {  	[simem:s7], [sflag:s8] =	dma.local @!p0 [hbm:s6], $0xF7A  }
0x23: {  	s9 =	sor.u32 $0xD0000000, s2;
	s6 =	simm.s32 $0x108;
	_ =	swait.ge @!p0 [sflag:s8], $0x0  }
0x24: {  	s3 =	sadd.s32 $0x88, s3;
	s6 =	simm.s32 @!p1 $0x1082;
	[sflag:s4] =	ssyncset.s32 $0xFFFFF086  }
0x25: {  	[simem:s6], [sflag:s4] =	dma.local [hbm:s3], $0xF7A  }
0x26: {  	[smem:$0x3F9D] =	sst s1;
	(tag) =	ssettag s2;
	_ =	strace s9  }
0x27: {  	s1 =	sld [smem:$0x3FAD]  }
0x28: {  	s2 =	sld [smem:$0x3FAE]  }
0x29: {  	s4 =	sld [smem:$0x3FB0]  }
0x2a: {  	p0 =	seq.s32 s5, $0x0;
	s5 =	sld [smem:$0x3FB1]  }
0x2b: {  	s6 =	sld [smem:$0x3FB2]  }
0x2c: {  	s7 =	sld [smem:$0x3FB3]  }
0x2d: {  	s3 =	simm.s32 $0x108;
	s8 =	sld [smem:$0x3FB4]  }
0x2e: {  	s3 =	simm.s32 @!p0 $0x1082;
	s9 =	sld [smem:$0x3FB5]  }
0x2f: {  	lr =	sadd.s32 s0, s3;
	s0 =	sld [smem:$0x3FAC]  }
0x30: {  	s3 =	sld [smem:$0x3FAF]  }
0x31: {  	[smem:$0x3FB8] =	sst s10  }
0x32: {  	s10 =	sld [smem:$0x3FB6];
	_ =	sdelay $0x3  }
0x33: {  	p0 =	seq.s32 s10, $0x1;
	s10 =	sld [smem:$0x3FB8];
	_ =	sdelay $0x3  }
0x34: {  	[smem:$0x3FB8] =	sst s10  }
0x35: {  	s10 =	sld [smem:$0x3FB7];
	_ =	sdelay $0x3  }
0x36: {  	p1 =	seq.s32 s10, $0x1;
	s10 =	sld [smem:$0x3FB8];
	_ =	sdelay $0x3  }
0x37: {  	[smem:$0x3FB8] =	sst s10  }
0x38: {  	s10 =	sld [smem:$0x3FB9]  }
0x39: {  	_ = 	snop;
	(pc) =	sbr.ind lr, $3  }
0x3a: {  	_ = 	snop  }
0x3b: {  	_ = 	snop  }
0x3c: {  	p2 =	seq.s32 s10, $0x1;
	s10 =	sld [smem:$0x3FB8]  }
0x3d: {  	_ =	shalt  }
0x3e: {  	_ =	shalt  }
0x3f: {  	_ =	shalt  }
0x40: {  	_ =	shalt  }
0x41: {  	_ =	shalt  }
0x42: {  	_ =	shalt  }
0x43: {  	_ =	shalt  }
0x44: {  	_ =	shalt  }
0x45: {  	_ =	shalt  }
0x46: {  	_ =	shalt  }
0x47: {  	_ =	shalt  }
0x48: {  	_ =	shalt  }
0x49: {  	_ =	shalt  }
0x4a: {  	_ =	shalt  }
0x4b: {  	_ =	shalt  }
0x4c: {  	_ =	shalt  }
0x4d: {  	_ =	shalt  }
0x4e: {  	_ =	shalt  }
0x4f: {  	_ =	shalt  }
0x50: {  	_ =	shalt  }
0x51: {  	_ =	shalt  }
0x52: {  	_ =	shalt  }
0x53: {  	_ =	shalt  }
0x54: {  	_ =	shalt  }
0x55: {  	_ =	shalt  }
0x56: {  	_ =	shalt  }
0x57: {  	_ =	shalt  }
0x58: {  	_ =	shalt  }
0x59: {  	_ =	shalt  }
0x5a: {  	_ =	shalt  }
0x5b: {  	_ =	shalt  }
0x5c: {  	_ =	shalt  }
0x5d: {  	_ =	shalt  }
0x5e: {  	_ =	shalt  }
0x5f: {  	_ =	shalt  }
0x60: {  	_ =	shalt  }
0x61: {  	_ =	shalt  }
0x62: {  	_ =	shalt  }
0x63: {  	_ =	shalt  }
0x64: {  	_ =	shalt  }
0x65: {  	_ =	shalt  }
0x66: {  	_ =	shalt  }
0x67: {  	_ =	shalt  }
0x68: {  	_ =	shalt  }
0x69: {  	_ =	shalt  }
0x6a: {  	_ =	shalt  }
0x6b: {  	_ =	shalt  }
0x6c: {  	_ =	shalt  }
0x6d: {  	_ =	shalt  }
0x6e: {  	_ =	shalt  }
0x6f: {  	_ =	shalt  }
0x70: {  	_ =	shalt  }
0x71: {  	_ =	shalt  }
0x72: {  	_ =	shalt  }
0x73: {  	_ =	shalt  }
0x74: {  	_ =	shalt  }
0x75: {  	_ =	shalt  }
0x76: {  	_ =	shalt  }
0x77: {  	_ =	shalt  }
0x78: {  	_ =	shalt  }
0x79: {  	_ =	shalt  }
0x7a: {  	_ =	shalt  }
0x7b: {  	_ =	shalt  }
0x7c: {  	_ =	shalt  }
0x7d: {  	_ =	shalt  }
0x7e: {  	_ =	shalt  }
0x7f: {  	_ =	shalt  }
0x80: {  	_ =	shalt  }
0x81: {  	_ =	shalt  }
0x82: {  	_ =	shalt  }
0x83: {  	_ =	shalt  }
0x84: {  	_ =	shalt  }
0x85: {  	_ =	shalt  }
0x86: {  	_ =	shalt  }
0x87: {  	_ =	shalt  }
.Lfunc_end0:
.L_simem_size_0:
called_computation_lowered:
.L_overlay_start_0:
0x88: {  	s2 =	sld [smem:$0x3FD9]  }
0x89: {  	s3 =	sld [smem:$0x3FFE];
	_ =	sdelay $0x1  }
0x8a: {  	s1 =	srdreg.scid  }
0x8b: {  	s0 =	sand.u32 $0x1, s1  }
0x8c: {  	s17 =	sshll.u32 s0, $0xA;
	s2 =	sadd.s32 s3, s2  }
0x8d: {  	s2 =	sadd.s32 s2, s17  }
0x8e: {  	[smem:$0x3FC4] =	sst s2  }
0x8f: {  	_ = 	snop  }
0x90: {  	s2 =	sld [smem:$0x3FD0];
	(tm) =	ssettm $0x1  }
0x91: {  	s18 =	sld [smem:$0x3FFB];
	_ =	sdelay $0x3  }
0x92: {  	_ =	strace s18  }
0x93: {  	s3 =	sld [smem:$0x3FFC];
	_ =	sdelay $0x3  }
0x94: {  	_ =	strace s3  }
0x95: {  	s3 =	sld [smem:$0x3FFD];
	_ =	sdelay $0x3  }
0x96: {  	_ =	strace s3  }
0x97: {  	_ =	strace $0x8FFFFFFF  }
0x98: {  	s19 =	sld [smem:$0x3FDB];
	_ =	sdelay $0x1  }
0x99: {  	s4 =	simm.s32 $_scs_section_size  }
0x9a: {  	s5 =	simm.s32 $_size__tile_overlayer_lowered;
	s6 =	simm.s32 $_tile_overlayer_lowered  }
0x9b: {  	s22 =	simm.s32 $0x1BFF;
	s21 =	sshll.u32 s6, $0x1;
	s3 =	sadd.s32 s4, s19  }
0x9c: {  	s7 =	simm.s32 $0x0;
	s20 =	sshll.u32 s5, $0x1;
	s5 =	sadd.s32 s21, s3  }
0x9d: {  	[timem:s7], [sflag:s22] =	dma.local [hbm:s5], s20  }
0x9e: {  	_ =	swait.ge [sflag:s22], s20  }
0x9f: {  	s4 =	ssub.s32 $0x0, s20;
	[sflag:s22] =	ssyncset.done $0x0  }
0xa0: {  	[sflag:s22] =	ssyncadd.s32 s4;
	_ =	sdelay $0x1  }
0xa1: {  	s23 =	simm.s32 $0x1B8B  }
0xa2: {  	_ =	swait.ge [sflag:s23], $0x1  }
0xa3: {  	[sflag:s23] =	ssyncset.done $0x0  }
0xa4: {  	s25 =	simm.s32 $0x1B8E;
	s24 =	sld [smem:$0x3FFE];
	[sflag:s23] =	ssyncadd.s32 $0xFFFFFFFF  }
0xa5: {  	s26 =	simm.s32 $execute0_lowered;
	[smem:$0x3FD2] =	sst s25  }
0xa6: {  	s5 =	sshll.u32 s26, $0x1;
	_ =	strace $0x80000046;
	[dreg:$0x1] =	wrdreg $0xFFFFFFFF  }
0xa7: {  	s28 =	simm.s32 $_size_execute0_lowered;
	s3 =	sadd.s32 s3, s5;
	[dreg:$0x0] =	wrdreg $0x0  }
0xa8: {  	s5 =	sshll.u32 s28, $0x1;
	[dreg:$0x2] =	wrdreg s3  }
0xa9: {  	[dreg:$0x3] =	wrdreg s5  }
0xaa: {  	[dreg:$0x4] =	wrdreg $0xC0  }
0xab: {  	_ =	task [dreg:s7], $0x5FFFF  }
0xac: {  	[dreg:$0x1] =	wrdreg $0xFFFFFFFF  }
0xad: {  	[dreg:$0x0] =	wrdreg $0x60  }
0xae: {  	[dreg:$0x2] =	wrdreg s2  }
0xaf: {  	[dreg:$0x3] =	wrdreg s24  }
0xb0: {  	[dreg:$0x4] =	wrdreg $0x9  }
0xb1: {  	_ =	task.clear_ibuf [dreg:s7], $0x5FFFF;
	_ =	strace $0x90000046  }
0xb2: {  	s29 =	simm.s32 $0x9;
	_ =	strace $0x80000048  }
0xb3: {  	_ =	swait.ge [sflag:s29], $0x1  }
0xb4: {  	[sflag:s29] =	ssyncadd.s32 $0xFFFFFFFF  }
0xb5: {  	_ =	strace $0x90000048  }
0xb6: {  	_ =	sfence  }
0xb7: {  	s30 =	sld [smem:$0x0];
	_ =	sdelay $0x2  }
0xb8: {  	s31 =	sshll.u32 s1, $0xD;
	s1 =	sshrl.u32 s1, $0x2  }
0xb9: {  	s3 =	sand.u32 $0x4000, s31;
	s1 =	sadd.s32 s1, s30  }
0xba: {  	s0 =	sor.u32 s3, s0;
	s1 =	sshll.u32 s1, $0x11  }
0xbb: {  	s0 =	sor.u32 s1, s0  }
0xbc: {  	s0 =	sadd.s32 $0x8F2B, s0  }
0xbd: {  	[sflag:s0] =	ssyncadd.remote.s32 $0x1  }
0xbe: {  	_ =	sfence.sel $0xFFFF  }
0xbf: {  	[dreg:$0x0] =	wrdreg $0xFFFFFFFF;
	(pc) =	sbr.abs _section_cstart, $3  }
0xc0: {  	[dreg:$0x1] =	wrdreg $0xFFFFFFFF  }
0xc1: {  	_ =	task.clear_ibuf [dreg:s7], $0x2FFFF;
	_ =	strace $0x9FFFFFFF  }
0xc2: {  	(tm) =	ssettm $0x7FFFFFFF  }
0xc3: {  	_ =	shalt  }
tec
execute0_lowered:
.L_overlay_start_1:
0x0: {  	(tag) =	ssettag $0x1  }
0x1: {  	s1 =	rddreg [dreg:$0x0]  }
0x2: {  	s6 =	rddreg [dreg:$0x1];
	s2 =	simm.s32 $0x0  }
0x3: {  	s3 =	srdreg.scid;
	s11 =	simm.s32 $0x80;
	s12 =	simm.s32 $0x900  }
0x4: {  	s13 =	simm.s32 $0x3900;
	s14 =	simm.s32 $0x1;
	s15 =	simm.s32 $0x2  }
0x5: {  	s16 =	simm.s32 $0x6900;
	s17 =	simm.s32 $0x0;
	[smem:$0x7FF] =	sst s2  }
0x6: {  	s7 =	sand.u32 $0x1, s3;
	s3 =	stileid.u32;
	s4 =	sadd.s32 $0xC00, s6  }
0x7: {  	s5 =	sadd.s32 $0x37E00, s6;
	s6 =	sadd.s32 $0x6F000, s6;
	s8 =	ssub.s32 $0x2, s7  }
0x8: {  	_ =	strace $0x80000047;
	s10 =	sshll.u32 s3, $0x1;
	s9 =	sshrl.u32 s8, $0x1  }
0x9: {  	s7 =	sor.u32 s7, s10;
	s10 =	simm.s32 $0x480;
	s8 =	ssub.s32 s8, s9  }
0xa: {  	s7 =	smul.u32 $0x31, s7;
	s9 =	simm.s32 $0x3;
	s8 =	smax.u32 s8, $0x1  }
.LBB2_1:
0xb: {  	s18 =	simm.s32 $0x0  }
.LBB2_2:
0xc: {  	s19 =	sadd.s32 s7, s18  }
0xd: {  	s21 =	smul.u32 $0x90, s19;
	_ =	sdelay $0x1  }
0xe: {  	s20 =	simm.s32 $0x0;
	s22 =	sadd.s32 s4, s21  }
0xf: {  	[tilespmem:s20], [sflag:$0x3] =	stream.linear.gather [hbm4b:s22+s20], $0x480, $0x38;
	[tilespmem:$0xD500] =	vst v63  }
0x10: {  	_ =	swait.ge [sflag:s9], $0x480  }
0x11: {  	[sflag:s9] =	ssyncset.done $0x0  }
0x12: {  	s21 =	sadd.s32 s5, s21;
	[sflag:s9] =	ssyncadd.s32 $0xFFFFFB80  }
0x13: {  	[tilespmem:s10], [sflag:$0x3] =	stream.linear.gather [hbm4b:s21+s20], $0x480, $0x38;
	[tilespmem:$0xD500] =	vst v63  }
0x14: {  	_ =	swait.ge [sflag:s9], $0x480  }
0x15: {  	[sflag:s9] =	ssyncset.done $0x0  }
0x16: {  	s22 =	simm.s32 $0x7020;
	s21 =	simm.s32 $0x6FC0;
	[sflag:s9] =	ssyncadd.s32 $0xFFFFFB80  }
0x17: {  	[tilespmem:s12], [sflag:$0x1] =	stream.indirect.gather [hbm4b:s1+s11], $0x60, s20, s11, $0xb8;
	[tilespmem:$0xD500] =	vst v63  }
.LBB2_3:
0x18: {  	s23 =	sshll.u32 s20, $0x8;
	s24 =	sshll.u32 s20, $0xA  }
0x19: {  	s23 =	sor.u32 $0x80, s23;
	s24 =	sshrl.u32 s24, $0x2  }
0x1a: {  	[tilespmem:s13], [sflag:$0x2] =	stream.indirect.gather [hbm4b:s1+s11], $0x60, s23, s11, $0xb8;
	[tilespmem:$0xD500] =	vst v63  }
0x1b: {  	s26 =	sadd.s32 $0x480, s24  }
0x1c: {  	_ =	swait.ge [sflag:s14], $0x3000;
	v0 =	vmov s26  }
0x1d: {  	s25 =	simm.s32 $0x2100;
	[sflag:s14] =	ssyncset.done $0x0  }
0x1e: {  	s28 =	simm.s32 $0x0;
	s26 =	smov.u32 s21;
	[sflag:s14] =	ssyncadd.s32 $0xFFFFD000  }
.LBB2_4:
0x1f: {  	v5 =	vld [tilespmem:s25+$0xFFFFE800]  }
0x20: {  	s29 =	sand.u32 $0x10, s28;
	v6 =	vld [tilespmem:s25+$0xFFFFF400]  }
0x21: {  	v13 =	vld.idx.msk [tilespmem:v0+s29+$0x0 ss:$0x1], $0xffff  }
0x22: {  	v14 =	vld.idx.msk [tilespmem:v0+s29+$0x20 ss:$0x1], $0xffff  }
0x23: {  	v15 =	vld.idx.msk [tilespmem:v0+s29+$0x40 ss:$0x1], $0xffff  }
0x24: {  	v16 =	vld.idx.msk [tilespmem:v0+s29+$0x60 ss:$0x1], $0xffff  }
0x25: {  	v7 =	vld [tilespmem:s25+$0x0]  }
0x26: {  	s30 =	sand.u32 $0xC, s28;
	v8 =	vld [tilespmem:s25+$0xC00]  }
0x27: {  	v2 =	vmov s30  }
0x28: {  	v3 =	vperm.xlane v13, v2;
	v4 =	vperm.xlane v14, v2  }
0x29: {  	v1 =	vperm.xlane v15, v2;
	v2 =	vperm.xlane v16, v2  }
0x2a: {  	v5 =	vmul.f32 v5, v3;
	v6 =	vmul.f32 v6, v4  }
0x2b: {  	v7 =	vmul.f32 v7, v1;
	v8 =	vmul.f32 v8, v2;
	_ =	sdelay $0x1  }
0x2c: {  	v5 =	vadd.f32 v6, v5;
	v22 =	vadd.f32 v8, v7;
	_ =	sdelay $0x1  }
0x2d: {  	v5 =	vadd.f32 v22, v5;
	_ =	sdelay $0x1  }
0x2e: {  	[tilespmem:s26+$0xFFFFF940] =	vst v5  }
0x2f: {  	v5 =	vld [tilespmem:s25+$0xFFFFE810]  }
0x30: {  	v23 =	vld [tilespmem:s25+$0xFFFFF410]  }
0x31: {  	v24 =	vld [tilespmem:s25+$0x10]  }
0x32: {  	v25 =	vld [tilespmem:s25+$0xC10];
	_ =	sdelay $0x3  }
0x33: {  	v5 =	vmul.f32 v5, v3;
	v6 =	vmul.f32 v23, v4  }
0x34: {  	v7 =	vmul.f32 v24, v1;
	v8 =	vmul.f32 v25, v2;
	_ =	sdelay $0x1  }
0x35: {  	v5 =	vadd.f32 v6, v5;
	v26 =	vadd.f32 v8, v7;
	_ =	sdelay $0x1  }
0x36: {  	v5 =	vadd.f32 v26, v5;
	_ =	sdelay $0x1  }
0x37: {  	[tilespmem:s26+$0xFFFFF950] =	vst v5  }
0x38: {  	v5 =	vld [tilespmem:s25+$0xFFFFE820]  }
0x39: {  	v27 =	vld [tilespmem:s25+$0xFFFFF420]  }
0x3a: {  	v28 =	vld [tilespmem:s25+$0x20]  }
0x3b: {  	v29 =	vld [tilespmem:s25+$0xC20];
	_ =	sdelay $0x3  }
0x3c: {  	s31 =	sand.u32 $0xF, s28;
	v5 =	vmul.f32 v5, v3;
	v6 =	vmul.f32 v27, v4  }
0x3d: {  	v9 =	vld [tilespmem:s25+$0xFFFFE860];
	s30 =	sadd.s32 $0x1, s31;
	s0 =	sadd.s32 $0x2, s31;
	v7 =	vmul.f32 v28, v1;
	v8 =	vmul.f32 v29, v2  }
0x3e: {  	v10 =	vld [tilespmem:s25+$0xFFFFF460];
	v31 =	vmov s30;
	v18 =	vmov s0  }
0x3f: {  	v11 =	vld [tilespmem:s25+$0x60];
	v5 =	vadd.f32 v6, v5;
	v30 =	vadd.f32 v8, v7;
	v7 =	vand.u32 $0xF, v31  }
0x40: {  	v12 =	vld [tilespmem:s25+$0xC60];
	v18 =	vand.u32 $0xF, v18;
	v7 =	vbroadcast v7, $0x0  }
0x41: {  	v19 =	vld [tilespmem:s25+$0xFFFFE8C0];
	v18 =	vbroadcast v18, $0x0;
	v5 =	vadd.f32 v30, v5  }
0x42: {  	v20 =	vld [tilespmem:s25+$0xFFFFF4C0];
	v6 =	vperm.xlane v13, v7;
	v8 =	vperm.xlane v14, v7  }
0x43: {  	v21 =	vld [tilespmem:s25+$0xC0];
	s29 =	sadd.s32 $0x3, s31;
	[tilespmem:s26+$0xFFFFF960] =	vst v5;
	v5 =	vperm.xlane v15, v7;
	v7 =	vperm.xlane v16, v7  }
0x44: {  	v34 =	vld [tilespmem:s25+$0x120];
	v26 =	vmov s29;
	v9 =	vmul.f32 v9, v6;
	v10 =	vmul.f32 v10, v8  }
0x45: {  	v22 =	vld [tilespmem:s25+$0xCC0];
	v33 =	vand.u32 $0xF, v26;
	v11 =	vmul.f32 v11, v5;
	v12 =	vmul.f32 v12, v7  }
0x46: {  	v25 =	vld [tilespmem:s25+$0xFFFFE920];
	v23 =	vadd.f32 v10, v9;
	v9 =	vperm.xlane v13, v18;
	v10 =	vperm.xlane v15, v18  }
0x47: {  	v27 =	vld [tilespmem:s25+$0xFFFFF520];
	v24 =	vadd.f32 v12, v11;
	v11 =	vperm.xlane v14, v18;
	v12 =	vperm.xlane v16, v18  }
0x48: {  	v28 =	vld [tilespmem:s25+$0xD20];
	v32 =	vmul.f32 v19, v9;
	v19 =	vbroadcast v33, $0x0  }
0x49: {  	v17 =	vld [tilespmem:s25+$0xFFFFE830];
	v21 =	vmul.f32 v21, v10;
	v20 =	vmul.f32 v20, v11  }
0x4a: {  	v29 =	vld [tilespmem:s25+$0xFFFFF430];
	v23 =	vadd.f32 v24, v23;
	v22 =	vmul.f32 v22, v12;
	v13 =	vperm.xlane v13, v19  }
0x4b: {  	v35 =	vld [tilespmem:s25+$0x30];
	v14 =	vperm.xlane v14, v19;
	v15 =	vperm.xlane v15, v19  }
0x4c: {  	v36 =	vld [tilespmem:s25+$0xC30];
	v16 =	vperm.xlane v16, v19;
	v18 =	vadd.f32 v20, v32;
	[tilespmem:s26+$0xFFFFFCA0] =	vst v23;
	v21 =	vadd.f32 v22, v21  }
0x4d: {  	v37 =	vld [tilespmem:s25+$0xFFFFE870];
	v38 =	vmul.f32 v25, v13;
	v39 =	vmul.f32 v27, v14  }
0x4e: {  	v40 =	vld [tilespmem:s25+$0xFFFFF470];
	v41 =	vmul.f32 v34, v15;
	v42 =	vmul.f32 v28, v16;
	v18 =	vadd.f32 v21, v18  }
0x4f: {  	v43 =	vld [tilespmem:s25+$0x70]  }
0x50: {  	v44 =	vld [tilespmem:s25+$0xC70];
	v45 =	vadd.f32 v39, v38;
	v21 =	vadd.f32 v42, v41;
	[tilespmem:s26+$0x0] =	vst v18  }
0x51: {  	v46 =	vld [tilespmem:s25+$0xFFFFE8D0]  }
0x52: {  	v17 =	vmul.f32 v17, v3;
	v47 =	vmul.f32 v29, v4;
	v48 =	vld [tilespmem:s25+$0xFFFFF4D0];
	v18 =	vadd.f32 v21, v45  }
0x53: {  	v49 =	vmul.f32 v35, v1;
	v20 =	vmul.f32 v36, v2;
	v50 =	vld [tilespmem:s25+$0xD0]  }
0x54: {  	v51 =	vld [tilespmem:s25+$0xCD0];
	v19 =	vmul.f32 v37, v6;
	v25 =	vmul.f32 v40, v8;
	[tilespmem:s26+$0x360] =	vst v18  }
0x55: {  	v52 =	vmul.f32 v43, v5;
	v53 =	vmul.f32 v44, v7;
	v54 =	vld [tilespmem:s25+$0xFFFFE930]  }
0x56: {  	v17 =	vadd.f32 v47, v17;
	v20 =	vadd.f32 v20, v49;
	v55 =	vld [tilespmem:s25+$0xFFFFF530]  }
0x57: {  	v19 =	vadd.f32 v25, v19;
	v18 =	vadd.f32 v53, v52;
	v56 =	vld [tilespmem:s25+$0x130]  }
0x58: {  	v17 =	vadd.f32 v20, v17;
	v59 =	vld [tilespmem:s25+$0xD30];
	v57 =	vmul.f32 v46, v9;
	v58 =	vmul.f32 v48, v11  }
0x59: {  	v18 =	vadd.f32 v18, v19;
	v60 =	vmul.f32 v50, v10;
	v61 =	vmul.f32 v51, v12  }
0x5a: {  	[tilespmem:s26+$0xFFFFF970] =	vst v17  }
0x5b: {  	v17 =	vld [tilespmem:s25+$0xFFFFE840];
	[tilespmem:s26+$0xFFFFFCB0] =	vst v18;
	v62 =	vadd.f32 v58, v57;
	v19 =	vadd.f32 v61, v60  }
0x5c: {  	v63 =	vld [tilespmem:s25+$0xFFFFE880];
	v29 =	vmul.f32 v54, v13;
	v21 =	vmul.f32 v55, v14  }
0x5d: {  	v30 =	vld [tilespmem:s25+$0xFFFFF480];
	v31 =	vmul.f32 v56, v15;
	v32 =	vmul.f32 v59, v16;
	v18 =	vadd.f32 v19, v62  }
0x5e: {  	v33 =	vld [tilespmem:s25+$0x80]  }
0x5f: {  	v34 =	vld [tilespmem:s25+$0xC80];
	v35 =	vadd.f32 v21, v29;
	v19 =	vadd.f32 v32, v31;
	[tilespmem:s26+$0x10] =	vst v18  }
0x60: {  	v36 =	vld [tilespmem:s25+$0xFFFFE8E0]  }
0x61: {  	v37 =	vld [tilespmem:s25+$0xFFFFF4E0];
	v18 =	vadd.f32 v19, v35  }
0x62: {  	v38 =	vld [tilespmem:s25+$0xE0]  }
0x63: {  	v40 =	vld [tilespmem:s25+$0xCE0];
	v20 =	vmul.f32 v63, v6;
	v39 =	vmul.f32 v30, v8;
	[tilespmem:s26+$0x370] =	vst v18  }
0x64: {  	v41 =	vmul.f32 v33, v5;
	v42 =	vmul.f32 v34, v7;
	v43 =	vld [tilespmem:s25+$0xFFFFE940]  }
0x65: {  	v44 =	vld [tilespmem:s25+$0xFFFFF540]  }
0x66: {  	v20 =	vadd.f32 v39, v20;
	v18 =	vadd.f32 v42, v41;
	v45 =	vld [tilespmem:s25+$0x140]  }
0x67: {  	v46 =	vld [tilespmem:s25+$0xD40];
	v21 =	vmul.f32 v36, v9;
	v22 =	vmul.f32 v37, v11  }
0x68: {  	v47 =	vld [tilespmem:s25+$0xFFFFF440];
	v18 =	vadd.f32 v18, v20;
	v19 =	vmul.f32 v38, v10;
	v48 =	vmul.f32 v40, v12  }
0x69: {  	v49 =	vld [tilespmem:s25+$0x40]  }
0x6a: {  	v50 =	vld [tilespmem:s25+$0xC40];
	[tilespmem:s26+$0xFFFFFCC0] =	vst v18;
	v51 =	vadd.f32 v22, v21;
	v19 =	vadd.f32 v48, v19  }
0x6b: {  	v52 =	vld [tilespmem:s25+$0xFFFFE890];
	v53 =	vmul.f32 v43, v13;
	v54 =	vmul.f32 v44, v14  }
0x6c: {  	v55 =	vld [tilespmem:s25+$0xFFFFF490];
	v56 =	vmul.f32 v45, v15;
	v57 =	vmul.f32 v46, v16;
	v18 =	vadd.f32 v19, v51  }
0x6d: {  	v58 =	vld [tilespmem:s25+$0x90]  }
0x6e: {  	v59 =	vld [tilespmem:s25+$0xC90];
	v60 =	vadd.f32 v54, v53;
	v19 =	vadd.f32 v57, v56;
	[tilespmem:s26+$0x20] =	vst v18  }
0x6f: {  	v61 =	vld [tilespmem:s25+$0xFFFFE8F0]  }
0x70: {  	v17 =	vmul.f32 v17, v3;
	v62 =	vmul.f32 v47, v4;
	v63 =	vld [tilespmem:s25+$0xFFFFF4F0];
	v18 =	vadd.f32 v19, v60  }
0x71: {  	v32 =	vmul.f32 v49, v1;
	v33 =	vmul.f32 v50, v2;
	v34 =	vld [tilespmem:s25+$0xF0]  }
0x72: {  	v35 =	vld [tilespmem:s25+$0xCF0];
	v20 =	vmul.f32 v52, v6;
	v26 =	vmul.f32 v55, v8;
	[tilespmem:s26+$0x380] =	vst v18  }
0x73: {  	v36 =	vmul.f32 v58, v5;
	v37 =	vmul.f32 v59, v7;
	v38 =	vld [tilespmem:s25+$0xFFFFE950]  }
0x74: {  	v17 =	vadd.f32 v62, v17;
	v19 =	vadd.f32 v33, v32;
	v39 =	vld [tilespmem:s25+$0xFFFFF550]  }
0x75: {  	v20 =	vadd.f32 v26, v20;
	v18 =	vadd.f32 v37, v36;
	v40 =	vld [tilespmem:s25+$0x150]  }
0x76: {  	v17 =	vadd.f32 v19, v17;
	v43 =	vld [tilespmem:s25+$0xD50];
	v41 =	vmul.f32 v61, v9;
	v42 =	vmul.f32 v63, v11  }
0x77: {  	v18 =	vadd.f32 v18, v20;
	v44 =	vmul.f32 v34, v10;
	v45 =	vmul.f32 v35, v12  }
0x78: {  	[tilespmem:s26+$0xFFFFF980] =	vst v17  }
0x79: {  	v17 =	vld [tilespmem:s25+$0xFFFFE850];
	[tilespmem:s26+$0xFFFFFCD0] =	vst v18;
	v46 =	vadd.f32 v42, v41;
	v47 =	vadd.f32 v45, v44  }
0x7a: {  	v48 =	vld [tilespmem:s25+$0xFFFFE8A0];
	v49 =	vmul.f32 v38, v13;
	v22 =	vmul.f32 v39, v14  }
0x7b: {  	v50 =	vld [tilespmem:s25+$0xFFFFF4A0];
	v51 =	vmul.f32 v40, v15;
	v23 =	vmul.f32 v43, v16;
	v18 =	vadd.f32 v47, v46  }
0x7c: {  	v52 =	vld [tilespmem:s25+$0xA0]  }
0x7d: {  	v53 =	vld [tilespmem:s25+$0xCA0];
	v54 =	vadd.f32 v22, v49;
	v19 =	vadd.f32 v23, v51;
	[tilespmem:s26+$0x30] =	vst v18  }
0x7e: {  	v55 =	vld [tilespmem:s25+$0xFFFFE900]  }
0x7f: {  	v56 =	vld [tilespmem:s25+$0xFFFFF500];
	v18 =	vadd.f32 v19, v54  }
0x80: {  	v57 =	vld [tilespmem:s25+$0x100]  }
0x81: {  	v59 =	vld [tilespmem:s25+$0xD00];
	v20 =	vmul.f32 v48, v6;
	v58 =	vmul.f32 v50, v8;
	[tilespmem:s26+$0x390] =	vst v18  }
0x82: {  	v60 =	vmul.f32 v52, v5;
	v61 =	vmul.f32 v53, v7;
	v62 =	vld [tilespmem:s25+$0xFFFFE960]  }
0x83: {  	v63 =	vld [tilespmem:s25+$0xFFFFF560]  }
0x84: {  	v20 =	vadd.f32 v58, v20;
	v18 =	vadd.f32 v61, v60;
	v32 =	vld [tilespmem:s25+$0x160]  }
0x85: {  	v33 =	vld [tilespmem:s25+$0xD60];
	v21 =	vmul.f32 v55, v9;
	v22 =	vmul.f32 v56, v11  }
0x86: {  	v34 =	vld [tilespmem:s25+$0xFFFFF450];
	v18 =	vadd.f32 v18, v20;
	v19 =	vmul.f32 v57, v10;
	v35 =	vmul.f32 v59, v12  }
0x87: {  	v36 =	vld [tilespmem:s25+$0x50]  }
0x88: {  	v37 =	vld [tilespmem:s25+$0xC50];
	[tilespmem:s26+$0xFFFFFCE0] =	vst v18;
	v38 =	vadd.f32 v22, v21;
	v19 =	vadd.f32 v35, v19  }
0x89: {  	v39 =	vld [tilespmem:s25+$0xFFFFE8B0];
	v40 =	vmul.f32 v62, v13;
	v41 =	vmul.f32 v63, v14  }
0x8a: {  	v42 =	vld [tilespmem:s25+$0xFFFFF4B0];
	v43 =	vmul.f32 v32, v15;
	v44 =	vmul.f32 v33, v16;
	v18 =	vadd.f32 v19, v38  }
0x8b: {  	v45 =	vld [tilespmem:s25+$0xB0]  }
0x8c: {  	v46 =	vld [tilespmem:s25+$0xCB0];
	v47 =	vadd.f32 v41, v40;
	v19 =	vadd.f32 v44, v43;
	[tilespmem:s26+$0x40] =	vst v18  }
0x8d: {  	v48 =	vld [tilespmem:s25+$0xFFFFE910]  }
0x8e: {  	v49 =	vld [tilespmem:s25+$0xFFFFF510];
	v18 =	vadd.f32 v19, v47  }
0x8f: {  	v50 =	vld [tilespmem:s25+$0x110]  }
0x90: {  	v51 =	vld [tilespmem:s25+$0xD10];
	[tilespmem:s26+$0x3A0] =	vst v18  }
0x91: {  	v18 =	vld [tilespmem:s25+$0xFFFFE970]  }
0x92: {  	v3 =	vmul.f32 v17, v3;
	v4 =	vmul.f32 v34, v4;
	v52 =	vld [tilespmem:s25+$0xFFFFF570]  }
0x93: {  	v1 =	vmul.f32 v36, v1;
	v2 =	vmul.f32 v37, v2;
	v53 =	vld [tilespmem:s25+$0x170]  }
0x94: {  	v3 =	vadd.f32 v4, v3;
	v54 =	vmul.f32 v39, v6;
	v55 =	vmul.f32 v42, v8;
	v56 =	vld [tilespmem:s25+$0xD70]  }
0x95: {  	v1 =	vadd.f32 v2, v1;
	v2 =	vmul.f32 v45, v5;
	v57 =	vmul.f32 v46, v7  }
0x96: {  	v4 =	vadd.f32 v55, v54;
	v58 =	vmul.f32 v48, v9;
	v59 =	vmul.f32 v49, v11  }
0x97: {  	v2 =	vadd.f32 v57, v2;
	v60 =	vmul.f32 v50, v10;
	v61 =	vmul.f32 v51, v12  }
0x98: {  	v1 =	vadd.f32 v1, v3;
	v3 =	vmul.f32 v18, v13;
	v62 =	vmul.f32 v52, v14  }
0x99: {  	v2 =	vadd.f32 v2, v4;
	v63 =	vmul.f32 v53, v15;
	v8 =	vmul.f32 v56, v16  }
0x9a: {  	p0 =	slt.u32 s28, $0x1C;
	v6 =	vadd.f32 v59, v58;
	v5 =	vadd.f32 v61, v60  }
.Ltmp0:
0x9b: {  	v3 =	vadd.f32 v62, v3;
	v4 =	vadd.f32 v8, v63;
	(pc) =	sbr.rel @p0 .LBB2_4-.Ltmp0, $4  }
0x9c: {  	[tilespmem:s26+$0xFFFFF990] =	vst v1;
	v1 =	vadd.f32 v5, v6  }
0x9d: {  	[tilespmem:s26+$0xFFFFFCF0] =	vst v2;
	v2 =	vadd.f32 v4, v3  }
0x9e: {  	s31 =	sadd.s32 $0x4, s28;
	[tilespmem:s26+$0x50] =	vst v1  }
0x9f: {  	s28 =	smov.u32 s31;
	s25 =	sadd.s32 $0x180, s25;
	[tilespmem:s26+$0x3B0] =	vst v2;
	s26 =	sadd.s32 $0xD80, s26  }
0xa0: {  	s24 =	sadd.s32 $0x100, s24  }
0xa1: {  	[tilespmem:s12], [sflag:$0x1] =	stream.indirect.gather [hbm4b:s1+s11], $0x60, s24, s11, $0xb8;
	[tilespmem:$0xD500] =	vst v63  }
0xa2: {  	s23 =	sadd.s32 $0x480, s23;
	_ =	swait.ge [sflag:s15], $0x3000  }
0xa3: {  	v0 =	vmov s23;
	[sflag:s15] =	ssyncset.done $0x0  }
0xa4: {  	s28 =	simm.s32 $0x5E70;
	[sflag:s15] =	ssyncadd.s32 $0xFFFFD000  }
0xa5: {  	v1 =	vld [tilespmem:s28+$0xFFFFDBB0]  }
0xa6: {  	s31 =	simm.s32 $0x0;
	v7 =	vld [tilespmem:s28+$0xFFFFE7B0]  }
0xa7: {  	s25 =	simm.s32 $0x0;
	s0 =	sand.u32 $0x10, s31;
	v8 =	vld [tilespmem:s28+$0xFFFFF3B0]  }
0xa8: {  	s25 =	sand.u32 $0xFFFFFFF0, s25;
	v2 =	vld.idx.msk [tilespmem:v0+s0+$0x0 ss:$0x1], $0xffff  }
0xa9: {  	s25 =	ssub.s32 $0xFFFFFFFC, s25;
	v3 =	vld.idx.msk [tilespmem:v0+s0+$0x20 ss:$0x1], $0xffff  }
0xaa: {  	s26 =	sadd.s32 $0x7, s25;
	v4 =	vld.idx.msk [tilespmem:v0+s0+$0x40 ss:$0x1], $0xffff  }
0xab: {  	v6 =	vmov s26;
	v5 =	vld.idx.msk [tilespmem:v0+s0+$0x60 ss:$0x1], $0xffff  }
0xac: {  	v6 =	vand.u32 $0xF, v6;
	v9 =	vld [tilespmem:s28+$0xFFFFFFB0]  }
0xad: {  	v10 =	vld [tilespmem:s28+$0xFFFFE690];
	v6 =	vbroadcast v6, $0x0  }
0xae: {  	v11 =	vld [tilespmem:s28+$0xFFFFF290]  }
0xaf: {  	v12 =	vld [tilespmem:s28+$0xFFFFFE90];
	v28 =	vperm.xlane v2, v6;
	v24 =	vperm.xlane v3, v6  }
0xb0: {  	v13 =	vld [tilespmem:s28+$0xFFFFE6F0];
	v25 =	vperm.xlane v4, v6;
	v23 =	vperm.xlane v5, v6  }
0xb1: {  	s24 =	simm.s32 $0x4;
	v14 =	vld [tilespmem:s28+$0xFFFFF2F0];
	v1 =	vmul.f32 v1, v28;
	v7 =	vmul.f32 v7, v24  }
0xb2: {  	v15 =	vld [tilespmem:s28+$0xFFFFFEF0];
	s0 =	sand.u32 $0x10, s24;
	v8 =	vmul.f32 v8, v25;
	v9 =	vmul.f32 v9, v23  }
0xb3: {  	v46 =	vld.idx.msk [tilespmem:v0+s0+$0x40 ss:$0x1], $0xffff  }
0xb4: {  	v47 =	vld.idx.msk [tilespmem:v0+s0+$0x60 ss:$0x1], $0xffff;
	v1 =	vadd.f32 v7, v1;
	v7 =	vadd.f32 v9, v8  }
0xb5: {  	s23 =	sand.u32 $0xC, s31;
	v6 =	vld [tilespmem:s28+$0xFFFFDA90]  }
0xb6: {  	s30 =	sadd.s32 $0x5, s25;
	v9 =	vld [tilespmem:s28+$0xFFFFDAF0];
	v1 =	vadd.f32 v7, v1;
	v7 =	vmov s23;
	s23 =	simm.s32 $0x5FF0  }
0xb7: {  	v8 =	vmov s30;
	v43 =	vld [tilespmem:s23+$0xFFFFE690]  }
0xb8: {  	v8 =	vand.u32 $0xF, v8;
	v44 =	vld [tilespmem:s23+$0xFFFFF290]  }
0xb9: {  	v8 =	vbroadcast v8, $0x0;
	v27 =	vperm.xlane v2, v7;
	v45 =	vld [tilespmem:s23+$0xFFFFDAF0]  }
0xba: {  	v26 =	vperm.xlane v3, v7;
	v19 =	vperm.xlane v4, v7;
	v48 =	vld [tilespmem:s23+$0xFFFFE6F0];
	[tilespmem:s22+$0x360] =	vst v1  }
0xbb: {  	v20 =	vperm.xlane v5, v7;
	v18 =	vperm.xlane v2, v8;
	v1 =	vld [tilespmem:s28+$0xFFFFDBC0]  }
0xbc: {  	v17 =	vperm.xlane v3, v8;
	v21 =	vperm.xlane v4, v8;
	v7 =	vld [tilespmem:s28+$0xFFFFE7C0]  }
0xbd: {  	v6 =	vmul.f32 v6, v27;
	v10 =	vmul.f32 v10, v26;
	v16 =	vld [tilespmem:s28+$0xFFFFF3C0]  }
0xbe: {  	v11 =	vmul.f32 v11, v19;
	v12 =	vmul.f32 v12, v20;
	v29 =	vld [tilespmem:s28+$0xFFFFFFC0]  }
0xbf: {  	v50 =	vld [tilespmem:s23+$0xFFFFF2F0];
	v22 =	vperm.xlane v5, v8;
	v8 =	vmul.f32 v9, v18  }
0xc0: {  	v54 =	vld [tilespmem:s23+$0xFFFFDB50];
	v9 =	vmul.f32 v13, v17;
	v6 =	vadd.f32 v10, v6;
	v10 =	vadd.f32 v12, v11  }
0xc1: {  	v13 =	vmul.f32 v15, v22;
	v15 =	vld [tilespmem:s28+$0xFFFFF350];
	v12 =	vmul.f32 v14, v21  }
0xc2: {  	s31 =	sadd.s32 $0x6, s25;
	v11 =	vld [tilespmem:s28+$0xFFFFDB50];
	v6 =	vadd.f32 v10, v6;
	v1 =	vmul.f32 v1, v28;
	v7 =	vmul.f32 v7, v24  }
0xc3: {  	v14 =	vld [tilespmem:s28+$0xFFFFE750];
	v10 =	vmov s31;
	v16 =	vmul.f32 v16, v25;
	v29 =	vmul.f32 v29, v23  }
0xc4: {  	v8 =	vadd.f32 v9, v8;
	v9 =	vld [tilespmem:s28+$0xFFFFFF50];
	v12 =	vadd.f32 v13, v12;
	v10 =	vand.u32 $0xF, v10;
	[tilespmem:s22+$0xFFFFF940] =	vst v6  }
0xc5: {  	v6 =	vbroadcast v10, $0x0;
	v10 =	vld [tilespmem:s28+$0xFFFFDAA0];
	v7 =	vadd.f32 v7, v1;
	v13 =	vadd.f32 v29, v16  }
0xc6: {  	v8 =	vadd.f32 v12, v8;
	v12 =	vld [tilespmem:s28+$0xFFFFE6A0]  }
0xc7: {  	v61 =	vld [tilespmem:s28+$0xFFFFF2A0];
	v16 =	vperm.xlane v2, v6;
	v1 =	vperm.xlane v3, v6;
	v7 =	vadd.f32 v13, v7  }
0xc8: {  	v2 =	vperm.xlane v4, v6;
	v3 =	vperm.xlane v5, v6;
	[tilespmem:s22+$0xFFFFFCA0] =	vst v8;
	v4 =	vld [tilespmem:s28+$0xFFFFFEA0]  }
0xc9: {  	v8 =	vld [tilespmem:s28+$0xFFFFDB00];
	v5 =	vmul.f32 v11, v16;
	v6 =	vmul.f32 v14, v1;
	[tilespmem:s22+$0x370] =	vst v7  }
0xca: {  	v9 =	vmul.f32 v9, v3;
	v7 =	vmul.f32 v15, v2;
	v11 =	vld [tilespmem:s28+$0xFFFFDBD0]  }
0xcb: {  	v13 =	vld [tilespmem:s28+$0xFFFFE7D0]  }
0xcc: {  	v5 =	vadd.f32 v6, v5;
	v6 =	vadd.f32 v9, v7;
	v7 =	vld [tilespmem:s28+$0xFFFFF3D0]  }
0xcd: {  	v9 =	vmul.f32 v10, v27;
	v10 =	vmul.f32 v12, v26;
	v12 =	vld [tilespmem:s28+$0xFFFFFFD0]  }
0xce: {  	v14 =	vld [tilespmem:s28+$0xFFFFE700];
	v4 =	vmul.f32 v4, v20;
	v5 =	vadd.f32 v6, v5;
	v6 =	vmul.f32 v61, v19  }
0xcf: {  	v15 =	vld [tilespmem:s28+$0xFFFFF300]  }
0xd0: {  	[tilespmem:s22+$0x0] =	vst v5;
	v5 =	vadd.f32 v10, v9;
	v4 =	vadd.f32 v4, v6;
	v6 =	vld [tilespmem:s28+$0xFFFFFF00]  }
0xd1: {  	v10 =	vmul.f32 v11, v28;
	v11 =	vmul.f32 v13, v24;
	v9 =	vld [tilespmem:s28+$0xFFFFDB60]  }
0xd2: {  	v7 =	vmul.f32 v7, v25;
	v12 =	vmul.f32 v12, v23;
	v13 =	vld [tilespmem:s28+$0xFFFFF360];
	v4 =	vadd.f32 v4, v5  }
0xd3: {  	v5 =	vld [tilespmem:s28+$0xFFFFE760]  }
0xd4: {  	v10 =	vadd.f32 v11, v10;
	v7 =	vadd.f32 v12, v7;
	[tilespmem:s22+$0xFFFFF950] =	vst v4;
	v4 =	vld [tilespmem:s28+$0xFFFFFF60]  }
0xd5: {  	v8 =	vmul.f32 v8, v18;
	v11 =	vmul.f32 v14, v17;
	v12 =	vld [tilespmem:s28+$0xFFFFDAB0]  }
0xd6: {  	v14 =	vmul.f32 v15, v21;
	v6 =	vmul.f32 v6, v22;
	v15 =	vld [tilespmem:s28+$0xFFFFE6B0];
	v7 =	vadd.f32 v7, v10  }
0xd7: {  	v10 =	vld [tilespmem:s28+$0xFFFFF2B0]  }
0xd8: {  	v8 =	vadd.f32 v11, v8;
	v11 =	vld [tilespmem:s28+$0xFFFFFEB0];
	v6 =	vadd.f32 v6, v14;
	[tilespmem:s22+$0x380] =	vst v7  }
0xd9: {  	v7 =	vmul.f32 v9, v16;
	v5 =	vmul.f32 v5, v1;
	v9 =	vld [tilespmem:s28+$0xFFFFDBE0]  }
0xda: {  	v13 =	vmul.f32 v13, v2;
	v14 =	vld [tilespmem:s28+$0xFFFFF3E0];
	v6 =	vadd.f32 v6, v8;
	v4 =	vmul.f32 v4, v3  }
0xdb: {  	v8 =	vld [tilespmem:s28+$0xFFFFE7E0];
	v5 =	vadd.f32 v5, v7  }
0xdc: {  	v7 =	vmul.f32 v12, v27;
	v12 =	vmul.f32 v15, v26;
	[tilespmem:s22+$0xFFFFFCB0] =	vst v6;
	v4 =	vadd.f32 v4, v13;
	v6 =	vld [tilespmem:s28+$0xFFFFFFE0]  }
0xdd: {  	v10 =	vmul.f32 v10, v19;
	v13 =	vld [tilespmem:s28+$0xFFFFDB10]  }
0xde: {  	v11 =	vmul.f32 v11, v20;
	v7 =	vadd.f32 v12, v7;
	v12 =	vld [tilespmem:s28+$0xFFFFF310];
	v4 =	vadd.f32 v4, v5  }
0xdf: {  	v5 =	vld [tilespmem:s28+$0xFFFFE710]  }
0xe0: {  	v10 =	vadd.f32 v11, v10;
	v9 =	vmul.f32 v9, v28;
	v14 =	vmul.f32 v14, v25;
	[tilespmem:s22+$0x10] =	vst v4;
	v4 =	vld [tilespmem:s28+$0xFFFFFF10]  }
0xe1: {  	v8 =	vmul.f32 v8, v24;
	v11 =	vld [tilespmem:s28+$0xFFFFDB70];
	v6 =	vmul.f32 v6, v23  }
0xe2: {  	v7 =	vadd.f32 v10, v7;
	v10 =	vld [tilespmem:s28+$0xFFFFE770]  }
0xe3: {  	v15 =	vld [tilespmem:s28+$0xFFFFF370];
	v8 =	vadd.f32 v8, v9;
	v6 =	vadd.f32 v6, v14  }
0xe4: {  	[tilespmem:s22+$0xFFFFF960] =	vst v7;
	v7 =	vld [tilespmem:s28+$0xFFFFFF70]  }
0xe5: {  	v9 =	vld [tilespmem:s28+$0xFFFFDAC0];
	v6 =	vadd.f32 v6, v8  }
0xe6: {  	v13 =	vmul.f32 v13, v18;
	v5 =	vmul.f32 v5, v17;
	v14 =	vld [tilespmem:s28+$0xFFFFF2C0]  }
0xe7: {  	v8 =	vld [tilespmem:s28+$0xFFFFE6C0];
	v4 =	vmul.f32 v4, v22;
	[tilespmem:s22+$0x390] =	vst v6;
	v6 =	vmul.f32 v12, v21  }
0xe8: {  	v12 =	vld [tilespmem:s28+$0xFFFFDBF0]  }
0xe9: {  	v5 =	vadd.f32 v5, v13;
	v62 =	vld [tilespmem:s28+$0xFFFFE7F0];
	v4 =	vadd.f32 v4, v6  }
0xea: {  	v11 =	vmul.f32 v11, v16;
	v10 =	vmul.f32 v10, v1;
	v13 =	vld [tilespmem:s28+$0xFFFFFFF0]  }
0xeb: {  	v15 =	vmul.f32 v15, v2;
	v6 =	vld [tilespmem:s28+$0xFFFFF3F0];
	v4 =	vadd.f32 v4, v5;
	v5 =	vmul.f32 v7, v3  }
0xec: {  	v7 =	vld [tilespmem:s28+$0xFFFFFEC0]  }
0xed: {  	v55 =	vld [tilespmem:s23+$0xFFFFE750];
	v10 =	vadd.f32 v10, v11;
	[tilespmem:s22+$0xFFFFFCC0] =	vst v4;
	v4 =	vadd.f32 v5, v15  }
0xee: {  	v9 =	vmul.f32 v9, v27;
	v8 =	vmul.f32 v8, v26;
	v5 =	vld [tilespmem:s28+$0xFFFFDB20]  }
0xef: {  	v11 =	vmul.f32 v12, v28;
	v12 =	vmul.f32 v62, v24;
	v15 =	vld [tilespmem:s28+$0xFFFFF320];
	v4 =	vadd.f32 v4, v10  }
0xf0: {  	v13 =	vmul.f32 v13, v23;
	v6 =	vmul.f32 v6, v25;
	v10 =	vld [tilespmem:s28+$0xFFFFE720]  }
0xf1: {  	v14 =	vmul.f32 v14, v19;
	v8 =	vadd.f32 v8, v9;
	v7 =	vmul.f32 v7, v20;
	[tilespmem:s22+$0x20] =	vst v4;
	v4 =	vld [tilespmem:s28+$0xFFFFFF20]  }
0xf2: {  	v11 =	vadd.f32 v12, v11;
	v6 =	vadd.f32 v13, v6;
	v9 =	vld [tilespmem:s28+$0xFFFFDB80]  }
0xf3: {  	v7 =	vadd.f32 v7, v14;
	v12 =	vld [tilespmem:s28+$0xFFFFE780]  }
0xf4: {  	v6 =	vadd.f32 v6, v11;
	v11 =	vld [tilespmem:s28+$0xFFFFF380]  }
0xf5: {  	v14 =	vld.idx.msk [tilespmem:v0+s0+$0x20 ss:$0x1], $0xffff;
	v7 =	vadd.f32 v7, v8  }
0xf6: {  	v8 =	vld [tilespmem:s28+$0xFFFFFF80];
	[tilespmem:s22+$0x3A0] =	vst v6  }
0xf7: {  	v33 =	vld [tilespmem:s28+$0xFFFFDC00];
	[tilespmem:s22+$0xFFFFF970] =	vst v7  }
0xf8: {  	v5 =	vmul.f32 v5, v18;
	v6 =	vmul.f32 v10, v17;
	v10 =	vld [tilespmem:s28+$0xFFFFDAD0]  }
0xf9: {  	v7 =	vmul.f32 v15, v21;
	v4 =	vmul.f32 v4, v22;
	v13 =	vld [tilespmem:s28+$0xFFFFE6D0]  }
0xfa: {  	v5 =	vadd.f32 v6, v5;
	v6 =	vld [tilespmem:s28+$0xFFFFF2D0]  }
0xfb: {  	v4 =	vadd.f32 v4, v7;
	v7 =	vmul.f32 v9, v16;
	v9 =	vmul.f32 v12, v1;
	v12 =	vld [tilespmem:s28+$0xFFFFFED0]  }
0xfc: {  	v34 =	vld [tilespmem:s28+$0xFFFFE800]  }
0xfd: {  	v36 =	vld [tilespmem:s28+$0xFFFFF400];
	v4 =	vadd.f32 v4, v5  }
0xfe: {  	v35 =	vld [tilespmem:s28+$0x0];
	v11 =	vmul.f32 v11, v2;
	v5 =	vmul.f32 v8, v3;
	v7 =	vadd.f32 v9, v7  }
0xff: {  	[tilespmem:s22+$0xFFFFFCD0] =	vst v4;
	v8 =	vmul.f32 v10, v27;
	v9 =	vmul.f32 v13, v26;
	v13 =	vld.idx.msk [tilespmem:v0+s0+$0x0 ss:$0x1], $0xffff  }
0x100: {  	s26 =	simm.s32 $0x4;
	v4 =	vadd.f32 v5, v11;
	v6 =	vmul.f32 v6, v19;
	v5 =	vld [tilespmem:s28+$0xFFFFDB30];
	v10 =	vmul.f32 v12, v20  }
0x101: {  	s29 =	sand.u32 $0xFFFFFFF0, s26;
	v11 =	vld [tilespmem:s28+$0xFFFFF330]  }
0x102: {  	s29 =	ssub.s32 $0x0, s29;
	v12 =	vld [tilespmem:s23+$0xFFFFFFB0];
	v8 =	vadd.f32 v9, v8;
	v6 =	vadd.f32 v10, v6  }
0x103: {  	s30 =	sadd.s32 $0x7, s29;
	v4 =	vadd.f32 v4, v7;
	v7 =	vld [tilespmem:s28+$0xFFFFE730]  }
0x104: {  	v9 =	vld [tilespmem:s23+$0xFFFFE7B0];
	v6 =	vadd.f32 v6, v8;
	v8 =	vmov s30  }
0x105: {  	v10 =	vld [tilespmem:s23+$0xFFFFF3B0];
	v8 =	vand.u32 $0xF, v8  }
0x106: {  	[tilespmem:s22+$0xFFFFF980] =	vst v6;
	v6 =	vld [tilespmem:s23+$0xFFFFDBB0];
	v8 =	vbroadcast v8, $0x0  }
0x107: {  	[tilespmem:s22+$0x30] =	vst v4;
	v4 =	vld [tilespmem:s28+$0xFFFFFF30];
	v5 =	vmul.f32 v5, v18;
	v11 =	vmul.f32 v11, v21  }
0x108: {  	v15 =	vld [tilespmem:s23+$0xFFFFDA90];
	v32 =	vperm.xlane v14, v8;
	v29 =	vperm.xlane v46, v8  }
0x109: {  	v39 =	vld [tilespmem:s28+$0xFFFFDB90];
	v31 =	vperm.xlane v13, v8;
	v30 =	vperm.xlane v47, v8  }
0x10a: {  	s31 =	sadd.s32 $0x5, s29;
	v40 =	vld [tilespmem:s28+$0xFFFFE790];
	v9 =	vmul.f32 v9, v32;
	v10 =	vmul.f32 v10, v29  }
0x10b: {  	v49 =	vmov s31;
	v41 =	vld [tilespmem:s28+$0xFFFFF390];
	s30 =	sand.u32 $0xC, s24;
	v12 =	vmul.f32 v12, v30;
	v6 =	vmul.f32 v6, v31  }
0x10c: {  	v42 =	vld [tilespmem:s28+$0xFFFFFF90];
	v52 =	vmov s30;
	v7 =	vmul.f32 v7, v17;
	v51 =	vmul.f32 v4, v22  }
0x10d: {  	v37 =	vld [tilespmem:s28+$0xFFFFDAE0];
	v4 =	vand.u32 $0xF, v49;
	v6 =	vadd.f32 v9, v6;
	v9 =	vadd.f32 v12, v10  }
0x10e: {  	v38 =	vld [tilespmem:s28+$0xFFFFE6E0];
	v53 =	vbroadcast v4, $0x0;
	v4 =	vperm.xlane v46, v52  }
0x10f: {  	v24 =	vmul.f32 v34, v24;
	v8 =	vld [tilespmem:s23+$0xFFFFFE90];
	v7 =	vadd.f32 v7, v5;
	v9 =	vadd.f32 v9, v6  }
0x110: {  	s25 =	sadd.s32 $0xD80, s22;
	v49 =	vld [tilespmem:s23+$0xFFFFFEF0];
	v11 =	vadd.f32 v51, v11;
	v5 =	vperm.xlane v13, v53;
	v44 =	vmul.f32 v44, v4  }
0x111: {  	v51 =	vld [tilespmem:s23+$0xFFFFF350];
	v10 =	vperm.xlane v13, v52;
	v12 =	vperm.xlane v14, v52;
	[tilespmem:s25+$0x360] =	vst v9  }
0x112: {  	v11 =	vadd.f32 v11, v7;
	v7 =	vperm.xlane v46, v53;
	v6 =	vperm.xlane v47, v52;
	v63 =	vld [tilespmem:s23+$0xFFFFDBC0]  }
0x113: {  	v15 =	vmul.f32 v15, v10;
	v43 =	vmul.f32 v43, v12;
	v57 =	vld [tilespmem:s23+$0xFFFFE7C0]  }
0x114: {  	v56 =	vmul.f32 v8, v6;
	v8 =	vperm.xlane v14, v53;
	v59 =	vld [tilespmem:s23+$0xFFFFF3C0]  }
0x115: {  	v45 =	vmul.f32 v45, v5;
	[tilespmem:s22+$0xFFFFFCE0] =	vst v11;
	v9 =	vperm.xlane v47, v53;
	v61 =	vld [tilespmem:s23+$0xFFFFFFC0]  }
0x116: {  	v34 =	vld [tilespmem:s28+$0xFFFFFF40];
	v15 =	vadd.f32 v43, v15;
	v60 =	vadd.f32 v56, v44;
	v48 =	vmul.f32 v48, v8  }
0x117: {  	s29 =	sadd.s32 $0x6, s29;
	v50 =	vmul.f32 v50, v7;
	v43 =	vld [tilespmem:s28+$0xFFFFF2E0];
	v49 =	vmul.f32 v49, v9  }
0x118: {  	v58 =	vmov s29;
	v56 =	vld [tilespmem:s23+$0xFFFFFF50];
	v15 =	vadd.f32 v60, v15;
	v48 =	vadd.f32 v48, v45  }
0x119: {  	v44 =	vld [tilespmem:s28+$0xFFFFDB40];
	v49 =	vadd.f32 v49, v50;
	v50 =	vmul.f32 v63, v31;
	v52 =	vmul.f32 v57, v32  }
0x11a: {  	v62 =	vand.u32 $0xF, v58;
	v45 =	vld [tilespmem:s28+$0xFFFFFEE0];
	[tilespmem:s25+$0xFFFFF940] =	vst v15;
	v59 =	vmul.f32 v59, v29;
	v53 =	vmul.f32 v61, v30  }
0x11b: {  	v58 =	vbroadcast v62, $0x0;
	v48 =	vadd.f32 v49, v48;
	v57 =	vld [tilespmem:s23+$0xFFFFDAA0]  }
0x11c: {  	v49 =	vld [tilespmem:s23+$0xFFFFE6A0];
	v50 =	vadd.f32 v52, v50;
	v63 =	vadd.f32 v53, v59  }
0x11d: {  	v11 =	vperm.xlane v13, v58;
	v13 =	vperm.xlane v47, v58;
	v60 =	vld [tilespmem:s23+$0xFFFFF2A0]  }
0x11e: {  	v15 =	vperm.xlane v14, v58;
	v14 =	vperm.xlane v46, v58;
	v46 =	vld [tilespmem:s23+$0xFFFFFEA0];
	[tilespmem:s25+$0xFFFFFCA0] =	vst v48;
	v50 =	vadd.f32 v63, v50  }
0x11f: {  	v58 =	vmul.f32 v54, v11;
	v61 =	vmul.f32 v56, v13;
	v53 =	vld [tilespmem:s23+$0xFFFFDB00]  }
0x120: {  	v59 =	vmul.f32 v55, v15;
	v51 =	vmul.f32 v51, v14;
	v54 =	vld [tilespmem:s23+$0xFFFFE700];
	[tilespmem:s25+$0x370] =	vst v50  }
0x121: {  	v50 =	vld [tilespmem:s23+$0xFFFFDBD0]  }
0x122: {  	v47 =	vadd.f32 v59, v58;
	v62 =	vadd.f32 v61, v51;
	v52 =	vld [tilespmem:s23+$0xFFFFE7D0]  }
0x123: {  	v63 =	vmul.f32 v57, v10;
	v49 =	vmul.f32 v49, v12;
	v61 =	vld [tilespmem:s23+$0xFFFFF3D0]  }
0x124: {  	v47 =	vadd.f32 v62, v47;
	v60 =	vmul.f32 v60, v4;
	v46 =	vmul.f32 v46, v6;
	v57 =	vld [tilespmem:s23+$0xFFFFFFD0]  }
0x125: {  	v55 =	vld [tilespmem:s23+$0xFFFFF300]  }
0x126: {  	v48 =	vld [tilespmem:s23+$0xFFFFFF00];
	[tilespmem:s25+$0x0] =	vst v47;
	v62 =	vadd.f32 v49, v63;
	v46 =	vadd.f32 v46, v60  }
0x127: {  	v49 =	vld [tilespmem:s23+$0xFFFFDB60]  }
0x128: {  	v51 =	vld [tilespmem:s23+$0xFFFFE760];
	v46 =	vadd.f32 v46, v62;
	v63 =	vmul.f32 v50, v31;
	v60 =	vmul.f32 v52, v32  }
0x129: {  	v58 =	vld [tilespmem:s23+$0xFFFFF360];
	v61 =	vmul.f32 v61, v29;
	v62 =	vmul.f32 v57, v30  }
0x12a: {  	[tilespmem:s25+$0xFFFFF950] =	vst v46;
	v52 =	vld [tilespmem:s23+$0xFFFFFF60]  }
0x12b: {  	v57 =	vld [tilespmem:s23+$0xFFFFDAB0];
	v47 =	vadd.f32 v60, v63;
	v46 =	vadd.f32 v62, v61  }
0x12c: {  	v59 =	vld [tilespmem:s23+$0xFFFFE6B0]  }
0x12d: {  	v55 =	vmul.f32 v55, v7;
	v48 =	vmul.f32 v48, v9;
	v56 =	vld [tilespmem:s23+$0xFFFFFEB0];
	v47 =	vadd.f32 v46, v47  }
0x12e: {  	v63 =	vmul.f32 v53, v5;
	v60 =	vmul.f32 v54, v8;
	v54 =	vld [tilespmem:s23+$0xFFFFF2B0]  }
0x12f: {  	v46 =	vld [tilespmem:s28+$0xFFFFE740];
	[tilespmem:s25+$0x380] =	vst v47  }
0x130: {  	v48 =	vadd.f32 v48, v55;
	v49 =	vmul.f32 v49, v11;
	v50 =	vadd.f32 v60, v63;
	v53 =	vld [tilespmem:s23+$0xFFFFDBE0]  }
0x131: {  	v51 =	vmul.f32 v51, v15;
	v62 =	vmul.f32 v52, v13;
	v52 =	vld [tilespmem:s23+$0xFFFFE7E0]  }
0x132: {  	v61 =	vmul.f32 v58, v14;
	v48 =	vadd.f32 v48, v50;
	v58 =	vld [tilespmem:s23+$0xFFFFF3E0]  }
0x133: {  	v49 =	vadd.f32 v51, v49;
	v50 =	vld [tilespmem:s23+$0xFFFFFFE0]  }
0x134: {  	v47 =	vld [tilespmem:s28+$0xFFFFF340];
	v60 =	vmul.f32 v57, v10;
	v63 =	vadd.f32 v62, v61;
	v61 =	vmul.f32 v59, v12;
	[tilespmem:s25+$0xFFFFFCB0] =	vst v48  }
0x135: {  	v56 =	vmul.f32 v56, v6;
	v54 =	vmul.f32 v54, v4;
	v62 =	vld [tilespmem:s23+$0xFFFFDB10]  }
0x136: {  	v48 =	vadd.f32 v63, v49;
	v49 =	vld [tilespmem:s23+$0xFFFFE710];
	v51 =	vadd.f32 v61, v60  }
0x137: {  	v63 =	vld [tilespmem:s23+$0xFFFFF310];
	v54 =	vadd.f32 v56, v54;
	v53 =	vmul.f32 v53, v31;
	v52 =	vmul.f32 v52, v32  }
0x138: {  	[tilespmem:s25+$0x10] =	vst v48;
	v48 =	vld [tilespmem:s23+$0xFFFFFF10];
	v58 =	vmul.f32 v58, v29;
	v50 =	vmul.f32 v50, v30  }
0x139: {  	v51 =	vadd.f32 v54, v51;
	v56 =	vld [tilespmem:s23+$0xFFFFDB70]  }
0x13a: {  	v54 =	vld [tilespmem:s23+$0xFFFFE770];
	v52 =	vadd.f32 v52, v53;
	v50 =	vadd.f32 v50, v58  }
0x13b: {  	v60 =	vld [tilespmem:s23+$0xFFFFF370]  }
0x13c: {  	v61 =	vld [tilespmem:s23+$0xFFFFFF70];
	[tilespmem:s25+$0xFFFFF960] =	vst v51;
	v50 =	vadd.f32 v50, v52  }
0x13d: {  	v62 =	vmul.f32 v62, v5;
	v49 =	vmul.f32 v49, v8;
	v57 =	vld [tilespmem:s23+$0xFFFFDAC0]  }
0x13e: {  	v63 =	vmul.f32 v63, v7;
	v55 =	vld [tilespmem:s23+$0xFFFFE6C0];
	v48 =	vmul.f32 v48, v9;
	[tilespmem:s25+$0x390] =	vst v50  }
0x13f: {  	v50 =	vld [tilespmem:s23+$0xFFFFDBF0]  }
0x140: {  	v49 =	vadd.f32 v49, v62;
	v53 =	vmul.f32 v54, v15;
	v48 =	vadd.f32 v48, v63;
	v54 =	vld [tilespmem:s23+$0xFFFFE7F0]  }
0x141: {  	v52 =	vmul.f32 v56, v11;
	v62 =	vld [tilespmem:s23+$0xFFFFF3F0]  }
0x142: {  	v60 =	vmul.f32 v60, v14;
	v61 =	vmul.f32 v61, v13;
	v63 =	vld [tilespmem:s23+$0xFFFFFFF0];
	v48 =	vadd.f32 v48, v49  }
0x143: {  	v28 =	vmul.f32 v33, v28;
	v39 =	vmul.f32 v39, v16;
	v58 =	vld [tilespmem:s23+$0xFFFFF2C0]  }
0x144: {  	v40 =	vmul.f32 v40, v1;
	v52 =	vadd.f32 v53, v52;
	v60 =	vadd.f32 v61, v60;
	v49 =	vld [tilespmem:s23+$0xFFFFFEC0];
	[tilespmem:s25+$0xFFFFFCC0] =	vst v48  }
0x145: {  	v41 =	vmul.f32 v41, v2;
	v42 =	vmul.f32 v42, v3;
	v53 =	vld [tilespmem:s23+$0xFFFFDB20]  }
0x146: {  	v48 =	vadd.f32 v60, v52;
	v52 =	vld [tilespmem:s23+$0xFFFFE720];
	v50 =	vmul.f32 v50, v31;
	v54 =	vmul.f32 v54, v32  }
0x147: {  	v56 =	vld [tilespmem:s23+$0xFFFFF320];
	v51 =	vmul.f32 v62, v29;
	v59 =	vmul.f32 v63, v30  }
0x148: {  	v25 =	vmul.f32 v36, v25;
	v39 =	vadd.f32 v40, v39;
	v61 =	vadd.f32 v42, v41;
	[tilespmem:s25+$0x20] =	vst v48;
	v48 =	vld [tilespmem:s23+$0xFFFFFF20]  }
0x149: {  	v23 =	vmul.f32 v35, v23;
	v41 =	vld [tilespmem:s23+$0xFFFFDB80];
	v62 =	vadd.f32 v54, v50;
	v63 =	vadd.f32 v59, v51  }
0x14a: {  	v39 =	vadd.f32 v61, v39;
	v61 =	vmul.f32 v58, v4;
	v60 =	vmul.f32 v55, v12;
	v42 =	vld [tilespmem:s23+$0xFFFFFF80]  }
0x14b: {  	v49 =	vmul.f32 v49, v6;
	v50 =	vld [tilespmem:s23+$0xFFFFE780];
	v59 =	vmul.f32 v57, v10;
	v33 =	vadd.f32 v63, v62  }
0x14c: {  	v23 =	vadd.f32 v23, v25;
	v25 =	vmul.f32 v37, v27;
	v26 =	vmul.f32 v38, v26;
	[tilespmem:s22+$0x40] =	vst v39;
	v54 =	vld [tilespmem:s23+$0xFFFFF380]  }
0x14d: {  	v19 =	vmul.f32 v43, v19;
	v62 =	vadd.f32 v60, v59;
	v63 =	vadd.f32 v49, v61;
	[tilespmem:s25+$0x3A0] =	vst v33;
	v33 =	vld [tilespmem:s28+$0xFFFFDBA0]  }
0x14e: {  	v24 =	vadd.f32 v24, v28;
	v55 =	vmul.f32 v53, v5;
	v57 =	vmul.f32 v52, v8;
	v49 =	vld [tilespmem:s23+$0xFFFFDC00]  }
0x14f: {  	v58 =	vmul.f32 v56, v7;
	v59 =	vmul.f32 v48, v9;
	v35 =	vadd.f32 v63, v62;
	v60 =	vld [tilespmem:s23+$0xFFFFE800]  }
0x150: {  	v23 =	vadd.f32 v23, v24;
	v18 =	vmul.f32 v44, v18;
	v20 =	vmul.f32 v45, v20;
	v27 =	vld [tilespmem:s23+$0xFFFFF400]  }
0x151: {  	v17 =	vmul.f32 v46, v17;
	v61 =	vadd.f32 v57, v55;
	v62 =	vadd.f32 v59, v58;
	v63 =	vld [tilespmem:s23+$0x0];
	[tilespmem:s25+$0xFFFFF970] =	vst v35  }
0x152: {  	v25 =	vadd.f32 v26, v25;
	v24 =	vmul.f32 v41, v11;
	v53 =	vmul.f32 v42, v13;
	v51 =	vld [tilespmem:s23+$0xFFFFDAD0]  }
0x153: {  	v50 =	vmul.f32 v50, v15;
	v52 =	vmul.f32 v54, v14;
	v28 =	vadd.f32 v62, v61;
	v54 =	vld [tilespmem:s23+$0xFFFFE6D0]  }
0x154: {  	v19 =	vadd.f32 v20, v19;
	v20 =	vmul.f32 v47, v21;
	v21 =	vmul.f32 v34, v22;
	v26 =	vld [tilespmem:s23+$0xFFFFF2D0]  }
0x155: {  	v24 =	vadd.f32 v50, v24;
	v55 =	vadd.f32 v53, v52;
	v56 =	vld [tilespmem:s23+$0xFFFFFED0];
	[tilespmem:s25+$0xFFFFFCD0] =	vst v28  }
0x156: {  	v17 =	vadd.f32 v17, v18;
	v20 =	vadd.f32 v21, v20;
	v57 =	vld [tilespmem:s23+$0xFFFFDB30]  }
0x157: {  	v22 =	vadd.f32 v55, v24;
	v24 =	vld [tilespmem:s23+$0xFFFFE730];
	v18 =	vmul.f32 v49, v31;
	v58 =	vmul.f32 v60, v32  }
0x158: {  	v17 =	vadd.f32 v20, v17;
	v60 =	vld [tilespmem:s23+$0xFFFFFF30];
	v20 =	vmul.f32 v27, v29;
	v27 =	vmul.f32 v63, v30  }
0x159: {  	v59 =	vld [tilespmem:s23+$0xFFFFF330];
	[tilespmem:s25+$0x30] =	vst v22;
	v21 =	vmul.f32 v51, v10;
	v22 =	vmul.f32 v54, v12  }
0x15a: {  	v19 =	vadd.f32 v19, v25;
	v25 =	vmul.f32 v26, v4;
	v26 =	vmul.f32 v56, v6;
	v61 =	vld [tilespmem:s23+$0xFFFFDB90]  }
0x15b: {  	[tilespmem:s22+$0x3B0] =	vst v23;
	v62 =	vld [tilespmem:s23+$0xFFFFE790];
	v23 =	vadd.f32 v58, v18;
	v21 =	vadd.f32 v22, v21  }
0x15c: {  	[tilespmem:s22+$0xFFFFF990] =	vst v19;
	v63 =	vld [tilespmem:s23+$0xFFFFF390];
	v22 =	vadd.f32 v26, v25;
	v25 =	vadd.f32 v27, v20;
	v19 =	vmul.f32 v57, v5  }
0x15d: {  	v20 =	vld [tilespmem:s23+$0xFFFFFF90];
	v24 =	vmul.f32 v24, v8;
	v27 =	vmul.f32 v60, v9  }
0x15e: {  	v18 =	vld [tilespmem:s28+$0xFFFFE7A0];
	v26 =	vadd.f32 v22, v21;
	v23 =	vadd.f32 v25, v23;
	v25 =	vmul.f32 v59, v7  }
0x15f: {  	[tilespmem:s22+$0xFFFFFCF0] =	vst v17;
	v17 =	vld [tilespmem:s28+$0xFFFFF3A0];
	v22 =	vadd.f32 v24, v19  }
0x160: {  	v24 =	vmul.f32 v61, v11;
	v19 =	vld [tilespmem:s28+$0xFFFFFFA0];
	[tilespmem:s25+$0xFFFFF980] =	vst v26;
	v26 =	vadd.f32 v27, v25;
	v25 =	vmul.f32 v62, v15  }
0x161: {  	s29 =	simm.s32 $0x5FF0;
	v21 =	vmul.f32 v33, v16;
	s28 =	smov.u32 s22;
	[tilespmem:s25+$0x3B0] =	vst v23;
	v23 =	vmul.f32 v63, v14;
	v16 =	vld [tilespmem:s23+$0xFFFFDAE0]  }
.LBB2_6:
0x162: {  	v27 =	vld [tilespmem:s23+$0xFFFFE6E0];
	v22 =	vadd.f32 v26, v22;
	v24 =	vadd.f32 v25, v24;
	v20 =	vmul.f32 v20, v13;
	s29 =	sadd.s32 $0x180, s29;
	s30 =	smov.u32 s24;
	s24 =	sadd.s32 $0x4, s24  }
0x163: {  	s31 =	sand.u32 $0x10, s24;
	s0 =	sand.u32 $0xC, s24;
	v25 =	vld [tilespmem:s29+$0xFFFFDBB0];
	p0 =	slt.u32 s24, $0x1C;
	v18 =	vmul.f32 v18, v1;
	v1 =	vmov v15  }
0x164: {  	s26 =	sadd.s32 $0x4, s26;
	v15 =	vld.idx.msk [tilespmem:v0+s31+$0x0 ss:$0x1], $0xffff;
	v26 =	vmov s0;
	[tilespmem:s25+$0xFFFFFCE0] =	vst v22;
	v20 =	vadd.f32 v20, v23;
	v17 =	vmul.f32 v17, v2;
	v2 =	vmovc v14  }
0x165: {  	s0 =	sand.u32 $0xFFFFFFF0, s26;
	v14 =	vld.idx.msk [tilespmem:v0+s31+$0x20 ss:$0x1], $0xffff;
	v18 =	vadd.f32 v18, v21;
	v19 =	vmul.f32 v19, v3;
	v3 =	vmov v13  }
0x166: {  	s0 =	ssub.s32 s30, s0;
	v13 =	vld.idx.msk [tilespmem:v0+s31+$0x40 ss:$0x1], $0xffff;
	v10 =	vmul.f32 v16, v10;
	v16 =	vadd.f32 v20, v24  }
0x167: {  	s30 =	sadd.s32 $0x5, s0;
	v24 =	vld.idx.msk [tilespmem:v0+s31+$0x60 ss:$0x1], $0xffff;
	s31 =	sadd.s32 $0x6, s0;
	s0 =	sadd.s32 $0x7, s0;
	v12 =	vmul.f32 v27, v12;
	v17 =	vadd.f32 v19, v17  }
0x168: {  	v19 =	vmov s30;
	v20 =	vmov s31;
	v21 =	vmov s0;
	v22 =	vld [tilespmem:s29+$0xFFFFE7B0]  }
0x169: {  	v19 =	vand.u32 $0xF, v19;
	v20 =	vand.u32 $0xF, v20;
	v21 =	vand.u32 $0xF, v21;
	v23 =	vld [tilespmem:s29+$0xFFFFF3B0];
	[tilespmem:s25+$0x40] =	vst v16  }
0x16a: {  	v27 =	vbroadcast v19, $0x0;
	v29 =	vadd.f32 v12, v10;
	v21 =	vbroadcast v21, $0x0;
	v28 =	vld [tilespmem:s29+$0xFFFFFFB0]  }
0x16b: {  	v10 =	vperm.xlane v15, v26;
	v12 =	vadd.f32 v17, v18;
	v31 =	vbroadcast v20, $0x0;
	v30 =	vld [tilespmem:s29+$0xFFFFDA90]  }
0x16c: {  	v32 =	vld [tilespmem:s29+$0xFFFFE690];
	v18 =	vperm.xlane v15, v21;
	v19 =	vperm.xlane v14, v21  }
0x16d: {  	v16 =	vperm.xlane v13, v21;
	v17 =	vperm.xlane v24, v21;
	v33 =	vld [tilespmem:s29+$0xFFFFF290];
	[tilespmem:s28+$0x50] =	vst v12;
	s28 =	smov.u32 s25  }
0x16e: {  	v34 =	vld [tilespmem:s29+$0xFFFFFE90];
	v20 =	vmul.f32 v25, v18;
	v21 =	vmul.f32 v22, v19  }
0x16f: {  	v22 =	vmul.f32 v23, v16;
	v25 =	vld [tilespmem:s29+$0xFFFFDAF0];
	v23 =	vmul.f32 v28, v17  }
0x170: {  	v12 =	vperm.xlane v14, v26;
	v28 =	vperm.xlane v13, v26;
	v35 =	vld [tilespmem:s29+$0xFFFFE6F0]  }
0x171: {  	v26 =	vperm.xlane v24, v26;
	v20 =	vadd.f32 v21, v20;
	v36 =	vld [tilespmem:s29+$0xFFFFF2F0];
	v37 =	vadd.f32 v23, v22  }
0x172: {  	v38 =	vperm.xlane v15, v27;
	v23 =	vperm.xlane v14, v27;
	v39 =	vld [tilespmem:s29+$0xFFFFFEF0]  }
0x173: {  	v21 =	vperm.xlane v24, v27;
	v22 =	vperm.xlane v13, v27;
	v27 =	vld [tilespmem:s29+$0xFFFFDB50];
	v37 =	vadd.f32 v37, v20  }
0x174: {  	s25 =	sadd.s32 $0xD80, s25;
	v20 =	vperm.xlane v15, v31;
	v15 =	vperm.xlane v14, v31;
	v40 =	vld [tilespmem:s29+$0xFFFFE750]  }
0x175: {  	v14 =	vperm.xlane v13, v31;
	v13 =	vperm.xlane v24, v31;
	v24 =	vld [tilespmem:s29+$0xFFFFF350];
	[tilespmem:s25+$0x360] =	vst v37  }
0x176: {  	v30 =	vmul.f32 v30, v10;
	v31 =	vmul.f32 v32, v12;
	v32 =	vld [tilespmem:s29+$0xFFFFDBC0]  }
0x177: {  	v33 =	vmul.f32 v33, v28;
	v34 =	vmul.f32 v34, v26;
	v37 =	vld [tilespmem:s29+$0xFFFFE7C0]  }
0x178: {  	v25 =	vmul.f32 v25, v38;
	v30 =	vadd.f32 v31, v30;
	v31 =	vmul.f32 v35, v23;
	v35 =	vld [tilespmem:s29+$0xFFFFF3C0]  }
0x179: {  	v33 =	vadd.f32 v34, v33;
	v34 =	vmul.f32 v36, v22;
	v36 =	vmul.f32 v39, v21;
	v39 =	vld [tilespmem:s29+$0xFFFFFFC0]  }
0x17a: {  	v25 =	vadd.f32 v31, v25;
	v27 =	vmul.f32 v27, v20;
	v31 =	vmul.f32 v40, v15;
	v40 =	vld [tilespmem:s29+$0xFFFFFF50]  }
0x17b: {  	v30 =	vadd.f32 v33, v30;
	v33 =	vadd.f32 v36, v34;
	v24 =	vmul.f32 v24, v14;
	v34 =	vld [tilespmem:s23+$0xFFFFF2E0]  }
0x17c: {  	v27 =	vadd.f32 v31, v27;
	v31 =	vld [tilespmem:s23+$0xFFFFFEE0]  }
0x17d: {  	v25 =	vadd.f32 v33, v25;
	[tilespmem:s25+$0xFFFFF940] =	vst v30;
	v30 =	vmul.f32 v32, v18;
	v32 =	vmul.f32 v37, v19;
	v33 =	vld [tilespmem:s23+$0xFFFFDB40]  }
0x17e: {  	v35 =	vmul.f32 v35, v16;
	v36 =	vld [tilespmem:s29+$0xFFFFDAA0];
	v37 =	vmul.f32 v39, v17  }
0x17f: {  	v39 =	vld [tilespmem:s29+$0xFFFFE6A0];
	[tilespmem:s25+$0xFFFFFCA0] =	vst v25;
	v25 =	vmul.f32 v40, v13  }
0x180: {  	v30 =	vadd.f32 v32, v30;
	v40 =	vld [tilespmem:s29+$0xFFFFF2A0];
	v32 =	vadd.f32 v37, v35;
	v34 =	vmul.f32 v34, v4;
	v4 =	vmovc v28  }
0x181: {  	v28 =	vld [tilespmem:s29+$0xFFFFFEA0];
	v24 =	vadd.f32 v25, v24;
	v25 =	vmul.f32 v31, v6;
	v6 =	vmov v26  }
0x182: {  	v26 =	vld [tilespmem:s29+$0xFFFFDB00];
	v30 =	vadd.f32 v32, v30;
	v31 =	vmul.f32 v33, v5;
	v5 =	vmov v38  }
0x183: {  	v32 =	vmul.f32 v36, v10;
	v33 =	vld [tilespmem:s29+$0xFFFFE700];
	v24 =	vadd.f32 v24, v27;
	v25 =	vadd.f32 v25, v34  }
0x184: {  	v27 =	vmul.f32 v39, v12;
	v34 =	vld [tilespmem:s29+$0xFFFFF300];
	[tilespmem:s25+$0x370] =	vst v30  }
0x185: {  	v30 =	vmul.f32 v40, v4;
	[tilespmem:s25+$0x0] =	vst v24;
	v24 =	vld [tilespmem:s29+$0xFFFFDBD0];
	v25 =	vadd.f32 v25, v29  }
0x186: {  	v27 =	vadd.f32 v27, v32;
	v28 =	vmul.f32 v28, v6;
	v29 =	vld [tilespmem:s29+$0xFFFFE7D0]  }
0x187: {  	v26 =	vmul.f32 v26, v5;
	v32 =	vld [tilespmem:s29+$0xFFFFF3D0];
	[tilespmem:s28+$0xFFFFF990] =	vst v25  }
0x188: {  	v25 =	vadd.f32 v28, v30;
	v28 =	vmul.f32 v33, v23;
	v30 =	vld [tilespmem:s29+$0xFFFFFFD0]  }
0x189: {  	v33 =	vmul.f32 v34, v22;
	v34 =	vld [tilespmem:s29+$0xFFFFFF00]  }
0x18a: {  	v25 =	vadd.f32 v25, v27;
	v26 =	vadd.f32 v28, v26;
	v27 =	vld [tilespmem:s29+$0xFFFFDB60]  }
0x18b: {  	v28 =	vld [tilespmem:s29+$0xFFFFE760]  }
0x18c: {  	v24 =	vmul.f32 v24, v18;
	v29 =	vmul.f32 v29, v19;
	[tilespmem:s25+$0xFFFFF950] =	vst v25;
	v25 =	vld [tilespmem:s29+$0xFFFFF360]  }
0x18d: {  	v32 =	vmul.f32 v32, v16;
	v35 =	vld [tilespmem:s29+$0xFFFFFF60];
	v30 =	vmul.f32 v30, v17  }
0x18e: {  	v36 =	vld [tilespmem:s29+$0xFFFFDAB0];
	v34 =	vmul.f32 v34, v21  }
0x18f: {  	v24 =	vadd.f32 v29, v24;
	v37 =	vld [tilespmem:s29+$0xFFFFE6B0];
	v27 =	vmul.f32 v27, v20;
	v29 =	vadd.f32 v30, v32  }
0x190: {  	v30 =	vld [tilespmem:s29+$0xFFFFF2B0];
	v32 =	vadd.f32 v34, v33;
	v28 =	vmul.f32 v28, v15  }
0x191: {  	v33 =	vld [tilespmem:s29+$0xFFFFFEB0];
	v25 =	vmul.f32 v25, v14;
	v24 =	vadd.f32 v29, v24  }
0x192: {  	v26 =	vadd.f32 v32, v26;
	v27 =	vadd.f32 v28, v27;
	v28 =	vmul.f32 v35, v13;
	v29 =	vld [tilespmem:s23+$0xFFFFE740]  }
0x193: {  	v32 =	vmul.f32 v36, v10;
	[tilespmem:s25+$0x380] =	vst v24;
	v24 =	vld [tilespmem:s23+$0xFFFFF340]  }
0x194: {  	v34 =	vmul.f32 v37, v12;
	[tilespmem:s25+$0xFFFFFCB0] =	vst v26;
	v25 =	vadd.f32 v28, v25;
	v26 =	vld [tilespmem:s29+$0xFFFFDBE0]  }
0x195: {  	v28 =	vmul.f32 v30, v4;
	v30 =	vld [tilespmem:s29+$0xFFFFE7E0]  }
0x196: {  	v32 =	vadd.f32 v34, v32;
	v33 =	vmul.f32 v33, v6;
	v25 =	vadd.f32 v25, v27;
	v27 =	vld [tilespmem:s29+$0xFFFFF3E0]  }
0x197: {  	v34 =	vld [tilespmem:s29+$0xFFFFFFE0];
	v29 =	vmul.f32 v29, v8;
	v8 =	vmov v23  }
0x198: {  	v23 =	vadd.f32 v33, v28;
	v28 =	vld [tilespmem:s29+$0xFFFFDB10];
	[tilespmem:s25+$0x10] =	vst v25;
	v24 =	vmul.f32 v24, v7;
	v7 =	vmov v22  }
0x199: {  	v25 =	vld [tilespmem:s29+$0xFFFFE710];
	v22 =	vadd.f32 v29, v31  }
0x19a: {  	v23 =	vadd.f32 v23, v32;
	v29 =	vld [tilespmem:s29+$0xFFFFF310]  }
0x19b: {  	v26 =	vmul.f32 v26, v18;
	v30 =	vmul.f32 v30, v19;
	v31 =	vld [tilespmem:s29+$0xFFFFFF10]  }
0x19c: {  	v27 =	vmul.f32 v27, v16;
	[tilespmem:s25+$0xFFFFF960] =	vst v23;
	v23 =	vld [tilespmem:s29+$0xFFFFDB70];
	v32 =	vmul.f32 v34, v17  }
0x19d: {  	v28 =	vmul.f32 v28, v5;
	v33 =	vld [tilespmem:s29+$0xFFFFE770]  }
0x19e: {  	v26 =	vadd.f32 v30, v26;
	v25 =	vmul.f32 v25, v8;
	v34 =	vld [tilespmem:s29+$0xFFFFF370];
	v27 =	vadd.f32 v32, v27  }
0x19f: {  	v29 =	vmul.f32 v29, v7;
	v30 =	vld [tilespmem:s29+$0xFFFFFF70]  }
0x1a0: {  	v32 =	vld [tilespmem:s29+$0xFFFFDAC0];
	v25 =	vadd.f32 v25, v28;
	v28 =	vmul.f32 v31, v21;
	v26 =	vadd.f32 v27, v26  }
0x1a1: {  	v27 =	vld [tilespmem:s29+$0xFFFFE6C0];
	v23 =	vmul.f32 v23, v20  }
0x1a2: {  	v31 =	vld [tilespmem:s29+$0xFFFFF2C0];
	v28 =	vadd.f32 v28, v29;
	v29 =	vmul.f32 v33, v15;
	[tilespmem:s25+$0x390] =	vst v26  }
0x1a3: {  	v26 =	vmul.f32 v34, v14;
	v33 =	vld [tilespmem:s29+$0xFFFFDBF0]  }
0x1a4: {  	v25 =	vadd.f32 v28, v25;
	v23 =	vadd.f32 v29, v23;
	v28 =	vmul.f32 v30, v13;
	v29 =	vld [tilespmem:s29+$0xFFFFE7F0]  }
0x1a5: {  	v30 =	vmul.f32 v32, v10;
	v32 =	vld [tilespmem:s29+$0xFFFFF3F0]  }
0x1a6: {  	v27 =	vmul.f32 v27, v12;
	[tilespmem:s25+$0xFFFFFCC0] =	vst v25;
	v25 =	vadd.f32 v28, v26;
	v26 =	vld [tilespmem:s29+$0xFFFFFFF0]  }
0x1a7: {  	v28 =	vmul.f32 v31, v4;
	v31 =	vld [tilespmem:s29+$0xFFFFFEC0]  }
0x1a8: {  	v27 =	vadd.f32 v27, v30;
	v30 =	vld [tilespmem:s29+$0xFFFFDB20];
	v23 =	vadd.f32 v25, v23  }
0x1a9: {  	v25 =	vld [tilespmem:s29+$0xFFFFE720]  }
0x1aa: {  	v29 =	vmul.f32 v29, v19;
	v34 =	vld [tilespmem:s29+$0xFFFFF320];
	[tilespmem:s25+$0x20] =	vst v23;
	v23 =	vmul.f32 v33, v18  }
0x1ab: {  	v32 =	vmul.f32 v32, v16;
	v33 =	vld [tilespmem:s29+$0xFFFFFF20];
	v26 =	vmul.f32 v26, v17  }
0x1ac: {  	v31 =	vmul.f32 v31, v6;
	v35 =	vld [tilespmem:s29+$0xFFFFDB80]  }
0x1ad: {  	v23 =	vadd.f32 v29, v23;
	v30 =	vmul.f32 v30, v5;
	v36 =	vld [tilespmem:s29+$0xFFFFE780];
	v26 =	vadd.f32 v26, v32  }
0x1ae: {  	v28 =	vadd.f32 v31, v28;
	v25 =	vmul.f32 v25, v8;
	v29 =	vld [tilespmem:s29+$0xFFFFF380]  }
0x1af: {  	v31 =	vmul.f32 v34, v7;
	v32 =	vld [tilespmem:s29+$0xFFFFFF80];
	v23 =	vadd.f32 v26, v23  }
0x1b0: {  	v26 =	vadd.f32 v28, v27;
	v25 =	vadd.f32 v25, v30;
	v27 =	vmul.f32 v33, v21;
	v28 =	vld [tilespmem:s23+$0xFFFFFF40]  }
0x1b1: {  	v30 =	vmul.f32 v35, v20;
	[tilespmem:s25+$0x3A0] =	vst v23;
	v23 =	vld [tilespmem:s23+$0xFFFFDBA0]  }
0x1b2: {  	[tilespmem:s25+$0xFFFFF970] =	vst v26;
	v26 =	vadd.f32 v27, v31;
	v27 =	vmul.f32 v36, v15;
	v31 =	vld [tilespmem:s29+$0xFFFFDC00]  }
0x1b3: {  	v29 =	vmul.f32 v29, v14;
	v33 =	vld [tilespmem:s29+$0xFFFFE800]  }
0x1b4: {  	v25 =	vadd.f32 v26, v25;
	v26 =	vadd.f32 v27, v30;
	v27 =	vmul.f32 v32, v13;
	v30 =	vld [tilespmem:s29+$0xFFFFF400]  }
0x1b5: {  	v32 =	vld [tilespmem:s29+$0x0];
	v28 =	vmul.f32 v28, v9;
	v9 =	vmov v21  }
0x1b6: {  	v34 =	vld [tilespmem:s29+$0xFFFFDAD0];
	[tilespmem:s25+$0xFFFFFCD0] =	vst v25;
	v25 =	vadd.f32 v27, v29;
	v21 =	vmul.f32 v23, v11;
	v11 =	vmov v20  }
0x1b7: {  	v20 =	vld [tilespmem:s29+$0xFFFFE6D0];
	v23 =	vadd.f32 v28, v24  }
0x1b8: {  	v24 =	vld [tilespmem:s29+$0xFFFFF2D0];
	v25 =	vadd.f32 v25, v26  }
0x1b9: {  	v18 =	vmul.f32 v31, v18;
	v19 =	vmul.f32 v33, v19;
	v26 =	vld [tilespmem:s29+$0xFFFFFED0];
	v22 =	vadd.f32 v23, v22  }
0x1ba: {  	v16 =	vmul.f32 v30, v16;
	v23 =	vld [tilespmem:s29+$0xFFFFDB30];
	[tilespmem:s25+$0x30] =	vst v25;
	v17 =	vmul.f32 v32, v17  }
0x1bb: {  	v25 =	vmul.f32 v34, v10;
	v27 =	vld [tilespmem:s29+$0xFFFFE730];
	[tilespmem:s28+$0xFFFFFCF0] =	vst v22  }
0x1bc: {  	v18 =	vadd.f32 v19, v18;
	v20 =	vmul.f32 v20, v12;
	v22 =	vld [tilespmem:s29+$0xFFFFF330];
	v16 =	vadd.f32 v17, v16  }
0x1bd: {  	v17 =	vmul.f32 v24, v4;
	v19 =	vld [tilespmem:s29+$0xFFFFFF30]  }
0x1be: {  	v24 =	vadd.f32 v20, v25;
	v20 =	vmul.f32 v26, v6;
	v25 =	vld [tilespmem:s29+$0xFFFFDB90];
	v16 =	vadd.f32 v16, v18  }
0x1bf: {  	v18 =	vmul.f32 v23, v5;
	v23 =	vld [tilespmem:s29+$0xFFFFE790]  }
0x1c0: {  	v17 =	vadd.f32 v20, v17;
	v26 =	vmul.f32 v27, v8;
	v27 =	vld [tilespmem:s29+$0xFFFFF390];
	[tilespmem:s25+$0x3B0] =	vst v16  }
.Ltmp1:
0x1c1: {  	v16 =	vmul.f32 v22, v7;
	v20 =	vld [tilespmem:s29+$0xFFFFFF90];
	(pc) =	sbr.rel @p0 .LBB2_6-.Ltmp1, $4  }
0x1c2: {  	v28 =	vadd.f32 v17, v24;
	v22 =	vadd.f32 v26, v18;
	v19 =	vmul.f32 v19, v9;
	v18 =	vld [tilespmem:s23+$0xFFFFE7A0]  }
0x1c3: {  	v24 =	vmul.f32 v25, v11;
	v17 =	vld [tilespmem:s23+$0xFFFFF3A0]  }
0x1c4: {  	[tilespmem:s25+$0xFFFFF980] =	vst v28;
	v26 =	vadd.f32 v19, v16;
	v25 =	vmul.f32 v23, v15;
	v19 =	vld [tilespmem:s23+$0xFFFFFFA0];
	s23 =	smov.u32 s29  }
0x1c5: {  	v16 =	vld [tilespmem:s29+$0xFFFFDAE0];
	v23 =	vmul.f32 v27, v14  }
0x1c6: {  	v0 =	vld [tilespmem:s23+$0xFFFFE6E0];
	v22 =	vadd.f32 v26, v22;
	v20 =	vmul.f32 v20, v13  }
0x1c7: {  	v44 =	vld [tilespmem:s23+$0xFFFFF2E0]  }
0x1c8: {  	v24 =	vadd.f32 v25, v24;
	v45 =	vld [tilespmem:s23+$0xFFFFFEE0];
	[tilespmem:s25+$0xFFFFFCE0] =	vst v22;
	v20 =	vadd.f32 v20, v23  }
0x1c9: {  	v46 =	vld [tilespmem:s23+$0xFFFFDB40]  }
0x1ca: {  	v47 =	vld [tilespmem:s23+$0xFFFFE740];
	v20 =	vadd.f32 v20, v24  }
0x1cb: {  	v48 =	vld [tilespmem:s23+$0xFFFFF340]  }
0x1cc: {  	v49 =	vld [tilespmem:s23+$0xFFFFFF40];
	[tilespmem:s25+$0x40] =	vst v20  }
0x1cd: {  	v27 =	vld [tilespmem:s23+$0xFFFFDBA0]  }
0x1ce: {  	v1 =	vmul.f32 v18, v1;
	v50 =	vld [tilespmem:s23+$0xFFFFE7A0]  }
0x1cf: {  	v2 =	vmul.f32 v17, v2;
	v3 =	vmul.f32 v19, v3;
	v51 =	vld [tilespmem:s23+$0xFFFFF3A0]  }
0x1d0: {  	v1 =	vadd.f32 v1, v21;
	v10 =	vmul.f32 v16, v10;
	v0 =	vmul.f32 v0, v12;
	v52 =	vld [tilespmem:s23+$0xFFFFFFA0]  }
0x1d1: {  	v2 =	vadd.f32 v3, v2;
	v53 =	vmul.f32 v44, v4;
	v54 =	vmul.f32 v45, v6  }
0x1d2: {  	v0 =	vadd.f32 v0, v10;
	v5 =	vmul.f32 v46, v5;
	v55 =	vmul.f32 v47, v8  }
0x1d3: {  	v3 =	vadd.f32 v54, v53;
	v56 =	vmul.f32 v48, v7;
	v57 =	vmul.f32 v49, v9  }
0x1d4: {  	v1 =	vadd.f32 v2, v1;
	v58 =	vmul.f32 v27, v11;
	v59 =	vmul.f32 v50, v15  }
0x1d5: {  	s20 =	sadd.s32 $0x1, s20;
	v0 =	vadd.f32 v3, v0;
	v60 =	vmul.f32 v51, v14;
	v61 =	vmul.f32 v52, v13  }
0x1d6: {  	p0 =	sne.s32 s20, $0x4;
	v5 =	vadd.f32 v55, v5;
	v4 =	vadd.f32 v57, v56  }
.Ltmp2:
0x1d7: {  	v2 =	vadd.f32 v59, v58;
	v3 =	vadd.f32 v61, v60;
	(pc) =	sbr.rel @p0 .LBB2_3-.Ltmp2, $4  }
0x1d8: {  	[tilespmem:s28+$0x50] =	vst v1;
	v62 =	vadd.f32 v4, v5  }
0x1d9: {  	[tilespmem:s25+$0xFFFFF990] =	vst v0;
	v63 =	vadd.f32 v3, v2  }
0x1da: {  	[tilespmem:s25+$0xFFFFFCF0] =	vst v62  }
0x1db: {  	s21 =	sadd.s32 $0xC0, s21;
	s22 =	sadd.s32 $0xC0, s22;
	[tilespmem:s25+$0x50] =	vst v63  }
0x1dc: {  	_ =	swait.ge [sflag:s14], $0x3000  }
0x1dd: {  	s22 =	simm.s32 $0x0;
	[sflag:s14] =	ssyncset.done $0x0  }
0x1de: {  	s20 =	simm.s32 $0x2100;
	s21 =	simm.s32 $0x72C0;
	[sflag:s14] =	ssyncadd.s32 $0xFFFFD000  }
.LBB2_9:
0x1df: {  	v4 =	vld [tilespmem:s20+$0xFFFFE800]  }
0x1e0: {  	s0 =	sand.u32 $0x10, s22;
	v5 =	vld [tilespmem:s20+$0xFFFFF400]  }
0x1e1: {  	v12 =	vld [tilespmem:s0+$0x880]  }
0x1e2: {  	v13 =	vld [tilespmem:s0+$0x8A0]  }
0x1e3: {  	v14 =	vld [tilespmem:s0+$0x8C0]  }
0x1e4: {  	v15 =	vld [tilespmem:s0+$0x8E0]  }
0x1e5: {  	v6 =	vld [tilespmem:s20+$0x0]  }
0x1e6: {  	s28 =	sand.u32 $0xC, s22;
	v7 =	vld [tilespmem:s20+$0xC00]  }
0x1e7: {  	v1 =	vmov s28  }
0x1e8: {  	v2 =	vperm.xlane v12, v1;
	v3 =	vperm.xlane v13, v1  }
0x1e9: {  	v0 =	vperm.xlane v14, v1;
	v1 =	vperm.xlane v15, v1  }
0x1ea: {  	v4 =	vmul.f32 v4, v2;
	v5 =	vmul.f32 v5, v3  }
0x1eb: {  	v6 =	vmul.f32 v6, v0;
	v7 =	vmul.f32 v7, v1;
	_ =	sdelay $0x1  }
0x1ec: {  	v4 =	vadd.f32 v5, v4;
	v51 =	vadd.f32 v7, v6;
	_ =	sdelay $0x1  }
0x1ed: {  	v4 =	vadd.f32 v51, v4;
	_ =	sdelay $0x1  }
0x1ee: {  	[tilespmem:s21+$0xFFFFF940] =	vst v4  }
0x1ef: {  	v4 =	vld [tilespmem:s20+$0xFFFFE810]  }
0x1f0: {  	v52 =	vld [tilespmem:s20+$0xFFFFF410]  }
0x1f1: {  	v53 =	vld [tilespmem:s20+$0x10]  }
0x1f2: {  	v54 =	vld [tilespmem:s20+$0xC10];
	_ =	sdelay $0x3  }
0x1f3: {  	v4 =	vmul.f32 v4, v2;
	v5 =	vmul.f32 v52, v3  }
0x1f4: {  	v6 =	vmul.f32 v53, v0;
	v7 =	vmul.f32 v54, v1;
	_ =	sdelay $0x1  }
0x1f5: {  	v4 =	vadd.f32 v5, v4;
	v55 =	vadd.f32 v7, v6;
	_ =	sdelay $0x1  }
0x1f6: {  	v4 =	vadd.f32 v55, v4;
	_ =	sdelay $0x1  }
0x1f7: {  	[tilespmem:s21+$0xFFFFF950] =	vst v4  }
0x1f8: {  	v4 =	vld [tilespmem:s20+$0xFFFFE820]  }
0x1f9: {  	v56 =	vld [tilespmem:s20+$0xFFFFF420]  }
0x1fa: {  	v57 =	vld [tilespmem:s20+$0x20]  }
0x1fb: {  	v58 =	vld [tilespmem:s20+$0xC20];
	_ =	sdelay $0x3  }
0x1fc: {  	s29 =	sand.u32 $0xF, s22;
	v4 =	vmul.f32 v4, v2;
	v5 =	vmul.f32 v56, v3  }
0x1fd: {  	v8 =	vld [tilespmem:s20+$0xFFFFE860];
	s23 =	sadd.s32 $0x1, s29;
	s30 =	sadd.s32 $0x2, s29;
	v6 =	vmul.f32 v57, v0;
	v7 =	vmul.f32 v58, v1  }
0x1fe: {  	v9 =	vld [tilespmem:s20+$0xFFFFF460];
	v60 =	vmov s23;
	v17 =	vmov s30  }
0x1ff: {  	v10 =	vld [tilespmem:s20+$0x60];
	v4 =	vadd.f32 v5, v4;
	v59 =	vadd.f32 v7, v6;
	v6 =	vand.u32 $0xF, v60  }
0x200: {  	v11 =	vld [tilespmem:s20+$0xC60];
	v17 =	vand.u32 $0xF, v17;
	v6 =	vbroadcast v6, $0x0  }
0x201: {  	v18 =	vld [tilespmem:s20+$0xFFFFE8C0];
	v17 =	vbroadcast v17, $0x0;
	v4 =	vadd.f32 v59, v4  }
0x202: {  	v19 =	vld [tilespmem:s20+$0xFFFFF4C0];
	v5 =	vperm.xlane v12, v6;
	v7 =	vperm.xlane v13, v6  }
0x203: {  	v20 =	vld [tilespmem:s20+$0xC0];
	s0 =	sadd.s32 $0x3, s29;
	[tilespmem:s21+$0xFFFFF960] =	vst v4;
	v4 =	vperm.xlane v14, v6;
	v6 =	vperm.xlane v15, v6  }
0x204: {  	v21 =	vld [tilespmem:s20+$0xCC0];
	v25 =	vmov s0;
	v8 =	vmul.f32 v8, v5;
	v9 =	vmul.f32 v9, v7  }
0x205: {  	v24 =	vld [tilespmem:s20+$0xFFFFE920];
	v62 =	vand.u32 $0xF, v25;
	v10 =	vmul.f32 v10, v4;
	v11 =	vmul.f32 v11, v6  }
0x206: {  	v26 =	vld [tilespmem:s20+$0xFFFFF520];
	v22 =	vadd.f32 v9, v8;
	v8 =	vperm.xlane v12, v17;
	v9 =	vperm.xlane v14, v17  }
0x207: {  	v63 =	vld [tilespmem:s20+$0x120];
	v23 =	vadd.f32 v11, v10;
	v10 =	vperm.xlane v13, v17;
	v11 =	vperm.xlane v15, v17  }
0x208: {  	v27 =	vld [tilespmem:s20+$0xD20];
	v61 =	vmul.f32 v18, v8;
	v18 =	vbroadcast v62, $0x0  }
0x209: {  	v16 =	vld [tilespmem:s20+$0xFFFFE830];
	v20 =	vmul.f32 v20, v9;
	v19 =	vmul.f32 v19, v10  }
0x20a: {  	v28 =	vld [tilespmem:s20+$0xFFFFF430];
	v22 =	vadd.f32 v23, v22;
	v21 =	vmul.f32 v21, v11;
	v12 =	vperm.xlane v12, v18  }
0x20b: {  	v32 =	vld [tilespmem:s20+$0x30];
	v13 =	vperm.xlane v13, v18;
	v14 =	vperm.xlane v14, v18  }
0x20c: {  	v33 =	vld [tilespmem:s20+$0xC30];
	v15 =	vperm.xlane v15, v18;
	v17 =	vadd.f32 v19, v61;
	[tilespmem:s21+$0xFFFFFCA0] =	vst v22;
	v20 =	vadd.f32 v21, v20  }
0x20d: {  	v34 =	vld [tilespmem:s20+$0xFFFFE870];
	v35 =	vmul.f32 v24, v12;
	v36 =	vmul.f32 v26, v13  }
0x20e: {  	v37 =	vld [tilespmem:s20+$0xFFFFF470];
	v38 =	vmul.f32 v63, v14;
	v39 =	vmul.f32 v27, v15;
	v17 =	vadd.f32 v20, v17  }
0x20f: {  	v40 =	vld [tilespmem:s20+$0x70]  }
0x210: {  	v41 =	vld [tilespmem:s20+$0xC70];
	v42 =	vadd.f32 v36, v35;
	v20 =	vadd.f32 v39, v38;
	[tilespmem:s21+$0x0] =	vst v17  }
0x211: {  	v43 =	vld [tilespmem:s20+$0xFFFFE8D0]  }
0x212: {  	v16 =	vmul.f32 v16, v2;
	v44 =	vmul.f32 v28, v3;
	v45 =	vld [tilespmem:s20+$0xFFFFF4D0];
	v17 =	vadd.f32 v20, v42  }
0x213: {  	v46 =	vmul.f32 v32, v0;
	v19 =	vmul.f32 v33, v1;
	v47 =	vld [tilespmem:s20+$0xD0]  }
0x214: {  	v48 =	vld [tilespmem:s20+$0xCD0];
	v18 =	vmul.f32 v34, v5;
	v24 =	vmul.f32 v37, v7;
	[tilespmem:s21+$0x360] =	vst v17  }
0x215: {  	v49 =	vmul.f32 v40, v4;
	v50 =	vmul.f32 v41, v6;
	v51 =	vld [tilespmem:s20+$0xFFFFE930]  }
0x216: {  	v16 =	vadd.f32 v44, v16;
	v19 =	vadd.f32 v19, v46;
	v52 =	vld [tilespmem:s20+$0xFFFFF530]  }
0x217: {  	v18 =	vadd.f32 v24, v18;
	v17 =	vadd.f32 v50, v49;
	v53 =	vld [tilespmem:s20+$0x130]  }
0x218: {  	v16 =	vadd.f32 v19, v16;
	v56 =	vld [tilespmem:s20+$0xD30];
	v54 =	vmul.f32 v43, v8;
	v55 =	vmul.f32 v45, v10  }
0x219: {  	v17 =	vadd.f32 v17, v18;
	v57 =	vmul.f32 v47, v9;
	v58 =	vmul.f32 v48, v11  }
0x21a: {  	[tilespmem:s21+$0xFFFFF970] =	vst v16  }
0x21b: {  	v16 =	vld [tilespmem:s20+$0xFFFFE840];
	[tilespmem:s21+$0xFFFFFCB0] =	vst v17;
	v59 =	vadd.f32 v55, v54;
	v18 =	vadd.f32 v58, v57  }
0x21c: {  	v60 =	vld [tilespmem:s20+$0xFFFFE880];
	v61 =	vmul.f32 v51, v12;
	v20 =	vmul.f32 v52, v13  }
0x21d: {  	v62 =	vld [tilespmem:s20+$0xFFFFF480];
	v63 =	vmul.f32 v53, v14;
	v28 =	vmul.f32 v56, v15;
	v17 =	vadd.f32 v18, v59  }
0x21e: {  	v29 =	vld [tilespmem:s20+$0x80]  }
0x21f: {  	v30 =	vld [tilespmem:s20+$0xC80];
	v31 =	vadd.f32 v20, v61;
	v18 =	vadd.f32 v28, v63;
	[tilespmem:s21+$0x10] =	vst v17  }
0x220: {  	v32 =	vld [tilespmem:s20+$0xFFFFE8E0]  }
0x221: {  	v33 =	vld [tilespmem:s20+$0xFFFFF4E0];
	v17 =	vadd.f32 v18, v31  }
0x222: {  	v34 =	vld [tilespmem:s20+$0xE0]  }
0x223: {  	v36 =	vld [tilespmem:s20+$0xCE0];
	v19 =	vmul.f32 v60, v5;
	v35 =	vmul.f32 v62, v7;
	[tilespmem:s21+$0x370] =	vst v17  }
0x224: {  	v37 =	vmul.f32 v29, v4;
	v38 =	vmul.f32 v30, v6;
	v39 =	vld [tilespmem:s20+$0xFFFFE940]  }
0x225: {  	v40 =	vld [tilespmem:s20+$0xFFFFF540]  }
0x226: {  	v19 =	vadd.f32 v35, v19;
	v17 =	vadd.f32 v38, v37;
	v41 =	vld [tilespmem:s20+$0x140]  }
0x227: {  	v42 =	vld [tilespmem:s20+$0xD40];
	v20 =	vmul.f32 v32, v8;
	v21 =	vmul.f32 v33, v10  }
0x228: {  	v46 =	vld [tilespmem:s20+$0xC40];
	v17 =	vadd.f32 v17, v19;
	v18 =	vmul.f32 v34, v9;
	v44 =	vmul.f32 v36, v11  }
0x229: {  	v43 =	vld [tilespmem:s20+$0xFFFFF440]  }
0x22a: {  	v45 =	vld [tilespmem:s20+$0x40];
	[tilespmem:s21+$0xFFFFFCC0] =	vst v17;
	v47 =	vadd.f32 v21, v20;
	v18 =	vadd.f32 v44, v18  }
0x22b: {  	v48 =	vld [tilespmem:s20+$0xFFFFE890];
	v49 =	vmul.f32 v39, v12;
	v50 =	vmul.f32 v40, v13  }
0x22c: {  	v51 =	vld [tilespmem:s20+$0xFFFFF490];
	v52 =	vmul.f32 v41, v14;
	v53 =	vmul.f32 v42, v15;
	v17 =	vadd.f32 v18, v47  }
0x22d: {  	v54 =	vld [tilespmem:s20+$0x90]  }
0x22e: {  	v55 =	vld [tilespmem:s20+$0xC90];
	v56 =	vadd.f32 v50, v49;
	v18 =	vadd.f32 v53, v52;
	[tilespmem:s21+$0x20] =	vst v17  }
0x22f: {  	v57 =	vld [tilespmem:s20+$0xFFFFE8F0]  }
0x230: {  	v16 =	vmul.f32 v16, v2;
	v58 =	vmul.f32 v43, v3;
	v59 =	vld [tilespmem:s20+$0xFFFFF4F0];
	v17 =	vadd.f32 v18, v56  }
0x231: {  	v61 =	vmul.f32 v46, v1;
	v60 =	vmul.f32 v45, v0;
	v62 =	vld [tilespmem:s20+$0xF0]  }
0x232: {  	v63 =	vld [tilespmem:s20+$0xCF0];
	v19 =	vmul.f32 v48, v5;
	v25 =	vmul.f32 v51, v7;
	[tilespmem:s21+$0x380] =	vst v17  }
0x233: {  	v32 =	vmul.f32 v54, v4;
	v33 =	vmul.f32 v55, v6;
	v34 =	vld [tilespmem:s20+$0xFFFFE950]  }
0x234: {  	v16 =	vadd.f32 v58, v16;
	v18 =	vadd.f32 v61, v60;
	v35 =	vld [tilespmem:s20+$0xFFFFF550]  }
0x235: {  	v19 =	vadd.f32 v25, v19;
	v17 =	vadd.f32 v33, v32;
	v36 =	vld [tilespmem:s20+$0x150]  }
0x236: {  	v16 =	vadd.f32 v18, v16;
	v39 =	vld [tilespmem:s20+$0xD50];
	v37 =	vmul.f32 v57, v8;
	v38 =	vmul.f32 v59, v10  }
0x237: {  	v17 =	vadd.f32 v17, v19;
	v40 =	vmul.f32 v62, v9;
	v41 =	vmul.f32 v63, v11  }
0x238: {  	[tilespmem:s21+$0xFFFFF980] =	vst v16  }
0x239: {  	v16 =	vld [tilespmem:s20+$0xFFFFE850];
	[tilespmem:s21+$0xFFFFFCD0] =	vst v17;
	v42 =	vadd.f32 v38, v37;
	v43 =	vadd.f32 v41, v40  }
0x23a: {  	v44 =	vld [tilespmem:s20+$0xFFFFE8A0];
	v45 =	vmul.f32 v34, v12;
	v21 =	vmul.f32 v35, v13  }
0x23b: {  	v46 =	vld [tilespmem:s20+$0xFFFFF4A0];
	v47 =	vmul.f32 v36, v14;
	v22 =	vmul.f32 v39, v15;
	v17 =	vadd.f32 v43, v42  }
0x23c: {  	v48 =	vld [tilespmem:s20+$0xA0]  }
0x23d: {  	v49 =	vld [tilespmem:s20+$0xCA0];
	v50 =	vadd.f32 v21, v45;
	v18 =	vadd.f32 v22, v47;
	[tilespmem:s21+$0x30] =	vst v17  }
0x23e: {  	v51 =	vld [tilespmem:s20+$0xFFFFE900]  }
0x23f: {  	v52 =	vld [tilespmem:s20+$0xFFFFF500];
	v17 =	vadd.f32 v18, v50  }
0x240: {  	v53 =	vld [tilespmem:s20+$0x100]  }
0x241: {  	v55 =	vld [tilespmem:s20+$0xD00];
	v19 =	vmul.f32 v44, v5;
	v54 =	vmul.f32 v46, v7;
	[tilespmem:s21+$0x390] =	vst v17  }
0x242: {  	v56 =	vmul.f32 v48, v4;
	v57 =	vmul.f32 v49, v6;
	v58 =	vld [tilespmem:s20+$0xFFFFE960]  }
0x243: {  	v59 =	vld [tilespmem:s20+$0xFFFFF560]  }
0x244: {  	v19 =	vadd.f32 v54, v19;
	v17 =	vadd.f32 v57, v56;
	v60 =	vld [tilespmem:s20+$0x160]  }
0x245: {  	v61 =	vld [tilespmem:s20+$0xD60];
	v20 =	vmul.f32 v51, v8;
	v21 =	vmul.f32 v52, v10  }
0x246: {  	v62 =	vld [tilespmem:s20+$0xFFFFF450];
	v17 =	vadd.f32 v17, v19;
	v18 =	vmul.f32 v53, v9;
	v63 =	vmul.f32 v55, v11  }
0x247: {  	v32 =	vld [tilespmem:s20+$0x50]  }
0x248: {  	v33 =	vld [tilespmem:s20+$0xC50];
	[tilespmem:s21+$0xFFFFFCE0] =	vst v17;
	v34 =	vadd.f32 v21, v20;
	v18 =	vadd.f32 v63, v18  }
0x249: {  	v35 =	vld [tilespmem:s20+$0xFFFFE8B0];
	v36 =	vmul.f32 v58, v12;
	v37 =	vmul.f32 v59, v13  }
0x24a: {  	v38 =	vld [tilespmem:s20+$0xFFFFF4B0];
	v39 =	vmul.f32 v60, v14;
	v40 =	vmul.f32 v61, v15;
	v17 =	vadd.f32 v18, v34  }
0x24b: {  	v41 =	vld [tilespmem:s20+$0xB0]  }
0x24c: {  	v42 =	vld [tilespmem:s20+$0xCB0];
	v43 =	vadd.f32 v37, v36;
	v18 =	vadd.f32 v40, v39;
	[tilespmem:s21+$0x40] =	vst v17  }
0x24d: {  	v44 =	vld [tilespmem:s20+$0xFFFFE910]  }
0x24e: {  	v45 =	vld [tilespmem:s20+$0xFFFFF510];
	v17 =	vadd.f32 v18, v43  }
0x24f: {  	v46 =	vld [tilespmem:s20+$0x110]  }
0x250: {  	v47 =	vld [tilespmem:s20+$0xD10];
	[tilespmem:s21+$0x3A0] =	vst v17  }
0x251: {  	v17 =	vld [tilespmem:s20+$0xFFFFE970]  }
0x252: {  	v2 =	vmul.f32 v16, v2;
	v3 =	vmul.f32 v62, v3;
	v48 =	vld [tilespmem:s20+$0xFFFFF570]  }
0x253: {  	v0 =	vmul.f32 v32, v0;
	v1 =	vmul.f32 v33, v1;
	v49 =	vld [tilespmem:s20+$0x170]  }
0x254: {  	v2 =	vadd.f32 v3, v2;
	v50 =	vmul.f32 v35, v5;
	v51 =	vmul.f32 v38, v7;
	v52 =	vld [tilespmem:s20+$0xD70]  }
0x255: {  	v0 =	vadd.f32 v1, v0;
	v53 =	vmul.f32 v41, v4;
	v54 =	vmul.f32 v42, v6  }
0x256: {  	v3 =	vadd.f32 v51, v50;
	v55 =	vmul.f32 v44, v8;
	v56 =	vmul.f32 v45, v10  }
0x257: {  	v1 =	vadd.f32 v54, v53;
	v57 =	vmul.f32 v46, v9;
	v58 =	vmul.f32 v47, v11  }
0x258: {  	v0 =	vadd.f32 v0, v2;
	v59 =	vmul.f32 v17, v12;
	v60 =	vmul.f32 v48, v13  }
0x259: {  	v1 =	vadd.f32 v1, v3;
	v61 =	vmul.f32 v49, v14;
	v7 =	vmul.f32 v52, v15  }
0x25a: {  	p0 =	slt.u32 s22, $0x1C;
	v5 =	vadd.f32 v56, v55;
	v4 =	vadd.f32 v58, v57  }
.Ltmp3:
0x25b: {  	v2 =	vadd.f32 v60, v59;
	v3 =	vadd.f32 v7, v61;
	(pc) =	sbr.rel @p0 .LBB2_9-.Ltmp3, $4  }
0x25c: {  	[tilespmem:s21+$0xFFFFF990] =	vst v0;
	v62 =	vadd.f32 v4, v5  }
0x25d: {  	[tilespmem:s21+$0xFFFFFCF0] =	vst v1;
	v63 =	vadd.f32 v3, v2  }
0x25e: {  	s31 =	sadd.s32 $0x4, s22;
	[tilespmem:s21+$0x50] =	vst v62  }
0x25f: {  	s22 =	smov.u32 s31;
	s20 =	sadd.s32 $0x180, s20;
	[tilespmem:s21+$0x3B0] =	vst v63;
	s21 =	sadd.s32 $0xD80, s21  }
0x260: {  	s0 =	smul.u32 $0xD80, s19;
	s18 =	sadd.s32 $0x1, s18  }
0x261: {  	p0 =	sne.s32 s18, $0x31  }
.Ltmp4:
0x262: {  	s0 =	sadd.s32 s6, s0;
	(pc) =	sbr.rel @p0 .LBB2_2-.Ltmp4, $4  }
0x263: {  	[hbm4b:s0+s2] =	stream.linear.scatter [tilespmem:s16], [sflag:$0x3], $0x6C00, $0x38;
	[tilespmem:$0xD500] =	vst v63  }
0x264: {  	_ =	swait.ge [sflag:s9], $0x6C00  }
0x265: {  	[sflag:s9] =	ssyncset.done $0x0  }
0x266: {  	[sflag:s9] =	ssyncadd.s32 $0xFFFF9400  }
0x267: {  	s17 =	sadd.s32 $0x1, s17  }
0x268: {  	p0 =	sne.s32 s17, s8  }
.Ltmp5:
0x269: {  	_ = 	snop;
	(pc) =	sbr.rel @p0 .LBB2_1-.Ltmp5, $1  }
0x26a: {  	_ =	sdelay $0x3  }
0x26b: {  	_ =	sfence.sel $0x180000  }
0x26c: {  	[bflag:$0x0] =	sbarrier.arrive $0xFFFF  }
0x26d: {  	_ =	strace $0x90000047  }
0x26e: {  	[bflag:$0x2] =	sbarrier.arrive $0xFFFF  }
0x26f: {  	p0 =	sne.s32 s3, $0x0;
	s0 =	rddreg [dreg:$0x2]  }
0x270: {  	s0 =	sadd.s32 @!p0 $0x100000, s0  }
0x271: {  	[sflag:s0] =	ssyncadd.tile.s32 @!p0 $0x1;
	_ =	shalt  }
.Lfunc_end2:
_tile_overlayer_lowered:
.L_overlay_start_2:
0x272: {  	(tag) =	ssettag $0x2  }
0x273: {  	s0 =	rddreg [dreg:$0x0];
	s2 =	stileid.u32  }
0x274: {  	s1 =	rddreg [dreg:$0x1];
	p0 =	sne.s32 s2, $0x0  }
0x275: {  	s3 =	rddreg [dreg:$0x2];
	[bflag:$0x3] =	sbarrier.arrive $0xFFFF;
	s2 =	simm.s32 @!p0 $0x1C03  }
0x276: {  	[timem:s3], [sflag:s2] =	dma.local @!p0 [hbm:s0], s1  }
0x277: {  	s0 =	simm.s32 @!p0 $0x3  }
0x278: {  	_ =	swait.ge @!p0 [sflag:s0], s1  }
0x279: {  	s1 =	ssub.s32 @!p0 $0x0, s1;
	[sflag:s0] =	ssyncset.done @!p0 $0x0  }
0x27a: {  	[sflag:s0] =	ssyncadd.s32 @!p0 s1  }
0x27b: {  	[bflag:$0x3] =	sbarrier.arrive $0xFFFF  }
0x27c: {  	_ =	shalt  }

</sc_bundles>
